<compile_context>
chip_gen: v7x
topology: tpu7x:2x2x1
jax: 0.10.2.dev20260603
libtpu: 0.0.44.dev20260713+nightly
codegen_flags: <defaults>
</compile_context>

<pallas_src>
import functools

import jax
import jax.numpy as jnp
from jax import lax
from jax.experimental import pallas as pl
from jax.experimental.pallas import tpu as pltpu
from jax.experimental.pallas import tpu_sc as plsc

N = 10000
D = 128
E = 320000
NUM_LAYERS = 3

NC = 2
NS = 16
NW = NC * NS
EPT = E // NW
K = 40
NCHUNK = EPT // K
NBUF = 5
RPT = N // NS

_mesh = plsc.VectorSubcoreMesh(
    core_axis_name="c", subcore_axis_name="s", num_cores=NC, num_subcores=NS)

_sc_params = pltpu.CompilerParams(
    use_tc_tiling_on_sc=False, needs_layout_passes=False)


@functools.partial(
    pl.kernel,
    out_type=jax.ShapeDtypeStruct((NC, N, 16), jnp.float32),
    mesh=_mesh,
    scratch_types=[
        pltpu.VMEM_SHARED((N, 16), jnp.float32),
        pltpu.VMEM((NCHUNK, K), jnp.int32),
        pltpu.VMEM((K, 16), jnp.float32),
        pltpu.SemaphoreType.DMA,
    ],
    compiler_params=_sc_params,
)
def _deg_sc(col_hbm, z16_hbm, deg_hbm, acc, cidx, ones, sem):
    c = lax.axis_index("c")
    s = lax.axis_index("s")
    tid = c * NS + s

    pltpu.sync_copy(col_hbm.at[tid], cidx)

    ones16 = jnp.full((16,), 1.0, jnp.float32)

    def fill(i, _):
        ones[i, :] = ones16
        return 0
    lax.fori_loop(0, K, fill, 0)

    pltpu.sync_copy(z16_hbm, acc.at[pl.ds(s * RPT, RPT)])
    plsc.subcore_barrier()

    def chunk(j, _):
        pltpu.async_copy(ones, acc.at[cidx.at[j]], sem, add=True)
        return 0
    lax.fori_loop(0, NCHUNK, chunk, 0)

    def drain(j, _):
        pltpu.make_async_copy(ones, acc.at[cidx.at[j]], sem).wait()
        return 0
    lax.fori_loop(0, NCHUNK, drain, 0)

    plsc.subcore_barrier()
    pltpu.sync_copy(acc.at[pl.ds(s * RPT, RPT)],
                    deg_hbm.at[c, pl.ds(s * RPT, RPT)])


@functools.partial(
    pl.kernel,
    out_type=jax.ShapeDtypeStruct((NC, N, D), jnp.float32),
    mesh=_mesh,
    scratch_types=[
        pltpu.VMEM_SHARED((N, D), jnp.float32),
        pltpu.VMEM((NCHUNK, K), jnp.int32),
        pltpu.VMEM((NCHUNK, K), jnp.int32),
        [pltpu.VMEM((K, D), jnp.float32) for _ in range(NBUF)],
        [pltpu.SemaphoreType.DMA for _ in range(NBUF)],
        [pltpu.SemaphoreType.DMA for _ in range(NBUF)],
    ],
    compiler_params=_sc_params,
)
def _layer_sc(s_hbm, row_hbm, col_hbm, z_hbm, q_hbm, acc, ridx, cidx, bufs,
              gsems, ssems):
    c = lax.axis_index("c")
    s = lax.axis_index("s")
    tid = c * NS + s

    pltpu.sync_copy(row_hbm.at[tid], ridx)
    pltpu.sync_copy(col_hbm.at[tid], cidx)

    def gather_wait(j, b):
        pltpu.make_async_copy(s_hbm.at[ridx.at[j]], bufs[b], gsems[b]).wait()

    def scatter_wait(j, b):
        pltpu.make_async_copy(bufs[b], acc.at[cidx.at[j]], ssems[b]).wait()

    for b in range(NBUF):
        pltpu.async_copy(s_hbm.at[ridx.at[b]], bufs[b], gsems[b])

    pltpu.sync_copy(z_hbm, acc.at[pl.ds(s * RPT, RPT)])
    plsc.subcore_barrier()

    def body(t, _):
        for b in range(NBUF):
            j = t * NBUF + b
            gather_wait(j, b)
            pltpu.async_copy(bufs[b], acc.at[cidx.at[j]], ssems[b], add=True)
        for b in range(NBUF):
            jn = (t + 1) * NBUF + b

            @pl.when(jn < NCHUNK)
            def _():
                scatter_wait(t * NBUF + b, b)
                pltpu.async_copy(s_hbm.at[ridx.at[jn]], bufs[b], gsems[b])
        return 0
    lax.fori_loop(0, NCHUNK // NBUF, body, 0)

    for b in range(NBUF):
        scatter_wait(NCHUNK - NBUF + b, b)

    plsc.subcore_barrier()
    pltpu.sync_copy(acc.at[pl.ds(s * RPT, RPT)],
                    q_hbm.at[c, pl.ds(s * RPT, RPT)])


_BLK = 2000


def _prep_body(p0_ref, p1_ref, x_ref, dis_ref, s_ref):
    deg = p0_ref[:, 0:1] + p1_ref[:, 0:1]
    dis = jnp.where(deg > 0.0, 1.0 / jnp.sqrt(deg), 0.0)
    dis_ref[...] = jnp.broadcast_to(dis, (_BLK, 16))
    s_ref[...] = jnp.broadcast_to(dis, (_BLK, D)) * x_ref[...]


def _prep_tc(p0, p1, x0):
    return pl.pallas_call(
        _prep_body,
        grid=(N // _BLK,),
        in_specs=[
            pl.BlockSpec((_BLK, 16), lambda i: (i, 0)),
            pl.BlockSpec((_BLK, 16), lambda i: (i, 0)),
            pl.BlockSpec((_BLK, D), lambda i: (i, 0)),
        ],
        out_specs=[
            pl.BlockSpec((_BLK, 16), lambda i: (i, 0)),
            pl.BlockSpec((_BLK, D), lambda i: (i, 0)),
        ],
        out_shape=[
            jax.ShapeDtypeStruct((N, 16), jnp.float32),
            jax.ShapeDtypeStruct((N, D), jnp.float32),
        ],
    )(p0, p1, x0)


def _combine_body(q0_ref, q1_ref, dis_ref, acc_ref, accn_ref, sn_ref):
    dis_b = jnp.broadcast_to(dis_ref[:, 0:1], (_BLK, D))
    x_next = dis_b * (q0_ref[...] + q1_ref[...])
    accn_ref[...] = acc_ref[...] + x_next
    sn_ref[...] = dis_b * x_next


def _combine_tc(q0, q1, dis16, acc):
    blk = pl.BlockSpec((_BLK, D), lambda i: (i, 0))
    blk16 = pl.BlockSpec((_BLK, 16), lambda i: (i, 0))
    return pl.pallas_call(
        _combine_body,
        grid=(N // _BLK,),
        in_specs=[blk, blk, blk16, blk],
        out_specs=[blk, blk],
        out_shape=[
            jax.ShapeDtypeStruct((N, D), jnp.float32),
            jax.ShapeDtypeStruct((N, D), jnp.float32),
        ],
    )(q0, q1, dis16, acc)


def _final_body(q0_ref, q1_ref, dis_ref, acc_ref, out_ref):
    dis_b = jnp.broadcast_to(dis_ref[:, 0:1], (_BLK, D))
    x_next = dis_b * (q0_ref[...] + q1_ref[...])
    out_ref[...] = (acc_ref[...] + x_next) * (1.0 / (NUM_LAYERS + 1))


def _final_tc(q0, q1, dis16, acc):
    blk = pl.BlockSpec((_BLK, D), lambda i: (i, 0))
    blk16 = pl.BlockSpec((_BLK, 16), lambda i: (i, 0))
    return pl.pallas_call(
        _final_body,
        grid=(N // _BLK,),
        in_specs=[blk, blk, blk16, blk],
        out_specs=blk,
        out_shape=jax.ShapeDtypeStruct((N, D), jnp.float32),
    )(q0, q1, dis16, acc)


def kernel(embedding_weight, edge_index_mp):
    x0 = embedding_weight
    row = edge_index_mp[0].reshape(NW, NCHUNK, K)
    col = edge_index_mp[1].reshape(NW, NCHUNK, K)
    z16 = jnp.zeros((RPT, 16), jnp.float32)
    z = jnp.zeros((RPT, D), jnp.float32)

    degq = _deg_sc(col, z16)
    dis16, s = _prep_tc(degq[0], degq[1], x0)
    acc = x0
    for l in range(NUM_LAYERS):
        q = _layer_sc(s, row, col, z)
        if l < NUM_LAYERS - 1:
            acc, s = _combine_tc(q[0], q[1], dis16, acc)
        else:
            out = _final_tc(q[0], q[1], dis16, acc)
    return out

# --- scband reference (transcript-rebuilt; emitter-appended) ---
"""Pipeline reference for scband-gnn-21131239097124 (READ-ONLY COPY).

The authoritative reference and input builder live on the scoring server;
editing this copy changes nothing except your own understanding.
"""

import jax, jax.numpy as jnp
import numpy as np

NUM_NODES = 10000
EMBED_DIM = 128
NUM_EDGES = 320000
NUM_LAYERS = 3


def setup_inputs(seed: int = 0) -> dict:
    key = jax.random.key(seed)
    k1, k2 = jax.random.split(key)
    # Learned parameter: embedding table, init normal std=0.1 (matches torch.nn.init.normal_(std=0.1))
    embedding_weight = 0.1 * jax.random.normal(k1, (NUM_NODES, EMBED_DIM), dtype=jnp.float32)
    edge_index_mp = jax.random.randint(k2, (2, NUM_EDGES), 0, NUM_NODES, dtype=jnp.int32)
    return {"embedding_weight": embedding_weight, "edge_index_mp": edge_index_mp}


def _lightgcn_layer(x, row, col, num_nodes):
    # degree(col): in-degree counts via scatter-add
    deg = jnp.zeros((num_nodes,), dtype=x.dtype).at[col].add(1.0)
    deg_inv_sqrt = jnp.power(deg, -0.5)
    deg_inv_sqrt = jnp.where(jnp.isinf(deg_inv_sqrt), 0.0, deg_inv_sqrt)
    norm = deg_inv_sqrt[row] * deg_inv_sqrt[col]
    # message: norm * x_j (gather on source nodes), aggr='add' at destination (col)
    msg = norm[:, None] * jnp.take(x, row, axis=0)
    out = jnp.zeros_like(x).at[col].add(msg)
    return out


def reference(embedding_weight, edge_index_mp):
    # GNN.gnn_propagation
    row = edge_index_mp[0]
    col = edge_index_mp[1]
    num_nodes = embedding_weight.shape[0]
    x = embedding_weight
    x_at_each_layer = [x]
    for _ in range(NUM_LAYERS):
        x = _lightgcn_layer(x, row, col, num_nodes)
        x_at_each_layer.append(x)
    final_embs = jnp.stack(x_at_each_layer, axis=0).mean(axis=0)
    return final_embs

if __name__ == "__main__":
    import jax
    _d = setup_inputs()
    print(jax.jit(kernel)(*tuple(_d.values())))

</pallas_src>

<mosaic_0001>
#map = affine_map<(d0, d1) -> (0, 0)>
#map1 = affine_map<(d0, d1) -> (0, 0, 0)>
module attributes {stable_mosaic.version = 14 : i64} {
  func.func @_layer_sc(%arg0: i32, %arg1: i32, %arg2: memref<10000x128xf32, #tpu.memory_space<hbm>>, %arg3: memref<32x250x40xi32, #tpu.memory_space<hbm>>, %arg4: memref<32x250x40xi32, #tpu.memory_space<hbm>>, %arg5: memref<625x128xf32, #tpu.memory_space<hbm>>, %arg6: memref<2x10000x128xf32, #tpu.memory_space<hbm>>, %arg7: memref<10000x128xf32, #tpu.memory_space<vmem_shared>>, %arg8: memref<250x40xi32, #tpu.memory_space<vmem>>, %arg9: memref<250x40xi32, #tpu.memory_space<vmem>>, %arg10: memref<40x128xf32, #tpu.memory_space<vmem>>, %arg11: memref<40x128xf32, #tpu.memory_space<vmem>>, %arg12: memref<40x128xf32, #tpu.memory_space<vmem>>, %arg13: memref<40x128xf32, #tpu.memory_space<vmem>>, %arg14: memref<40x128xf32, #tpu.memory_space<vmem>>, %arg15: memref<!tpu.dma_semaphore, #tpu.memory_space<semaphore_mem>>, %arg16: memref<!tpu.dma_semaphore, #tpu.memory_space<semaphore_mem>>, %arg17: memref<!tpu.dma_semaphore, #tpu.memory_space<semaphore_mem>>, %arg18: memref<!tpu.dma_semaphore, #tpu.memory_space<semaphore_mem>>, %arg19: memref<!tpu.dma_semaphore, #tpu.memory_space<semaphore_mem>>, %arg20: memref<!tpu.dma_semaphore, #tpu.memory_space<semaphore_mem>>, %arg21: memref<!tpu.dma_semaphore, #tpu.memory_space<semaphore_mem>>, %arg22: memref<!tpu.dma_semaphore, #tpu.memory_space<semaphore_mem>>, %arg23: memref<!tpu.dma_semaphore, #tpu.memory_space<semaphore_mem>>, %arg24: memref<!tpu.dma_semaphore, #tpu.memory_space<semaphore_mem>>) attributes {dimension_semantics = [#tpu.dimension_semantics<core_parallel>, #tpu.dimension_semantics<subcore_parallel>], iteration_bounds = array<i64: 2, 16>, scalar_prefetch = 0 : i64, scratch_operands = 18 : i64, tpu.core_type = #tpu.core_type<sc_vector_subcore>, window_params = [{transform_indices = #map}, {transform_indices = #map1}, {transform_indices = #map1}, {transform_indices = #map}, {transform_indices = #map1}]} {
    %mul3A = arith.constant 16 : i32
    %mul3A_0 = arith.muli %arg0, %mul3A : i32
    %add3A = arith.addi %mul3A_0, %arg1 : i32
    "tpu.region"() ({
      %run_scoped3A = tpu.sem_alloc : memref<!tpu.dma_semaphore, #tpu.memory_space<semaphore_mem>>
      %dma_start3A_82 = arith.constant 0 : i32
      %dma_start3A_83 = arith.constant 0 : i32
      %dma_start3A_84 = tpu.memref_slice %arg3[%add3A, %dma_start3A_82, %dma_start3A_83] : memref<32x250x40xi32, #tpu.memory_space<hbm>> -> memref<1x250x40xi32, #tpu.memory_space<hbm>>
      %dma_start3A_85 = tpu.memref_squeeze %dma_start3A_84 : memref<1x250x40xi32, #tpu.memory_space<hbm>> -> memref<250x40xi32, #tpu.memory_space<hbm>>
      %dma_start3A_86 = arith.constant 0 : i32
      %dma_start3A_87 = arith.constant 0 : i32
      %dma_start3A_88 = tpu.memref_slice %arg3[%add3A, %dma_start3A_86, %dma_start3A_87] : memref<32x250x40xi32, #tpu.memory_space<hbm>> -> memref<1x250x40xi32, #tpu.memory_space<hbm>>
      %dma_start3A_89 = tpu.memref_squeeze %dma_start3A_88 : memref<1x250x40xi32, #tpu.memory_space<hbm>> -> memref<250x40xi32, #tpu.memory_space<hbm>>
      tpu.enqueue_dma source(%dma_start3A_89 : memref<250x40xi32, #tpu.memory_space<hbm>>) target(%arg8 : memref<250x40xi32, #tpu.memory_space<vmem>>) target_semaphore(%run_scoped3A : memref<!tpu.dma_semaphore, #tpu.memory_space<semaphore_mem>>)
      %dma_wait3A_90 = arith.constant 0 : i32
      %dma_wait3A_91 = arith.constant 0 : i32
      %dma_wait3A_92 = tpu.memref_slice %arg3[%add3A, %dma_wait3A_90, %dma_wait3A_91] : memref<32x250x40xi32, #tpu.memory_space<hbm>> -> memref<1x250x40xi32, #tpu.memory_space<hbm>>
      %dma_wait3A_93 = tpu.memref_squeeze %dma_wait3A_92 : memref<1x250x40xi32, #tpu.memory_space<hbm>> -> memref<250x40xi32, #tpu.memory_space<hbm>>
      %dma_wait3A_94 = arith.constant 0 : i32
      %dma_wait3A_95 = arith.constant 0 : i32
      %dma_wait3A_96 = tpu.memref_slice %arg3[%add3A, %dma_wait3A_94, %dma_wait3A_95] : memref<32x250x40xi32, #tpu.memory_space<hbm>> -> memref<1x250x40xi32, #tpu.memory_space<hbm>>
      %dma_wait3A_97 = tpu.memref_squeeze %dma_wait3A_96 : memref<1x250x40xi32, #tpu.memory_space<hbm>> -> memref<250x40xi32, #tpu.memory_space<hbm>>
      tpu.wait_dma2 semaphore(%run_scoped3A : memref<!tpu.dma_semaphore, #tpu.memory_space<semaphore_mem>>) src(%dma_wait3A_97 : memref<250x40xi32, #tpu.memory_space<hbm>>) dst(%arg8 : memref<250x40xi32, #tpu.memory_space<vmem>>)
      tpu.yield
    }) : () -> ()
    "tpu.region"() ({
      %run_scoped3A = tpu.sem_alloc : memref<!tpu.dma_semaphore, #tpu.memory_space<semaphore_mem>>
      %dma_start3A_82 = arith.constant 0 : i32
      %dma_start3A_83 = arith.constant 0 : i32
      %dma_start3A_84 = tpu.memref_slice %arg4[%add3A, %dma_start3A_82, %dma_start3A_83] : memref<32x250x40xi32, #tpu.memory_space<hbm>> -> memref<1x250x40xi32, #tpu.memory_space<hbm>>
      %dma_start3A_85 = tpu.memref_squeeze %dma_start3A_84 : memref<1x250x40xi32, #tpu.memory_space<hbm>> -> memref<250x40xi32, #tpu.memory_space<hbm>>
      %dma_start3A_86 = arith.constant 0 : i32
      %dma_start3A_87 = arith.constant 0 : i32
      %dma_start3A_88 = tpu.memref_slice %arg4[%add3A, %dma_start3A_86, %dma_start3A_87] : memref<32x250x40xi32, #tpu.memory_space<hbm>> -> memref<1x250x40xi32, #tpu.memory_space<hbm>>
      %dma_start3A_89 = tpu.memref_squeeze %dma_start3A_88 : memref<1x250x40xi32, #tpu.memory_space<hbm>> -> memref<250x40xi32, #tpu.memory_space<hbm>>
      tpu.enqueue_dma source(%dma_start3A_89 : memref<250x40xi32, #tpu.memory_space<hbm>>) target(%arg9 : memref<250x40xi32, #tpu.memory_space<vmem>>) target_semaphore(%run_scoped3A : memref<!tpu.dma_semaphore, #tpu.memory_space<semaphore_mem>>)
      %dma_wait3A_90 = arith.constant 0 : i32
      %dma_wait3A_91 = arith.constant 0 : i32
      %dma_wait3A_92 = tpu.memref_slice %arg4[%add3A, %dma_wait3A_90, %dma_wait3A_91] : memref<32x250x40xi32, #tpu.memory_space<hbm>> -> memref<1x250x40xi32, #tpu.memory_space<hbm>>
      %dma_wait3A_93 = tpu.memref_squeeze %dma_wait3A_92 : memref<1x250x40xi32, #tpu.memory_space<hbm>> -> memref<250x40xi32, #tpu.memory_space<hbm>>
      %dma_wait3A_94 = arith.constant 0 : i32
      %dma_wait3A_95 = arith.constant 0 : i32
      %dma_wait3A_96 = tpu.memref_slice %arg4[%add3A, %dma_wait3A_94, %dma_wait3A_95] : memref<32x250x40xi32, #tpu.memory_space<hbm>> -> memref<1x250x40xi32, #tpu.memory_space<hbm>>
      %dma_wait3A_97 = tpu.memref_squeeze %dma_wait3A_96 : memref<1x250x40xi32, #tpu.memory_space<hbm>> -> memref<250x40xi32, #tpu.memory_space<hbm>>
      tpu.wait_dma2 semaphore(%run_scoped3A : memref<!tpu.dma_semaphore, #tpu.memory_space<semaphore_mem>>) src(%dma_wait3A_97 : memref<250x40xi32, #tpu.memory_space<hbm>>) dst(%arg9 : memref<250x40xi32, #tpu.memory_space<vmem>>)
      tpu.yield
    }) : () -> ()
    %dma_start3A = arith.constant 0 : i32
    %dma_start3A_1 = arith.constant 0 : i32
    %dma_start3A_2 = tpu.memref_slice %arg8[%dma_start3A, %dma_start3A_1] : memref<250x40xi32, #tpu.memory_space<vmem>> -> memref<1x40xi32, #tpu.memory_space<vmem>>
    %dma_start3A_3 = tpu.memref_squeeze %dma_start3A_2 : memref<1x40xi32, #tpu.memory_space<vmem>> -> memref<40xi32, #tpu.memory_space<vmem>>
    %dma_start3A_4 = arith.constant 0 : i32
    %dma_start3A_5 = arith.constant 0 : i32
    %dma_start3A_6 = tpu.memref_slice %arg2[%dma_start3A_4, %dma_start3A_5] : memref<10000x128xf32, #tpu.memory_space<hbm>> -> memref<10000x128xf32, #tpu.memory_space<hbm>>
    tpu.enqueue_indirect_dma source(%dma_start3A_6 : memref<10000x128xf32, #tpu.memory_space<hbm>>) target(%arg10 : memref<40x128xf32, #tpu.memory_space<vmem>>) offsets(%dma_start3A_3 : memref<40xi32, #tpu.memory_space<vmem>>) semaphore(%arg15 : memref<!tpu.dma_semaphore, #tpu.memory_space<semaphore_mem>>)
    %dma_start3A_7 = arith.constant 1 : i32
    %dma_start3A_8 = arith.constant 0 : i32
    %dma_start3A_9 = tpu.memref_slice %arg8[%dma_start3A_7, %dma_start3A_8] : memref<250x40xi32, #tpu.memory_space<vmem>> -> memref<1x40xi32, #tpu.memory_space<vmem>>
    %dma_start3A_10 = tpu.memref_squeeze %dma_start3A_9 : memref<1x40xi32, #tpu.memory_space<vmem>> -> memref<40xi32, #tpu.memory_space<vmem>>
    %dma_start3A_11 = arith.constant 0 : i32
    %dma_start3A_12 = arith.constant 0 : i32
    %dma_start3A_13 = tpu.memref_slice %arg2[%dma_start3A_11, %dma_start3A_12] : memref<10000x128xf32, #tpu.memory_space<hbm>> -> memref<10000x128xf32, #tpu.memory_space<hbm>>
    tpu.enqueue_indirect_dma source(%dma_start3A_13 : memref<10000x128xf32, #tpu.memory_space<hbm>>) target(%arg11 : memref<40x128xf32, #tpu.memory_space<vmem>>) offsets(%dma_start3A_10 : memref<40xi32, #tpu.memory_space<vmem>>) semaphore(%arg16 : memref<!tpu.dma_semaphore, #tpu.memory_space<semaphore_mem>>)
    %dma_start3A_14 = arith.constant 2 : i32
    %dma_start3A_15 = arith.constant 0 : i32
    %dma_start3A_16 = tpu.memref_slice %arg8[%dma_start3A_14, %dma_start3A_15] : memref<250x40xi32, #tpu.memory_space<vmem>> -> memref<1x40xi32, #tpu.memory_space<vmem>>
    %dma_start3A_17 = tpu.memref_squeeze %dma_start3A_16 : memref<1x40xi32, #tpu.memory_space<vmem>> -> memref<40xi32, #tpu.memory_space<vmem>>
    %dma_start3A_18 = arith.constant 0 : i32
    %dma_start3A_19 = arith.constant 0 : i32
    %dma_start3A_20 = tpu.memref_slice %arg2[%dma_start3A_18, %dma_start3A_19] : memref<10000x128xf32, #tpu.memory_space<hbm>> -> memref<10000x128xf32, #tpu.memory_space<hbm>>
    tpu.enqueue_indirect_dma source(%dma_start3A_20 : memref<10000x128xf32, #tpu.memory_space<hbm>>) target(%arg12 : memref<40x128xf32, #tpu.memory_space<vmem>>) offsets(%dma_start3A_17 : memref<40xi32, #tpu.memory_space<vmem>>) semaphore(%arg17 : memref<!tpu.dma_semaphore, #tpu.memory_space<semaphore_mem>>)
    %dma_start3A_21 = arith.constant 3 : i32
    %dma_start3A_22 = arith.constant 0 : i32
    %dma_start3A_23 = tpu.memref_slice %arg8[%dma_start3A_21, %dma_start3A_22] : memref<250x40xi32, #tpu.memory_space<vmem>> -> memref<1x40xi32, #tpu.memory_space<vmem>>
    %dma_start3A_24 = tpu.memref_squeeze %dma_start3A_23 : memref<1x40xi32, #tpu.memory_space<vmem>> -> memref<40xi32, #tpu.memory_space<vmem>>
    %dma_start3A_25 = arith.constant 0 : i32
    %dma_start3A_26 = arith.constant 0 : i32
    %dma_start3A_27 = tpu.memref_slice %arg2[%dma_start3A_25, %dma_start3A_26] : memref<10000x128xf32, #tpu.memory_space<hbm>> -> memref<10000x128xf32, #tpu.memory_space<hbm>>
    tpu.enqueue_indirect_dma source(%dma_start3A_27 : memref<10000x128xf32, #tpu.memory_space<hbm>>) target(%arg13 : memref<40x128xf32, #tpu.memory_space<vmem>>) offsets(%dma_start3A_24 : memref<40xi32, #tpu.memory_space<vmem>>) semaphore(%arg18 : memref<!tpu.dma_semaphore, #tpu.memory_space<semaphore_mem>>)
    %dma_start3A_28 = arith.constant 4 : i32
    %dma_start3A_29 = arith.constant 0 : i32
    %dma_start3A_30 = tpu.memref_slice %arg8[%dma_start3A_28, %dma_start3A_29] : memref<250x40xi32, #tpu.memory_space<vmem>> -> memref<1x40xi32, #tpu.memory_space<vmem>>
    %dma_start3A_31 = tpu.memref_squeeze %dma_start3A_30 : memref<1x40xi32, #tpu.memory_space<vmem>> -> memref<40xi32, #tpu.memory_space<vmem>>
    %dma_start3A_32 = arith.constant 0 : i32
    %dma_start3A_33 = arith.constant 0 : i32
    %dma_start3A_34 = tpu.memref_slice %arg2[%dma_start3A_32, %dma_start3A_33] : memref<10000x128xf32, #tpu.memory_space<hbm>> -> memref<10000x128xf32, #tpu.memory_space<hbm>>
    tpu.enqueue_indirect_dma source(%dma_start3A_34 : memref<10000x128xf32, #tpu.memory_space<hbm>>) target(%arg14 : memref<40x128xf32, #tpu.memory_space<vmem>>) offsets(%dma_start3A_31 : memref<40xi32, #tpu.memory_space<vmem>>) semaphore(%arg19 : memref<!tpu.dma_semaphore, #tpu.memory_space<semaphore_mem>>)
    %mul3A_35 = arith.constant 625 : i32
    %mul3A_36 = arith.muli %arg1, %mul3A_35 : i32
    "tpu.region"() ({
      %run_scoped3A = tpu.sem_alloc : memref<!tpu.dma_semaphore, #tpu.memory_space<semaphore_mem>>
      %dma_start3A_82 = arith.constant 0 : i32
      %dma_start3A_83 = tpu.memref_slice %arg7[%mul3A_36, %dma_start3A_82] : memref<10000x128xf32, #tpu.memory_space<vmem_shared>> -> memref<625x128xf32, #tpu.memory_space<vmem_shared>>
      tpu.enqueue_dma source(%arg5 : memref<625x128xf32, #tpu.memory_space<hbm>>) target(%dma_start3A_83 : memref<625x128xf32, #tpu.memory_space<vmem_shared>>) target_semaphore(%run_scoped3A : memref<!tpu.dma_semaphore, #tpu.memory_space<semaphore_mem>>)
      %dma_wait3A_84 = arith.constant 0 : i32
      %dma_wait3A_85 = tpu.memref_slice %arg7[%mul3A_36, %dma_wait3A_84] : memref<10000x128xf32, #tpu.memory_space<vmem_shared>> -> memref<625x128xf32, #tpu.memory_space<vmem_shared>>
      tpu.wait_dma2 semaphore(%run_scoped3A : memref<!tpu.dma_semaphore, #tpu.memory_space<semaphore_mem>>) src(%arg5 : memref<625x128xf32, #tpu.memory_space<hbm>>) dst(%dma_wait3A_85 : memref<625x128xf32, #tpu.memory_space<vmem_shared>>)
      tpu.yield
    }) : () -> ()
    %barrier3A = arith.constant 0 : index
    tpu.barrier barrier_id(%barrier3A)
    %scan3A = arith.constant 0 : i32
    %scan3A_37 = arith.constant 0 : i32
    %scan3A_38 = arith.constant 50 : i32
    %scan3A_39 = arith.addi %scan3A_37, %scan3A_38 : i32
    %scan3A_40 = arith.constant 1 : i32
    %scan3A_41 = scf.for %scan3A_82 = %scan3A_37 to %scan3A_39 step %scan3A_40 iter_args(%scan3A_83 = %scan3A) -> (i32)  : i32 {
      %mul3A_84 = arith.constant 5 : i32
      %mul3A_85 = arith.muli %scan3A_82, %mul3A_84 : i32
      %add3A_86 = arith.constant 0 : i32
      %add3A_87 = arith.addi %mul3A_85, %add3A_86 : i32
      %dma_wait3A_88 = arith.constant 0 : i32
      %dma_wait3A_89 = tpu.memref_slice %arg8[%add3A_87, %dma_wait3A_88] : memref<250x40xi32, #tpu.memory_space<vmem>> -> memref<1x40xi32, #tpu.memory_space<vmem>>
      %dma_wait3A_90 = tpu.memref_squeeze %dma_wait3A_89 : memref<1x40xi32, #tpu.memory_space<vmem>> -> memref<40xi32, #tpu.memory_space<vmem>>
      %dma_wait3A_91 = arith.constant 0 : i32
      %dma_wait3A_92 = arith.constant 0 : i32
      %dma_wait3A_93 = tpu.memref_slice %arg2[%dma_wait3A_91, %dma_wait3A_92] : memref<10000x128xf32, #tpu.memory_space<hbm>> -> memref<10000x128xf32, #tpu.memory_space<hbm>>
      tpu.wait_indirect_dma semaphore(%arg15 : memref<!tpu.dma_semaphore, #tpu.memory_space<semaphore_mem>>) src(%dma_wait3A_93 : memref<10000x128xf32, #tpu.memory_space<hbm>>) dst(%arg10 : memref<40x128xf32, #tpu.memory_space<vmem>>)
      %dma_start3A_94 = arith.constant 0 : i32
      %dma_start3A_95 = tpu.memref_slice %arg9[%add3A_87, %dma_start3A_94] : memref<250x40xi32, #tpu.memory_space<vmem>> -> memref<1x40xi32, #tpu.memory_space<vmem>>
      %dma_start3A_96 = tpu.memref_squeeze %dma_start3A_95 : memref<1x40xi32, #tpu.memory_space<vmem>> -> memref<40xi32, #tpu.memory_space<vmem>>
      %dma_start3A_97 = arith.constant 0 : i32
      %dma_start3A_98 = arith.constant 0 : i32
      %dma_start3A_99 = tpu.memref_slice %arg7[%dma_start3A_97, %dma_start3A_98] : memref<10000x128xf32, #tpu.memory_space<vmem_shared>> -> memref<10000x128xf32, #tpu.memory_space<vmem_shared>>
      tpu.enqueue_indirect_dma source(%arg10 : memref<40x128xf32, #tpu.memory_space<vmem>>) target(%dma_start3A_99 : memref<10000x128xf32, #tpu.memory_space<vmem_shared>>) offsets(%dma_start3A_96 : memref<40xi32, #tpu.memory_space<vmem>>) semaphore(%arg20 : memref<!tpu.dma_semaphore, #tpu.memory_space<semaphore_mem>>) {add = true}
      %mul3A_100 = arith.constant 5 : i32
      %mul3A_101 = arith.muli %scan3A_82, %mul3A_100 : i32
      %add3A_102 = arith.constant 1 : i32
      %add3A_103 = arith.addi %mul3A_101, %add3A_102 : i32
      %dma_wait3A_104 = arith.constant 0 : i32
      %dma_wait3A_105 = tpu.memref_slice %arg8[%add3A_103, %dma_wait3A_104] : memref<250x40xi32, #tpu.memory_space<vmem>> -> memref<1x40xi32, #tpu.memory_space<vmem>>
      %dma_wait3A_106 = tpu.memref_squeeze %dma_wait3A_105 : memref<1x40xi32, #tpu.memory_space<vmem>> -> memref<40xi32, #tpu.memory_space<vmem>>
      %dma_wait3A_107 = arith.constant 0 : i32
      %dma_wait3A_108 = arith.constant 0 : i32
      %dma_wait3A_109 = tpu.memref_slice %arg2[%dma_wait3A_107, %dma_wait3A_108] : memref<10000x128xf32, #tpu.memory_space<hbm>> -> memref<10000x128xf32, #tpu.memory_space<hbm>>
      tpu.wait_indirect_dma semaphore(%arg16 : memref<!tpu.dma_semaphore, #tpu.memory_space<semaphore_mem>>) src(%dma_wait3A_109 : memref<10000x128xf32, #tpu.memory_space<hbm>>) dst(%arg11 : memref<40x128xf32, #tpu.memory_space<vmem>>)
      %dma_start3A_110 = arith.constant 0 : i32
      %dma_start3A_111 = tpu.memref_slice %arg9[%add3A_103, %dma_start3A_110] : memref<250x40xi32, #tpu.memory_space<vmem>> -> memref<1x40xi32, #tpu.memory_space<vmem>>
      %dma_start3A_112 = tpu.memref_squeeze %dma_start3A_111 : memref<1x40xi32, #tpu.memory_space<vmem>> -> memref<40xi32, #tpu.memory_space<vmem>>
      %dma_start3A_113 = arith.constant 0 : i32
      %dma_start3A_114 = arith.constant 0 : i32
      %dma_start3A_115 = tpu.memref_slice %arg7[%dma_start3A_113, %dma_start3A_114] : memref<10000x128xf32, #tpu.memory_space<vmem_shared>> -> memref<10000x128xf32, #tpu.memory_space<vmem_shared>>
      tpu.enqueue_indirect_dma source(%arg11 : memref<40x128xf32, #tpu.memory_space<vmem>>) target(%dma_start3A_115 : memref<10000x128xf32, #tpu.memory_space<vmem_shared>>) offsets(%dma_start3A_112 : memref<40xi32, #tpu.memory_space<vmem>>) semaphore(%arg21 : memref<!tpu.dma_semaphore, #tpu.memory_space<semaphore_mem>>) {add = true}
      %mul3A_116 = arith.constant 5 : i32
      %mul3A_117 = arith.muli %scan3A_82, %mul3A_116 : i32
      %add3A_118 = arith.constant 2 : i32
      %add3A_119 = arith.addi %mul3A_117, %add3A_118 : i32
      %dma_wait3A_120 = arith.constant 0 : i32
      %dma_wait3A_121 = tpu.memref_slice %arg8[%add3A_119, %dma_wait3A_120] : memref<250x40xi32, #tpu.memory_space<vmem>> -> memref<1x40xi32, #tpu.memory_space<vmem>>
      %dma_wait3A_122 = tpu.memref_squeeze %dma_wait3A_121 : memref<1x40xi32, #tpu.memory_space<vmem>> -> memref<40xi32, #tpu.memory_space<vmem>>
      %dma_wait3A_123 = arith.constant 0 : i32
      %dma_wait3A_124 = arith.constant 0 : i32
      %dma_wait3A_125 = tpu.memref_slice %arg2[%dma_wait3A_123, %dma_wait3A_124] : memref<10000x128xf32, #tpu.memory_space<hbm>> -> memref<10000x128xf32, #tpu.memory_space<hbm>>
      tpu.wait_indirect_dma semaphore(%arg17 : memref<!tpu.dma_semaphore, #tpu.memory_space<semaphore_mem>>) src(%dma_wait3A_125 : memref<10000x128xf32, #tpu.memory_space<hbm>>) dst(%arg12 : memref<40x128xf32, #tpu.memory_space<vmem>>)
      %dma_start3A_126 = arith.constant 0 : i32
      %dma_start3A_127 = tpu.memref_slice %arg9[%add3A_119, %dma_start3A_126] : memref<250x40xi32, #tpu.memory_space<vmem>> -> memref<1x40xi32, #tpu.memory_space<vmem>>
      %dma_start3A_128 = tpu.memref_squeeze %dma_start3A_127 : memref<1x40xi32, #tpu.memory_space<vmem>> -> memref<40xi32, #tpu.memory_space<vmem>>
      %dma_start3A_129 = arith.constant 0 : i32
      %dma_start3A_130 = arith.constant 0 : i32
      %dma_start3A_131 = tpu.memref_slice %arg7[%dma_start3A_129, %dma_start3A_130] : memref<10000x128xf32, #tpu.memory_space<vmem_shared>> -> memref<10000x128xf32, #tpu.memory_space<vmem_shared>>
      tpu.enqueue_indirect_dma source(%arg12 : memref<40x128xf32, #tpu.memory_space<vmem>>) target(%dma_start3A_131 : memref<10000x128xf32, #tpu.memory_space<vmem_shared>>) offsets(%dma_start3A_128 : memref<40xi32, #tpu.memory_space<vmem>>) semaphore(%arg22 : memref<!tpu.dma_semaphore, #tpu.memory_space<semaphore_mem>>) {add = true}
      %mul3A_132 = arith.constant 5 : i32
      %mul3A_133 = arith.muli %scan3A_82, %mul3A_132 : i32
      %add3A_134 = arith.constant 3 : i32
      %add3A_135 = arith.addi %mul3A_133, %add3A_134 : i32
      %dma_wait3A_136 = arith.constant 0 : i32
      %dma_wait3A_137 = tpu.memref_slice %arg8[%add3A_135, %dma_wait3A_136] : memref<250x40xi32, #tpu.memory_space<vmem>> -> memref<1x40xi32, #tpu.memory_space<vmem>>
      %dma_wait3A_138 = tpu.memref_squeeze %dma_wait3A_137 : memref<1x40xi32, #tpu.memory_space<vmem>> -> memref<40xi32, #tpu.memory_space<vmem>>
      %dma_wait3A_139 = arith.constant 0 : i32
      %dma_wait3A_140 = arith.constant 0 : i32
      %dma_wait3A_141 = tpu.memref_slice %arg2[%dma_wait3A_139, %dma_wait3A_140] : memref<10000x128xf32, #tpu.memory_space<hbm>> -> memref<10000x128xf32, #tpu.memory_space<hbm>>
      tpu.wait_indirect_dma semaphore(%arg18 : memref<!tpu.dma_semaphore, #tpu.memory_space<semaphore_mem>>) src(%dma_wait3A_141 : memref<10000x128xf32, #tpu.memory_space<hbm>>) dst(%arg13 : memref<40x128xf32, #tpu.memory_space<vmem>>)
      %dma_start3A_142 = arith.constant 0 : i32
      %dma_start3A_143 = tpu.memref_slice %arg9[%add3A_135, %dma_start3A_142] : memref<250x40xi32, #tpu.memory_space<vmem>> -> memref<1x40xi32, #tpu.memory_space<vmem>>
      %dma_start3A_144 = tpu.memref_squeeze %dma_start3A_143 : memref<1x40xi32, #tpu.memory_space<vmem>> -> memref<40xi32, #tpu.memory_space<vmem>>
      %dma_start3A_145 = arith.constant 0 : i32
      %dma_start3A_146 = arith.constant 0 : i32
      %dma_start3A_147 = tpu.memref_slice %arg7[%dma_start3A_145, %dma_start3A_146] : memref<10000x128xf32, #tpu.memory_space<vmem_shared>> -> memref<10000x128xf32, #tpu.memory_space<vmem_shared>>
      tpu.enqueue_indirect_dma source(%arg13 : memref<40x128xf32, #tpu.memory_space<vmem>>) target(%dma_start3A_147 : memref<10000x128xf32, #tpu.memory_space<vmem_shared>>) offsets(%dma_start3A_144 : memref<40xi32, #tpu.memory_space<vmem>>) semaphore(%arg23 : memref<!tpu.dma_semaphore, #tpu.memory_space<semaphore_mem>>) {add = true}
      %mul3A_148 = arith.constant 5 : i32
      %mul3A_149 = arith.muli %scan3A_82, %mul3A_148 : i32
      %add3A_150 = arith.constant 4 : i32
      %add3A_151 = arith.addi %mul3A_149, %add3A_150 : i32
      %dma_wait3A_152 = arith.constant 0 : i32
      %dma_wait3A_153 = tpu.memref_slice %arg8[%add3A_151, %dma_wait3A_152] : memref<250x40xi32, #tpu.memory_space<vmem>> -> memref<1x40xi32, #tpu.memory_space<vmem>>
      %dma_wait3A_154 = tpu.memref_squeeze %dma_wait3A_153 : memref<1x40xi32, #tpu.memory_space<vmem>> -> memref<40xi32, #tpu.memory_space<vmem>>
      %dma_wait3A_155 = arith.constant 0 : i32
      %dma_wait3A_156 = arith.constant 0 : i32
      %dma_wait3A_157 = tpu.memref_slice %arg2[%dma_wait3A_155, %dma_wait3A_156] : memref<10000x128xf32, #tpu.memory_space<hbm>> -> memref<10000x128xf32, #tpu.memory_space<hbm>>
      tpu.wait_indirect_dma semaphore(%arg19 : memref<!tpu.dma_semaphore, #tpu.memory_space<semaphore_mem>>) src(%dma_wait3A_157 : memref<10000x128xf32, #tpu.memory_space<hbm>>) dst(%arg14 : memref<40x128xf32, #tpu.memory_space<vmem>>)
      %dma_start3A_158 = arith.constant 0 : i32
      %dma_start3A_159 = tpu.memref_slice %arg9[%add3A_151, %dma_start3A_158] : memref<250x40xi32, #tpu.memory_space<vmem>> -> memref<1x40xi32, #tpu.memory_space<vmem>>
      %dma_start3A_160 = tpu.memref_squeeze %dma_start3A_159 : memref<1x40xi32, #tpu.memory_space<vmem>> -> memref<40xi32, #tpu.memory_space<vmem>>
      %dma_start3A_161 = arith.constant 0 : i32
      %dma_start3A_162 = arith.constant 0 : i32
      %dma_start3A_163 = tpu.memref_slice %arg7[%dma_start3A_161, %dma_start3A_162] : memref<10000x128xf32, #tpu.memory_space<vmem_shared>> -> memref<10000x128xf32, #tpu.memory_space<vmem_shared>>
      tpu.enqueue_indirect_dma source(%arg14 : memref<40x128xf32, #tpu.memory_space<vmem>>) target(%dma_start3A_163 : memref<10000x128xf32, #tpu.memory_space<vmem_shared>>) offsets(%dma_start3A_160 : memref<40xi32, #tpu.memory_space<vmem>>) semaphore(%arg24 : memref<!tpu.dma_semaphore, #tpu.memory_space<semaphore_mem>>) {add = true}
      %add3A_164 = arith.constant 1 : i32
      %add3A_165 = arith.addi %scan3A_82, %add3A_164 : i32
      %mul3A_166 = arith.constant 5 : i32
      %mul3A_167 = arith.muli %add3A_165, %mul3A_166 : i32
      %add3A_168 = arith.constant 0 : i32
      %add3A_169 = arith.addi %mul3A_167, %add3A_168 : i32
      %lt3A = arith.constant 250 : i32
      %lt3A_170 = arith.cmpi slt, %add3A_169, %lt3A : i32
      %convert_element_type3A = arith.extui %lt3A_170 : i1 to i32
      %cond3A = arith.constant 0 : i32
      %cond3A_171 = arith.cmpi ne, %convert_element_type3A, %cond3A : i32
      scf.if %cond3A_171 {
        %mul3A_217 = arith.constant 5 : i32
        %mul3A_218 = arith.muli %scan3A_82, %mul3A_217 : i32
        %add3A_219 = arith.constant 0 : i32
        %add3A_220 = arith.addi %mul3A_218, %add3A_219 : i32
        %dma_wait3A_221 = arith.constant 0 : i32
        %dma_wait3A_222 = tpu.memref_slice %arg9[%add3A_220, %dma_wait3A_221] : memref<250x40xi32, #tpu.memory_space<vmem>> -> memref<1x40xi32, #tpu.memory_space<vmem>>
        %dma_wait3A_223 = tpu.memref_squeeze %dma_wait3A_222 : memref<1x40xi32, #tpu.memory_space<vmem>> -> memref<40xi32, #tpu.memory_space<vmem>>
        %dma_wait3A_224 = arith.constant 0 : i32
        %dma_wait3A_225 = arith.constant 0 : i32
        %dma_wait3A_226 = tpu.memref_slice %arg7[%dma_wait3A_224, %dma_wait3A_225] : memref<10000x128xf32, #tpu.memory_space<vmem_shared>> -> memref<10000x128xf32, #tpu.memory_space<vmem_shared>>
        tpu.wait_indirect_dma semaphore(%arg20 : memref<!tpu.dma_semaphore, #tpu.memory_space<semaphore_mem>>) src(%arg10 : memref<40x128xf32, #tpu.memory_space<vmem>>) dst(%dma_wait3A_226 : memref<10000x128xf32, #tpu.memory_space<vmem_shared>>)
        %dma_start3A_227 = arith.constant 0 : i32
        %dma_start3A_228 = tpu.memref_slice %arg8[%add3A_169, %dma_start3A_227] : memref<250x40xi32, #tpu.memory_space<vmem>> -> memref<1x40xi32, #tpu.memory_space<vmem>>
        %dma_start3A_229 = tpu.memref_squeeze %dma_start3A_228 : memref<1x40xi32, #tpu.memory_space<vmem>> -> memref<40xi32, #tpu.memory_space<vmem>>
        %dma_start3A_230 = arith.constant 0 : i32
        %dma_start3A_231 = arith.constant 0 : i32
        %dma_start3A_232 = tpu.memref_slice %arg2[%dma_start3A_230, %dma_start3A_231] : memref<10000x128xf32, #tpu.memory_space<hbm>> -> memref<10000x128xf32, #tpu.memory_space<hbm>>
        tpu.enqueue_indirect_dma source(%dma_start3A_232 : memref<10000x128xf32, #tpu.memory_space<hbm>>) target(%arg10 : memref<40x128xf32, #tpu.memory_space<vmem>>) offsets(%dma_start3A_229 : memref<40xi32, #tpu.memory_space<vmem>>) semaphore(%arg15 : memref<!tpu.dma_semaphore, #tpu.memory_space<semaphore_mem>>)
      } else {
      }
      %add3A_172 = arith.constant 1 : i32
      %add3A_173 = arith.addi %scan3A_82, %add3A_172 : i32
      %mul3A_174 = arith.constant 5 : i32
      %mul3A_175 = arith.muli %add3A_173, %mul3A_174 : i32
      %add3A_176 = arith.constant 1 : i32
      %add3A_177 = arith.addi %mul3A_175, %add3A_176 : i32
      %lt3A_178 = arith.constant 250 : i32
      %lt3A_179 = arith.cmpi slt, %add3A_177, %lt3A_178 : i32
      %convert_element_type3A_180 = arith.extui %lt3A_179 : i1 to i32
      %cond3A_181 = arith.constant 0 : i32
      %cond3A_182 = arith.cmpi ne, %convert_element_type3A_180, %cond3A_181 : i32
      scf.if %cond3A_182 {
        %mul3A_217 = arith.constant 5 : i32
        %mul3A_218 = arith.muli %scan3A_82, %mul3A_217 : i32
        %add3A_219 = arith.constant 1 : i32
        %add3A_220 = arith.addi %mul3A_218, %add3A_219 : i32
        %dma_wait3A_221 = arith.constant 0 : i32
        %dma_wait3A_222 = tpu.memref_slice %arg9[%add3A_220, %dma_wait3A_221] : memref<250x40xi32, #tpu.memory_space<vmem>> -> memref<1x40xi32, #tpu.memory_space<vmem>>
        %dma_wait3A_223 = tpu.memref_squeeze %dma_wait3A_222 : memref<1x40xi32, #tpu.memory_space<vmem>> -> memref<40xi32, #tpu.memory_space<vmem>>
        %dma_wait3A_224 = arith.constant 0 : i32
        %dma_wait3A_225 = arith.constant 0 : i32
        %dma_wait3A_226 = tpu.memref_slice %arg7[%dma_wait3A_224, %dma_wait3A_225] : memref<10000x128xf32, #tpu.memory_space<vmem_shared>> -> memref<10000x128xf32, #tpu.memory_space<vmem_shared>>
        tpu.wait_indirect_dma semaphore(%arg21 : memref<!tpu.dma_semaphore, #tpu.memory_space<semaphore_mem>>) src(%arg11 : memref<40x128xf32, #tpu.memory_space<vmem>>) dst(%dma_wait3A_226 : memref<10000x128xf32, #tpu.memory_space<vmem_shared>>)
        %dma_start3A_227 = arith.constant 0 : i32
        %dma_start3A_228 = tpu.memref_slice %arg8[%add3A_177, %dma_start3A_227] : memref<250x40xi32, #tpu.memory_space<vmem>> -> memref<1x40xi32, #tpu.memory_space<vmem>>
        %dma_start3A_229 = tpu.memref_squeeze %dma_start3A_228 : memref<1x40xi32, #tpu.memory_space<vmem>> -> memref<40xi32, #tpu.memory_space<vmem>>
        %dma_start3A_230 = arith.constant 0 : i32
        %dma_start3A_231 = arith.constant 0 : i32
        %dma_start3A_232 = tpu.memref_slice %arg2[%dma_start3A_230, %dma_start3A_231] : memref<10000x128xf32, #tpu.memory_space<hbm>> -> memref<10000x128xf32, #tpu.memory_space<hbm>>
        tpu.enqueue_indirect_dma source(%dma_start3A_232 : memref<10000x128xf32, #tpu.memory_space<hbm>>) target(%arg11 : memref<40x128xf32, #tpu.memory_space<vmem>>) offsets(%dma_start3A_229 : memref<40xi32, #tpu.memory_space<vmem>>) semaphore(%arg16 : memref<!tpu.dma_semaphore, #tpu.memory_space<semaphore_mem>>)
      } else {
      }
      %add3A_183 = arith.constant 1 : i32
      %add3A_184 = arith.addi %scan3A_82, %add3A_183 : i32
      %mul3A_185 = arith.constant 5 : i32
      %mul3A_186 = arith.muli %add3A_184, %mul3A_185 : i32
      %add3A_187 = arith.constant 2 : i32
      %add3A_188 = arith.addi %mul3A_186, %add3A_187 : i32
      %lt3A_189 = arith.constant 250 : i32
      %lt3A_190 = arith.cmpi slt, %add3A_188, %lt3A_189 : i32
      %convert_element_type3A_191 = arith.extui %lt3A_190 : i1 to i32
      %cond3A_192 = arith.constant 0 : i32
      %cond3A_193 = arith.cmpi ne, %convert_element_type3A_191, %cond3A_192 : i32
      scf.if %cond3A_193 {
        %mul3A_217 = arith.constant 5 : i32
        %mul3A_218 = arith.muli %scan3A_82, %mul3A_217 : i32
        %add3A_219 = arith.constant 2 : i32
        %add3A_220 = arith.addi %mul3A_218, %add3A_219 : i32
        %dma_wait3A_221 = arith.constant 0 : i32
        %dma_wait3A_222 = tpu.memref_slice %arg9[%add3A_220, %dma_wait3A_221] : memref<250x40xi32, #tpu.memory_space<vmem>> -> memref<1x40xi32, #tpu.memory_space<vmem>>
        %dma_wait3A_223 = tpu.memref_squeeze %dma_wait3A_222 : memref<1x40xi32, #tpu.memory_space<vmem>> -> memref<40xi32, #tpu.memory_space<vmem>>
        %dma_wait3A_224 = arith.constant 0 : i32
        %dma_wait3A_225 = arith.constant 0 : i32
        %dma_wait3A_226 = tpu.memref_slice %arg7[%dma_wait3A_224, %dma_wait3A_225] : memref<10000x128xf32, #tpu.memory_space<vmem_shared>> -> memref<10000x128xf32, #tpu.memory_space<vmem_shared>>
        tpu.wait_indirect_dma semaphore(%arg22 : memref<!tpu.dma_semaphore, #tpu.memory_space<semaphore_mem>>) src(%arg12 : memref<40x128xf32, #tpu.memory_space<vmem>>) dst(%dma_wait3A_226 : memref<10000x128xf32, #tpu.memory_space<vmem_shared>>)
        %dma_start3A_227 = arith.constant 0 : i32
        %dma_start3A_228 = tpu.memref_slice %arg8[%add3A_188, %dma_start3A_227] : memref<250x40xi32, #tpu.memory_space<vmem>> -> memref<1x40xi32, #tpu.memory_space<vmem>>
        %dma_start3A_229 = tpu.memref_squeeze %dma_start3A_228 : memref<1x40xi32, #tpu.memory_space<vmem>> -> memref<40xi32, #tpu.memory_space<vmem>>
        %dma_start3A_230 = arith.constant 0 : i32
        %dma_start3A_231 = arith.constant 0 : i32
        %dma_start3A_232 = tpu.memref_slice %arg2[%dma_start3A_230, %dma_start3A_231] : memref<10000x128xf32, #tpu.memory_space<hbm>> -> memref<10000x128xf32, #tpu.memory_space<hbm>>
        tpu.enqueue_indirect_dma source(%dma_start3A_232 : memref<10000x128xf32, #tpu.memory_space<hbm>>) target(%arg12 : memref<40x128xf32, #tpu.memory_space<vmem>>) offsets(%dma_start3A_229 : memref<40xi32, #tpu.memory_space<vmem>>) semaphore(%arg17 : memref<!tpu.dma_semaphore, #tpu.memory_space<semaphore_mem>>)
      } else {
      }
      %add3A_194 = arith.constant 1 : i32
      %add3A_195 = arith.addi %scan3A_82, %add3A_194 : i32
      %mul3A_196 = arith.constant 5 : i32
      %mul3A_197 = arith.muli %add3A_195, %mul3A_196 : i32
      %add3A_198 = arith.constant 3 : i32
      %add3A_199 = arith.addi %mul3A_197, %add3A_198 : i32
      %lt3A_200 = arith.constant 250 : i32
      %lt3A_201 = arith.cmpi slt, %add3A_199, %lt3A_200 : i32
      %convert_element_type3A_202 = arith.extui %lt3A_201 : i1 to i32
      %cond3A_203 = arith.constant 0 : i32
      %cond3A_204 = arith.cmpi ne, %convert_element_type3A_202, %cond3A_203 : i32
      scf.if %cond3A_204 {
        %mul3A_217 = arith.constant 5 : i32
        %mul3A_218 = arith.muli %scan3A_82, %mul3A_217 : i32
        %add3A_219 = arith.constant 3 : i32
        %add3A_220 = arith.addi %mul3A_218, %add3A_219 : i32
        %dma_wait3A_221 = arith.constant 0 : i32
        %dma_wait3A_222 = tpu.memref_slice %arg9[%add3A_220, %dma_wait3A_221] : memref<250x40xi32, #tpu.memory_space<vmem>> -> memref<1x40xi32, #tpu.memory_space<vmem>>
        %dma_wait3A_223 = tpu.memref_squeeze %dma_wait3A_222 : memref<1x40xi32, #tpu.memory_space<vmem>> -> memref<40xi32, #tpu.memory_space<vmem>>
        %dma_wait3A_224 = arith.constant 0 : i32
        %dma_wait3A_225 = arith.constant 0 : i32
        %dma_wait3A_226 = tpu.memref_slice %arg7[%dma_wait3A_224, %dma_wait3A_225] : memref<10000x128xf32, #tpu.memory_space<vmem_shared>> -> memref<10000x128xf32, #tpu.memory_space<vmem_shared>>
        tpu.wait_indirect_dma semaphore(%arg23 : memref<!tpu.dma_semaphore, #tpu.memory_space<semaphore_mem>>) src(%arg13 : memref<40x128xf32, #tpu.memory_space<vmem>>) dst(%dma_wait3A_226 : memref<10000x128xf32, #tpu.memory_space<vmem_shared>>)
        %dma_start3A_227 = arith.constant 0 : i32
        %dma_start3A_228 = tpu.memref_slice %arg8[%add3A_199, %dma_start3A_227] : memref<250x40xi32, #tpu.memory_space<vmem>> -> memref<1x40xi32, #tpu.memory_space<vmem>>
        %dma_start3A_229 = tpu.memref_squeeze %dma_start3A_228 : memref<1x40xi32, #tpu.memory_space<vmem>> -> memref<40xi32, #tpu.memory_space<vmem>>
        %dma_start3A_230 = arith.constant 0 : i32
        %dma_start3A_231 = arith.constant 0 : i32
        %dma_start3A_232 = tpu.memref_slice %arg2[%dma_start3A_230, %dma_start3A_231] : memref<10000x128xf32, #tpu.memory_space<hbm>> -> memref<10000x128xf32, #tpu.memory_space<hbm>>
        tpu.enqueue_indirect_dma source(%dma_start3A_232 : memref<10000x128xf32, #tpu.memory_space<hbm>>) target(%arg13 : memref<40x128xf32, #tpu.memory_space<vmem>>) offsets(%dma_start3A_229 : memref<40xi32, #tpu.memory_space<vmem>>) semaphore(%arg18 : memref<!tpu.dma_semaphore, #tpu.memory_space<semaphore_mem>>)
      } else {
      }
      %add3A_205 = arith.constant 1 : i32
      %add3A_206 = arith.addi %scan3A_82, %add3A_205 : i32
      %mul3A_207 = arith.constant 5 : i32
      %mul3A_208 = arith.muli %add3A_206, %mul3A_207 : i32
      %add3A_209 = arith.constant 4 : i32
      %add3A_210 = arith.addi %mul3A_208, %add3A_209 : i32
      %lt3A_211 = arith.constant 250 : i32
      %lt3A_212 = arith.cmpi slt, %add3A_210, %lt3A_211 : i32
      %convert_element_type3A_213 = arith.extui %lt3A_212 : i1 to i32
      %cond3A_214 = arith.constant 0 : i32
      %cond3A_215 = arith.cmpi ne, %convert_element_type3A_213, %cond3A_214 : i32
      scf.if %cond3A_215 {
        %mul3A_217 = arith.constant 5 : i32
        %mul3A_218 = arith.muli %scan3A_82, %mul3A_217 : i32
        %add3A_219 = arith.constant 4 : i32
        %add3A_220 = arith.addi %mul3A_218, %add3A_219 : i32
        %dma_wait3A_221 = arith.constant 0 : i32
        %dma_wait3A_222 = tpu.memref_slice %arg9[%add3A_220, %dma_wait3A_221] : memref<250x40xi32, #tpu.memory_space<vmem>> -> memref<1x40xi32, #tpu.memory_space<vmem>>
        %dma_wait3A_223 = tpu.memref_squeeze %dma_wait3A_222 : memref<1x40xi32, #tpu.memory_space<vmem>> -> memref<40xi32, #tpu.memory_space<vmem>>
        %dma_wait3A_224 = arith.constant 0 : i32
        %dma_wait3A_225 = arith.constant 0 : i32
        %dma_wait3A_226 = tpu.memref_slice %arg7[%dma_wait3A_224, %dma_wait3A_225] : memref<10000x128xf32, #tpu.memory_space<vmem_shared>> -> memref<10000x128xf32, #tpu.memory_space<vmem_shared>>
        tpu.wait_indirect_dma semaphore(%arg24 : memref<!tpu.dma_semaphore, #tpu.memory_space<semaphore_mem>>) src(%arg14 : memref<40x128xf32, #tpu.memory_space<vmem>>) dst(%dma_wait3A_226 : memref<10000x128xf32, #tpu.memory_space<vmem_shared>>)
        %dma_start3A_227 = arith.constant 0 : i32
        %dma_start3A_228 = tpu.memref_slice %arg8[%add3A_210, %dma_start3A_227] : memref<250x40xi32, #tpu.memory_space<vmem>> -> memref<1x40xi32, #tpu.memory_space<vmem>>
        %dma_start3A_229 = tpu.memref_squeeze %dma_start3A_228 : memref<1x40xi32, #tpu.memory_space<vmem>> -> memref<40xi32, #tpu.memory_space<vmem>>
        %dma_start3A_230 = arith.constant 0 : i32
        %dma_start3A_231 = arith.constant 0 : i32
        %dma_start3A_232 = tpu.memref_slice %arg2[%dma_start3A_230, %dma_start3A_231] : memref<10000x128xf32, #tpu.memory_space<hbm>> -> memref<10000x128xf32, #tpu.memory_space<hbm>>
        tpu.enqueue_indirect_dma source(%dma_start3A_232 : memref<10000x128xf32, #tpu.memory_space<hbm>>) target(%arg14 : memref<40x128xf32, #tpu.memory_space<vmem>>) offsets(%dma_start3A_229 : memref<40xi32, #tpu.memory_space<vmem>>) semaphore(%arg19 : memref<!tpu.dma_semaphore, #tpu.memory_space<semaphore_mem>>)
      } else {
      }
      %scan3A_216 = arith.constant 0 : i32
      scf.yield %scan3A_216 : i32
    }
    %scan3A_42 = arith.constant 50 : i32
    %dma_wait3A = arith.constant 245 : i32
    %dma_wait3A_43 = arith.constant 0 : i32
    %dma_wait3A_44 = tpu.memref_slice %arg9[%dma_wait3A, %dma_wait3A_43] : memref<250x40xi32, #tpu.memory_space<vmem>> -> memref<1x40xi32, #tpu.memory_space<vmem>>
    %dma_wait3A_45 = tpu.memref_squeeze %dma_wait3A_44 : memref<1x40xi32, #tpu.memory_space<vmem>> -> memref<40xi32, #tpu.memory_space<vmem>>
    %dma_wait3A_46 = arith.constant 0 : i32
    %dma_wait3A_47 = arith.constant 0 : i32
    %dma_wait3A_48 = tpu.memref_slice %arg7[%dma_wait3A_46, %dma_wait3A_47] : memref<10000x128xf32, #tpu.memory_space<vmem_shared>> -> memref<10000x128xf32, #tpu.memory_space<vmem_shared>>
    tpu.wait_indirect_dma semaphore(%arg20 : memref<!tpu.dma_semaphore, #tpu.memory_space<semaphore_mem>>) src(%arg10 : memref<40x128xf32, #tpu.memory_space<vmem>>) dst(%dma_wait3A_48 : memref<10000x128xf32, #tpu.memory_space<vmem_shared>>)
    %dma_wait3A_49 = arith.constant 246 : i32
    %dma_wait3A_50 = arith.constant 0 : i32
    %dma_wait3A_51 = tpu.memref_slice %arg9[%dma_wait3A_49, %dma_wait3A_50] : memref<250x40xi32, #tpu.memory_space<vmem>> -> memref<1x40xi32, #tpu.memory_space<vmem>>
    %dma_wait3A_52 = tpu.memref_squeeze %dma_wait3A_51 : memref<1x40xi32, #tpu.memory_space<vmem>> -> memref<40xi32, #tpu.memory_space<vmem>>
    %dma_wait3A_53 = arith.constant 0 : i32
    %dma_wait3A_54 = arith.constant 0 : i32
    %dma_wait3A_55 = tpu.memref_slice %arg7[%dma_wait3A_53, %dma_wait3A_54] : memref<10000x128xf32, #tpu.memory_space<vmem_shared>> -> memref<10000x128xf32, #tpu.memory_space<vmem_shared>>
    tpu.wait_indirect_dma semaphore(%arg21 : memref<!tpu.dma_semaphore, #tpu.memory_space<semaphore_mem>>) src(%arg11 : memref<40x128xf32, #tpu.memory_space<vmem>>) dst(%dma_wait3A_55 : memref<10000x128xf32, #tpu.memory_space<vmem_shared>>)
    %dma_wait3A_56 = arith.constant 247 : i32
    %dma_wait3A_57 = arith.constant 0 : i32
    %dma_wait3A_58 = tpu.memref_slice %arg9[%dma_wait3A_56, %dma_wait3A_57] : memref<250x40xi32, #tpu.memory_space<vmem>> -> memref<1x40xi32, #tpu.memory_space<vmem>>
    %dma_wait3A_59 = tpu.memref_squeeze %dma_wait3A_58 : memref<1x40xi32, #tpu.memory_space<vmem>> -> memref<40xi32, #tpu.memory_space<vmem>>
    %dma_wait3A_60 = arith.constant 0 : i32
    %dma_wait3A_61 = arith.constant 0 : i32
    %dma_wait3A_62 = tpu.memref_slice %arg7[%dma_wait3A_60, %dma_wait3A_61] : memref<10000x128xf32, #tpu.memory_space<vmem_shared>> -> memref<10000x128xf32, #tpu.memory_space<vmem_shared>>
    tpu.wait_indirect_dma semaphore(%arg22 : memref<!tpu.dma_semaphore, #tpu.memory_space<semaphore_mem>>) src(%arg12 : memref<40x128xf32, #tpu.memory_space<vmem>>) dst(%dma_wait3A_62 : memref<10000x128xf32, #tpu.memory_space<vmem_shared>>)
    %dma_wait3A_63 = arith.constant 248 : i32
    %dma_wait3A_64 = arith.constant 0 : i32
    %dma_wait3A_65 = tpu.memref_slice %arg9[%dma_wait3A_63, %dma_wait3A_64] : memref<250x40xi32, #tpu.memory_space<vmem>> -> memref<1x40xi32, #tpu.memory_space<vmem>>
    %dma_wait3A_66 = tpu.memref_squeeze %dma_wait3A_65 : memref<1x40xi32, #tpu.memory_space<vmem>> -> memref<40xi32, #tpu.memory_space<vmem>>
    %dma_wait3A_67 = arith.constant 0 : i32
    %dma_wait3A_68 = arith.constant 0 : i32
    %dma_wait3A_69 = tpu.memref_slice %arg7[%dma_wait3A_67, %dma_wait3A_68] : memref<10000x128xf32, #tpu.memory_space<vmem_shared>> -> memref<10000x128xf32, #tpu.memory_space<vmem_shared>>
    tpu.wait_indirect_dma semaphore(%arg23 : memref<!tpu.dma_semaphore, #tpu.memory_space<semaphore_mem>>) src(%arg13 : memref<40x128xf32, #tpu.memory_space<vmem>>) dst(%dma_wait3A_69 : memref<10000x128xf32, #tpu.memory_space<vmem_shared>>)
    %dma_wait3A_70 = arith.constant 249 : i32
    %dma_wait3A_71 = arith.constant 0 : i32
    %dma_wait3A_72 = tpu.memref_slice %arg9[%dma_wait3A_70, %dma_wait3A_71] : memref<250x40xi32, #tpu.memory_space<vmem>> -> memref<1x40xi32, #tpu.memory_space<vmem>>
    %dma_wait3A_73 = tpu.memref_squeeze %dma_wait3A_72 : memref<1x40xi32, #tpu.memory_space<vmem>> -> memref<40xi32, #tpu.memory_space<vmem>>
    %dma_wait3A_74 = arith.constant 0 : i32
    %dma_wait3A_75 = arith.constant 0 : i32
    %dma_wait3A_76 = tpu.memref_slice %arg7[%dma_wait3A_74, %dma_wait3A_75] : memref<10000x128xf32, #tpu.memory_space<vmem_shared>> -> memref<10000x128xf32, #tpu.memory_space<vmem_shared>>
    tpu.wait_indirect_dma semaphore(%arg24 : memref<!tpu.dma_semaphore, #tpu.memory_space<semaphore_mem>>) src(%arg14 : memref<40x128xf32, #tpu.memory_space<vmem>>) dst(%dma_wait3A_76 : memref<10000x128xf32, #tpu.memory_space<vmem_shared>>)
    %barrier3A_77 = arith.constant 0 : index
    tpu.barrier barrier_id(%barrier3A_77)
    %mul3A_78 = arith.constant 625 : i32
    %mul3A_79 = arith.muli %arg1, %mul3A_78 : i32
    %mul3A_80 = arith.constant 625 : i32
    %mul3A_81 = arith.muli %arg1, %mul3A_80 : i32
    "tpu.region"() ({
      %run_scoped3A = tpu.sem_alloc : memref<!tpu.dma_semaphore, #tpu.memory_space<semaphore_mem>>
      %dma_start3A_82 = arith.constant 0 : i32
      %dma_start3A_83 = tpu.memref_slice %arg6[%arg0, %mul3A_81, %dma_start3A_82] : memref<2x10000x128xf32, #tpu.memory_space<hbm>> -> memref<1x625x128xf32, #tpu.memory_space<hbm>>
      %dma_start3A_84 = tpu.memref_squeeze %dma_start3A_83 : memref<1x625x128xf32, #tpu.memory_space<hbm>> -> memref<625x128xf32, #tpu.memory_space<hbm>>
      %dma_start3A_85 = arith.constant 0 : i32
      %dma_start3A_86 = tpu.memref_slice %arg7[%mul3A_79, %dma_start3A_85] : memref<10000x128xf32, #tpu.memory_space<vmem_shared>> -> memref<625x128xf32, #tpu.memory_space<vmem_shared>>
      tpu.enqueue_dma source(%dma_start3A_86 : memref<625x128xf32, #tpu.memory_space<vmem_shared>>) target(%dma_start3A_84 : memref<625x128xf32, #tpu.memory_space<hbm>>) target_semaphore(%run_scoped3A : memref<!tpu.dma_semaphore, #tpu.memory_space<semaphore_mem>>)
      %dma_wait3A_87 = arith.constant 0 : i32
      %dma_wait3A_88 = tpu.memref_slice %arg6[%arg0, %mul3A_81, %dma_wait3A_87] : memref<2x10000x128xf32, #tpu.memory_space<hbm>> -> memref<1x625x128xf32, #tpu.memory_space<hbm>>
      %dma_wait3A_89 = tpu.memref_squeeze %dma_wait3A_88 : memref<1x625x128xf32, #tpu.memory_space<hbm>> -> memref<625x128xf32, #tpu.memory_space<hbm>>
      %dma_wait3A_90 = arith.constant 0 : i32
      %dma_wait3A_91 = tpu.memref_slice %arg7[%mul3A_79, %dma_wait3A_90] : memref<10000x128xf32, #tpu.memory_space<vmem_shared>> -> memref<625x128xf32, #tpu.memory_space<vmem_shared>>
      tpu.wait_dma2 semaphore(%run_scoped3A : memref<!tpu.dma_semaphore, #tpu.memory_space<semaphore_mem>>) src(%dma_wait3A_91 : memref<625x128xf32, #tpu.memory_space<vmem_shared>>) dst(%dma_wait3A_89 : memref<625x128xf32, #tpu.memory_space<hbm>>)
      tpu.yield
    }) : () -> ()
    return
  }
}

#map = affine_map<(d0, d1) -> (0, 0, 0)>
#map1 = affine_map<(d0, d1) -> (0, 0)>
module attributes {stable_mosaic.version = 14 : i64} {
  func.func @_deg_sc(%arg0: i32, %arg1: i32, %arg2: memref<32x250x40xi32, #tpu.memory_space<hbm>>, %arg3: memref<625x16xf32, #tpu.memory_space<hbm>>, %arg4: memref<2x10000x16xf32, #tpu.memory_space<hbm>>, %arg5: memref<10000x16xf32, #tpu.memory_space<vmem_shared>>, %arg6: memref<250x40xi32, #tpu.memory_space<vmem>>, %arg7: memref<40x16xf32, #tpu.memory_space<vmem>>, %arg8: memref<!tpu.dma_semaphore, #tpu.memory_space<semaphore_mem>>) attributes {dimension_semantics = [#tpu.dimension_semantics<core_parallel>, #tpu.dimension_semantics<subcore_parallel>], iteration_bounds = array<i64: 2, 16>, scalar_prefetch = 0 : i64, scratch_operands = 4 : i64, tpu.core_type = #tpu.core_type<sc_vector_subcore>, window_params = [{transform_indices = #map}, {transform_indices = #map1}, {transform_indices = #map}]} {
    %mul3A = arith.constant 16 : i32
    %mul3A_0 = arith.muli %arg0, %mul3A : i32
    %add3A = arith.addi %mul3A_0, %arg1 : i32
    "tpu.region"() ({
      %run_scoped3A = tpu.sem_alloc : memref<!tpu.dma_semaphore, #tpu.memory_space<semaphore_mem>>
      %dma_start3A = arith.constant 0 : i32
      %dma_start3A_29 = arith.constant 0 : i32
      %dma_start3A_30 = tpu.memref_slice %arg2[%add3A, %dma_start3A, %dma_start3A_29] : memref<32x250x40xi32, #tpu.memory_space<hbm>> -> memref<1x250x40xi32, #tpu.memory_space<hbm>>
      %dma_start3A_31 = tpu.memref_squeeze %dma_start3A_30 : memref<1x250x40xi32, #tpu.memory_space<hbm>> -> memref<250x40xi32, #tpu.memory_space<hbm>>
      %dma_start3A_32 = arith.constant 0 : i32
      %dma_start3A_33 = arith.constant 0 : i32
      %dma_start3A_34 = tpu.memref_slice %arg2[%add3A, %dma_start3A_32, %dma_start3A_33] : memref<32x250x40xi32, #tpu.memory_space<hbm>> -> memref<1x250x40xi32, #tpu.memory_space<hbm>>
      %dma_start3A_35 = tpu.memref_squeeze %dma_start3A_34 : memref<1x250x40xi32, #tpu.memory_space<hbm>> -> memref<250x40xi32, #tpu.memory_space<hbm>>
      tpu.enqueue_dma source(%dma_start3A_35 : memref<250x40xi32, #tpu.memory_space<hbm>>) target(%arg6 : memref<250x40xi32, #tpu.memory_space<vmem>>) target_semaphore(%run_scoped3A : memref<!tpu.dma_semaphore, #tpu.memory_space<semaphore_mem>>)
      %dma_wait3A = arith.constant 0 : i32
      %dma_wait3A_36 = arith.constant 0 : i32
      %dma_wait3A_37 = tpu.memref_slice %arg2[%add3A, %dma_wait3A, %dma_wait3A_36] : memref<32x250x40xi32, #tpu.memory_space<hbm>> -> memref<1x250x40xi32, #tpu.memory_space<hbm>>
      %dma_wait3A_38 = tpu.memref_squeeze %dma_wait3A_37 : memref<1x250x40xi32, #tpu.memory_space<hbm>> -> memref<250x40xi32, #tpu.memory_space<hbm>>
      %dma_wait3A_39 = arith.constant 0 : i32
      %dma_wait3A_40 = arith.constant 0 : i32
      %dma_wait3A_41 = tpu.memref_slice %arg2[%add3A, %dma_wait3A_39, %dma_wait3A_40] : memref<32x250x40xi32, #tpu.memory_space<hbm>> -> memref<1x250x40xi32, #tpu.memory_space<hbm>>
      %dma_wait3A_42 = tpu.memref_squeeze %dma_wait3A_41 : memref<1x250x40xi32, #tpu.memory_space<hbm>> -> memref<250x40xi32, #tpu.memory_space<hbm>>
      tpu.wait_dma2 semaphore(%run_scoped3A : memref<!tpu.dma_semaphore, #tpu.memory_space<semaphore_mem>>) src(%dma_wait3A_42 : memref<250x40xi32, #tpu.memory_space<hbm>>) dst(%arg6 : memref<250x40xi32, #tpu.memory_space<vmem>>)
      tpu.yield
    }) : () -> ()
    %broadcast_in_dim3A = arith.constant 1.000000e+00 : f32
    %broadcast_in_dim3A_1 = vector.broadcast %broadcast_in_dim3A : f32 to vector<16xf32>
    %scan3A = arith.constant 0 : i32
    %scan3A_2 = arith.constant 0 : i32
    %scan3A_3 = arith.constant 40 : i32
    %scan3A_4 = arith.addi %scan3A_2, %scan3A_3 : i32
    %scan3A_5 = arith.constant 1 : i32
    %scan3A_6 = scf.for %scan3A_29 = %scan3A_2 to %scan3A_4 step %scan3A_5 iter_args(%scan3A_30 = %scan3A) -> (i32)  : i32 {
      %swap3A = arith.index_cast %scan3A_29 : i32 to index
      %swap3A_31 = arith.constant 0 : index
      %swap3A_32 = tpu.vector_load %arg7[%swap3A, %swap3A_31] {strides = array<i32>} : memref<40x16xf32, #tpu.memory_space<vmem>>, vector<16xf32>,
      tpu.vector_store %arg7[%swap3A, %swap3A_31], %broadcast_in_dim3A_1 {strides = array<i32>} : memref<40x16xf32, #tpu.memory_space<vmem>>, vector<16xf32>,
      %scan3A_33 = arith.constant 0 : i32
      scf.yield %scan3A_33 : i32
    }
    %scan3A_7 = arith.constant 40 : i32
    %mul3A_8 = arith.constant 625 : i32
    %mul3A_9 = arith.muli %arg1, %mul3A_8 : i32
    "tpu.region"() ({
      %run_scoped3A = tpu.sem_alloc : memref<!tpu.dma_semaphore, #tpu.memory_space<semaphore_mem>>
      %dma_start3A = arith.constant 0 : i32
      %dma_start3A_29 = tpu.memref_slice %arg5[%mul3A_9, %dma_start3A] : memref<10000x16xf32, #tpu.memory_space<vmem_shared>> -> memref<625x16xf32, #tpu.memory_space<vmem_shared>>
      tpu.enqueue_dma source(%arg3 : memref<625x16xf32, #tpu.memory_space<hbm>>) target(%dma_start3A_29 : memref<625x16xf32, #tpu.memory_space<vmem_shared>>) target_semaphore(%run_scoped3A : memref<!tpu.dma_semaphore, #tpu.memory_space<semaphore_mem>>)
      %dma_wait3A = arith.constant 0 : i32
      %dma_wait3A_30 = tpu.memref_slice %arg5[%mul3A_9, %dma_wait3A] : memref<10000x16xf32, #tpu.memory_space<vmem_shared>> -> memref<625x16xf32, #tpu.memory_space<vmem_shared>>
      tpu.wait_dma2 semaphore(%run_scoped3A : memref<!tpu.dma_semaphore, #tpu.memory_space<semaphore_mem>>) src(%arg3 : memref<625x16xf32, #tpu.memory_space<hbm>>) dst(%dma_wait3A_30 : memref<625x16xf32, #tpu.memory_space<vmem_shared>>)
      tpu.yield
    }) : () -> ()
    %barrier3A = arith.constant 0 : index
    tpu.barrier barrier_id(%barrier3A)
    %scan3A_10 = arith.constant 0 : i32
    %scan3A_11 = arith.constant 0 : i32
    %scan3A_12 = arith.constant 250 : i32
    %scan3A_13 = arith.addi %scan3A_11, %scan3A_12 : i32
    %scan3A_14 = arith.constant 1 : i32
    %scan3A_15 = scf.for %scan3A_29 = %scan3A_11 to %scan3A_13 step %scan3A_14 iter_args(%scan3A_30 = %scan3A_10) -> (i32)  : i32 {
      %dma_start3A = arith.constant 0 : i32
      %dma_start3A_31 = tpu.memref_slice %arg6[%scan3A_29, %dma_start3A] : memref<250x40xi32, #tpu.memory_space<vmem>> -> memref<1x40xi32, #tpu.memory_space<vmem>>
      %dma_start3A_32 = tpu.memref_squeeze %dma_start3A_31 : memref<1x40xi32, #tpu.memory_space<vmem>> -> memref<40xi32, #tpu.memory_space<vmem>>
      %dma_start3A_33 = arith.constant 0 : i32
      %dma_start3A_34 = arith.constant 0 : i32
      %dma_start3A_35 = tpu.memref_slice %arg5[%dma_start3A_33, %dma_start3A_34] : memref<10000x16xf32, #tpu.memory_space<vmem_shared>> -> memref<10000x16xf32, #tpu.memory_space<vmem_shared>>
      tpu.enqueue_indirect_dma source(%arg7 : memref<40x16xf32, #tpu.memory_space<vmem>>) target(%dma_start3A_35 : memref<10000x16xf32, #tpu.memory_space<vmem_shared>>) offsets(%dma_start3A_32 : memref<40xi32, #tpu.memory_space<vmem>>) semaphore(%arg8 : memref<!tpu.dma_semaphore, #tpu.memory_space<semaphore_mem>>) {add = true}
      %scan3A_36 = arith.constant 0 : i32
      scf.yield %scan3A_36 : i32
    }
    %scan3A_16 = arith.constant 250 : i32
    %scan3A_17 = arith.constant 0 : i32
    %scan3A_18 = arith.constant 0 : i32
    %scan3A_19 = arith.constant 250 : i32
    %scan3A_20 = arith.addi %scan3A_18, %scan3A_19 : i32
    %scan3A_21 = arith.constant 1 : i32
    %scan3A_22 = scf.for %scan3A_29 = %scan3A_18 to %scan3A_20 step %scan3A_21 iter_args(%scan3A_30 = %scan3A_17) -> (i32)  : i32 {
      %dma_wait3A = arith.constant 0 : i32
      %dma_wait3A_31 = tpu.memref_slice %arg6[%scan3A_29, %dma_wait3A] : memref<250x40xi32, #tpu.memory_space<vmem>> -> memref<1x40xi32, #tpu.memory_space<vmem>>
      %dma_wait3A_32 = tpu.memref_squeeze %dma_wait3A_31 : memref<1x40xi32, #tpu.memory_space<vmem>> -> memref<40xi32, #tpu.memory_space<vmem>>
      %dma_wait3A_33 = arith.constant 0 : i32
      %dma_wait3A_34 = arith.constant 0 : i32
      %dma_wait3A_35 = tpu.memref_slice %arg5[%dma_wait3A_33, %dma_wait3A_34] : memref<10000x16xf32, #tpu.memory_space<vmem_shared>> -> memref<10000x16xf32, #tpu.memory_space<vmem_shared>>
      tpu.wait_indirect_dma semaphore(%arg8 : memref<!tpu.dma_semaphore, #tpu.memory_space<semaphore_mem>>) src(%arg7 : memref<40x16xf32, #tpu.memory_space<vmem>>) dst(%dma_wait3A_35 : memref<10000x16xf32, #tpu.memory_space<vmem_shared>>)
      %scan3A_36 = arith.constant 0 : i32
      scf.yield %scan3A_36 : i32
    }
    %scan3A_23 = arith.constant 250 : i32
    %barrier3A_24 = arith.constant 0 : index
    tpu.barrier barrier_id(%barrier3A_24)
    %mul3A_25 = arith.constant 625 : i32
    %mul3A_26 = arith.muli %arg1, %mul3A_25 : i32
    %mul3A_27 = arith.constant 625 : i32
    %mul3A_28 = arith.muli %arg1, %mul3A_27 : i32
    "tpu.region"() ({
      %run_scoped3A = tpu.sem_alloc : memref<!tpu.dma_semaphore, #tpu.memory_space<semaphore_mem>>
      %dma_start3A = arith.constant 0 : i32
      %dma_start3A_29 = tpu.memref_slice %arg4[%arg0, %mul3A_28, %dma_start3A] : memref<2x10000x16xf32, #tpu.memory_space<hbm>> -> memref<1x625x16xf32, #tpu.memory_space<hbm>>
      %dma_start3A_30 = tpu.memref_squeeze %dma_start3A_29 : memref<1x625x16xf32, #tpu.memory_space<hbm>> -> memref<625x16xf32, #tpu.memory_space<hbm>>
      %dma_start3A_31 = arith.constant 0 : i32
      %dma_start3A_32 = tpu.memref_slice %arg5[%mul3A_26, %dma_start3A_31] : memref<10000x16xf32, #tpu.memory_space<vmem_shared>> -> memref<625x16xf32, #tpu.memory_space<vmem_shared>>
      tpu.enqueue_dma source(%dma_start3A_32 : memref<625x16xf32, #tpu.memory_space<vmem_shared>>) target(%dma_start3A_30 : memref<625x16xf32, #tpu.memory_space<hbm>>) target_semaphore(%run_scoped3A : memref<!tpu.dma_semaphore, #tpu.memory_space<semaphore_mem>>)
      %dma_wait3A = arith.constant 0 : i32
      %dma_wait3A_33 = tpu.memref_slice %arg4[%arg0, %mul3A_28, %dma_wait3A] : memref<2x10000x16xf32, #tpu.memory_space<hbm>> -> memref<1x625x16xf32, #tpu.memory_space<hbm>>
      %dma_wait3A_34 = tpu.memref_squeeze %dma_wait3A_33 : memref<1x625x16xf32, #tpu.memory_space<hbm>> -> memref<625x16xf32, #tpu.memory_space<hbm>>
      %dma_wait3A_35 = arith.constant 0 : i32
      %dma_wait3A_36 = tpu.memref_slice %arg5[%mul3A_26, %dma_wait3A_35] : memref<10000x16xf32, #tpu.memory_space<vmem_shared>> -> memref<625x16xf32, #tpu.memory_space<vmem_shared>>
      tpu.wait_dma2 semaphore(%run_scoped3A : memref<!tpu.dma_semaphore, #tpu.memory_space<semaphore_mem>>) src(%dma_wait3A_36 : memref<625x16xf32, #tpu.memory_space<vmem_shared>>) dst(%dma_wait3A_34 : memref<625x16xf32, #tpu.memory_space<hbm>>)
      tpu.yield
    }) : () -> ()
    return
  }
}

#map = affine_map<(d0, d1) -> (0, 0)>
#map1 = affine_map<(d0, d1) -> (0, 0, 0)>
module attributes {stable_mosaic.version = 14 : i64} {
  func.func @_layer_sc(%arg0: i32, %arg1: i32, %arg2: memref<10000x128xf32, #tpu.memory_space<hbm>>, %arg3: memref<32x250x40xi32, #tpu.memory_space<hbm>>, %arg4: memref<32x250x40xi32, #tpu.memory_space<hbm>>, %arg5: memref<625x128xf32, #tpu.memory_space<hbm>>, %arg6: memref<2x10000x128xf32, #tpu.memory_space<hbm>>, %arg7: memref<10000x128xf32, #tpu.memory_space<vmem_shared>>, %arg8: memref<250x40xi32, #tpu.memory_space<vmem>>, %arg9: memref<250x40xi32, #tpu.memory_space<vmem>>, %arg10: memref<40x128xf32, #tpu.memory_space<vmem>>, %arg11: memref<40x128xf32, #tpu.memory_space<vmem>>, %arg12: memref<40x128xf32, #tpu.memory_space<vmem>>, %arg13: memref<40x128xf32, #tpu.memory_space<vmem>>, %arg14: memref<40x128xf32, #tpu.memory_space<vmem>>, %arg15: memref<!tpu.dma_semaphore, #tpu.memory_space<semaphore_mem>>, %arg16: memref<!tpu.dma_semaphore, #tpu.memory_space<semaphore_mem>>, %arg17: memref<!tpu.dma_semaphore, #tpu.memory_space<semaphore_mem>>, %arg18: memref<!tpu.dma_semaphore, #tpu.memory_space<semaphore_mem>>, %arg19: memref<!tpu.dma_semaphore, #tpu.memory_space<semaphore_mem>>, %arg20: memref<!tpu.dma_semaphore, #tpu.memory_space<semaphore_mem>>, %arg21: memref<!tpu.dma_semaphore, #tpu.memory_space<semaphore_mem>>, %arg22: memref<!tpu.dma_semaphore, #tpu.memory_space<semaphore_mem>>, %arg23: memref<!tpu.dma_semaphore, #tpu.memory_space<semaphore_mem>>, %arg24: memref<!tpu.dma_semaphore, #tpu.memory_space<semaphore_mem>>) attributes {dimension_semantics = [#tpu.dimension_semantics<core_parallel>, #tpu.dimension_semantics<subcore_parallel>], iteration_bounds = array<i64: 2, 16>, scalar_prefetch = 0 : i64, scratch_operands = 18 : i64, tpu.core_type = #tpu.core_type<sc_vector_subcore>, window_params = [{transform_indices = #map}, {transform_indices = #map1}, {transform_indices = #map1}, {transform_indices = #map}, {transform_indices = #map1}]} {
    %mul3A = arith.constant 16 : i32
    %mul3A_0 = arith.muli %arg0, %mul3A : i32
    %add3A = arith.addi %mul3A_0, %arg1 : i32
    "tpu.region"() ({
      %run_scoped3A = tpu.sem_alloc : memref<!tpu.dma_semaphore, #tpu.memory_space<semaphore_mem>>
      %dma_start3A_82 = arith.constant 0 : i32
      %dma_start3A_83 = arith.constant 0 : i32
      %dma_start3A_84 = tpu.memref_slice %arg3[%add3A, %dma_start3A_82, %dma_start3A_83] : memref<32x250x40xi32, #tpu.memory_space<hbm>> -> memref<1x250x40xi32, #tpu.memory_space<hbm>>
      %dma_start3A_85 = tpu.memref_squeeze %dma_start3A_84 : memref<1x250x40xi32, #tpu.memory_space<hbm>> -> memref<250x40xi32, #tpu.memory_space<hbm>>
      %dma_start3A_86 = arith.constant 0 : i32
      %dma_start3A_87 = arith.constant 0 : i32
      %dma_start3A_88 = tpu.memref_slice %arg3[%add3A, %dma_start3A_86, %dma_start3A_87] : memref<32x250x40xi32, #tpu.memory_space<hbm>> -> memref<1x250x40xi32, #tpu.memory_space<hbm>>
      %dma_start3A_89 = tpu.memref_squeeze %dma_start3A_88 : memref<1x250x40xi32, #tpu.memory_space<hbm>> -> memref<250x40xi32, #tpu.memory_space<hbm>>
      tpu.enqueue_dma source(%dma_start3A_89 : memref<250x40xi32, #tpu.memory_space<hbm>>) target(%arg8 : memref<250x40xi32, #tpu.memory_space<vmem>>) target_semaphore(%run_scoped3A : memref<!tpu.dma_semaphore, #tpu.memory_space<semaphore_mem>>)
      %dma_wait3A_90 = arith.constant 0 : i32
      %dma_wait3A_91 = arith.constant 0 : i32
      %dma_wait3A_92 = tpu.memref_slice %arg3[%add3A, %dma_wait3A_90, %dma_wait3A_91] : memref<32x250x40xi32, #tpu.memory_space<hbm>> -> memref<1x250x40xi32, #tpu.memory_space<hbm>>
      %dma_wait3A_93 = tpu.memref_squeeze %dma_wait3A_92 : memref<1x250x40xi32, #tpu.memory_space<hbm>> -> memref<250x40xi32, #tpu.memory_space<hbm>>
      %dma_wait3A_94 = arith.constant 0 : i32
      %dma_wait3A_95 = arith.constant 0 : i32
      %dma_wait3A_96 = tpu.memref_slice %arg3[%add3A, %dma_wait3A_94, %dma_wait3A_95] : memref<32x250x40xi32, #tpu.memory_space<hbm>> -> memref<1x250x40xi32, #tpu.memory_space<hbm>>
      %dma_wait3A_97 = tpu.memref_squeeze %dma_wait3A_96 : memref<1x250x40xi32, #tpu.memory_space<hbm>> -> memref<250x40xi32, #tpu.memory_space<hbm>>
      tpu.wait_dma2 semaphore(%run_scoped3A : memref<!tpu.dma_semaphore, #tpu.memory_space<semaphore_mem>>) src(%dma_wait3A_97 : memref<250x40xi32, #tpu.memory_space<hbm>>) dst(%arg8 : memref<250x40xi32, #tpu.memory_space<vmem>>)
      tpu.yield
    }) : () -> ()
    "tpu.region"() ({
      %run_scoped3A = tpu.sem_alloc : memref<!tpu.dma_semaphore, #tpu.memory_space<semaphore_mem>>
      %dma_start3A_82 = arith.constant 0 : i32
      %dma_start3A_83 = arith.constant 0 : i32
      %dma_start3A_84 = tpu.memref_slice %arg4[%add3A, %dma_start3A_82, %dma_start3A_83] : memref<32x250x40xi32, #tpu.memory_space<hbm>> -> memref<1x250x40xi32, #tpu.memory_space<hbm>>
      %dma_start3A_85 = tpu.memref_squeeze %dma_start3A_84 : memref<1x250x40xi32, #tpu.memory_space<hbm>> -> memref<250x40xi32, #tpu.memory_space<hbm>>
      %dma_start3A_86 = arith.constant 0 : i32
      %dma_start3A_87 = arith.constant 0 : i32
      %dma_start3A_88 = tpu.memref_slice %arg4[%add3A, %dma_start3A_86, %dma_start3A_87] : memref<32x250x40xi32, #tpu.memory_space<hbm>> -> memref<1x250x40xi32, #tpu.memory_space<hbm>>
      %dma_start3A_89 = tpu.memref_squeeze %dma_start3A_88 : memref<1x250x40xi32, #tpu.memory_space<hbm>> -> memref<250x40xi32, #tpu.memory_space<hbm>>
      tpu.enqueue_dma source(%dma_start3A_89 : memref<250x40xi32, #tpu.memory_space<hbm>>) target(%arg9 : memref<250x40xi32, #tpu.memory_space<vmem>>) target_semaphore(%run_scoped3A : memref<!tpu.dma_semaphore, #tpu.memory_space<semaphore_mem>>)
      %dma_wait3A_90 = arith.constant 0 : i32
      %dma_wait3A_91 = arith.constant 0 : i32
      %dma_wait3A_92 = tpu.memref_slice %arg4[%add3A, %dma_wait3A_90, %dma_wait3A_91] : memref<32x250x40xi32, #tpu.memory_space<hbm>> -> memref<1x250x40xi32, #tpu.memory_space<hbm>>
      %dma_wait3A_93 = tpu.memref_squeeze %dma_wait3A_92 : memref<1x250x40xi32, #tpu.memory_space<hbm>> -> memref<250x40xi32, #tpu.memory_space<hbm>>
      %dma_wait3A_94 = arith.constant 0 : i32
      %dma_wait3A_95 = arith.constant 0 : i32
      %dma_wait3A_96 = tpu.memref_slice %arg4[%add3A, %dma_wait3A_94, %dma_wait3A_95] : memref<32x250x40xi32, #tpu.memory_space<hbm>> -> memref<1x250x40xi32, #tpu.memory_space<hbm>>
      %dma_wait3A_97 = tpu.memref_squeeze %dma_wait3A_96 : memref<1x250x40xi32, #tpu.memory_space<hbm>> -> memref<250x40xi32, #tpu.memory_space<hbm>>
      tpu.wait_dma2 semaphore(%run_scoped3A : memref<!tpu.dma_semaphore, #tpu.memory_space<semaphore_mem>>) src(%dma_wait3A_97 : memref<250x40xi32, #tpu.memory_space<hbm>>) dst(%arg9 : memref<250x40xi32, #tpu.memory_space<vmem>>)
      tpu.yield
    }) : () -> ()
    %dma_start3A = arith.constant 0 : i32
    %dma_start3A_1 = arith.constant 0 : i32
    %dma_start3A_2 = tpu.memref_slice %arg8[%dma_start3A, %dma_start3A_1] : memref<250x40xi32, #tpu.memory_space<vmem>> -> memref<1x40xi32, #tpu.memory_space<vmem>>
    %dma_start3A_3 = tpu.memref_squeeze %dma_start3A_2 : memref<1x40xi32, #tpu.memory_space<vmem>> -> memref<40xi32, #tpu.memory_space<vmem>>
    %dma_start3A_4 = arith.constant 0 : i32
    %dma_start3A_5 = arith.constant 0 : i32
    %dma_start3A_6 = tpu.memref_slice %arg2[%dma_start3A_4, %dma_start3A_5] : memref<10000x128xf32, #tpu.memory_space<hbm>> -> memref<10000x128xf32, #tpu.memory_space<hbm>>
    tpu.enqueue_indirect_dma source(%dma_start3A_6 : memref<10000x128xf32, #tpu.memory_space<hbm>>) target(%arg10 : memref<40x128xf32, #tpu.memory_space<vmem>>) offsets(%dma_start3A_3 : memref<40xi32, #tpu.memory_space<vmem>>) semaphore(%arg15 : memref<!tpu.dma_semaphore, #tpu.memory_space<semaphore_mem>>)
    %dma_start3A_7 = arith.constant 1 : i32
    %dma_start3A_8 = arith.constant 0 : i32
    %dma_start3A_9 = tpu.memref_slice %arg8[%dma_start3A_7, %dma_start3A_8] : memref<250x40xi32, #tpu.memory_space<vmem>> -> memref<1x40xi32, #tpu.memory_space<vmem>>
    %dma_start3A_10 = tpu.memref_squeeze %dma_start3A_9 : memref<1x40xi32, #tpu.memory_space<vmem>> -> memref<40xi32, #tpu.memory_space<vmem>>
    %dma_start3A_11 = arith.constant 0 : i32
    %dma_start3A_12 = arith.constant 0 : i32
    %dma_start3A_13 = tpu.memref_slice %arg2[%dma_start3A_11, %dma_start3A_12] : memref<10000x128xf32, #tpu.memory_space<hbm>> -> memref<10000x128xf32, #tpu.memory_space<hbm>>
    tpu.enqueue_indirect_dma source(%dma_start3A_13 : memref<10000x128xf32, #tpu.memory_space<hbm>>) target(%arg11 : memref<40x128xf32, #tpu.memory_space<vmem>>) offsets(%dma_start3A_10 : memref<40xi32, #tpu.memory_space<vmem>>) semaphore(%arg16 : memref<!tpu.dma_semaphore, #tpu.memory_space<semaphore_mem>>)
    %dma_start3A_14 = arith.constant 2 : i32
    %dma_start3A_15 = arith.constant 0 : i32
    %dma_start3A_16 = tpu.memref_slice %arg8[%dma_start3A_14, %dma_start3A_15] : memref<250x40xi32, #tpu.memory_space<vmem>> -> memref<1x40xi32, #tpu.memory_space<vmem>>
    %dma_start3A_17 = tpu.memref_squeeze %dma_start3A_16 : memref<1x40xi32, #tpu.memory_space<vmem>> -> memref<40xi32, #tpu.memory_space<vmem>>
    %dma_start3A_18 = arith.constant 0 : i32
    %dma_start3A_19 = arith.constant 0 : i32
    %dma_start3A_20 = tpu.memref_slice %arg2[%dma_start3A_18, %dma_start3A_19] : memref<10000x128xf32, #tpu.memory_space<hbm>> -> memref<10000x128xf32, #tpu.memory_space<hbm>>
    tpu.enqueue_indirect_dma source(%dma_start3A_20 : memref<10000x128xf32, #tpu.memory_space<hbm>>) target(%arg12 : memref<40x128xf32, #tpu.memory_space<vmem>>) offsets(%dma_start3A_17 : memref<40xi32, #tpu.memory_space<vmem>>) semaphore(%arg17 : memref<!tpu.dma_semaphore, #tpu.memory_space<semaphore_mem>>)
    %dma_start3A_21 = arith.constant 3 : i32
    %dma_start3A_22 = arith.constant 0 : i32
    %dma_start3A_23 = tpu.memref_slice %arg8[%dma_start3A_21, %dma_start3A_22] : memref<250x40xi32, #tpu.memory_space<vmem>> -> memref<1x40xi32, #tpu.memory_space<vmem>>
    %dma_start3A_24 = tpu.memref_squeeze %dma_start3A_23 : memref<1x40xi32, #tpu.memory_space<vmem>> -> memref<40xi32, #tpu.memory_space<vmem>>
    %dma_start3A_25 = arith.constant 0 : i32
    %dma_start3A_26 = arith.constant 0 : i32
    %dma_start3A_27 = tpu.memref_slice %arg2[%dma_start3A_25, %dma_start3A_26] : memref<10000x128xf32, #tpu.memory_space<hbm>> -> memref<10000x128xf32, #tpu.memory_space<hbm>>
    tpu.enqueue_indirect_dma source(%dma_start3A_27 : memref<10000x128xf32, #tpu.memory_space<hbm>>) target(%arg13 : memref<40x128xf32, #tpu.memory_space<vmem>>) offsets(%dma_start3A_24 : memref<40xi32, #tpu.memory_space<vmem>>) semaphore(%arg18 : memref<!tpu.dma_semaphore, #tpu.memory_space<semaphore_mem>>)
    %dma_start3A_28 = arith.constant 4 : i32
    %dma_start3A_29 = arith.constant 0 : i32
    %dma_start3A_30 = tpu.memref_slice %arg8[%dma_start3A_28, %dma_start3A_29] : memref<250x40xi32, #tpu.memory_space<vmem>> -> memref<1x40xi32, #tpu.memory_space<vmem>>
    %dma_start3A_31 = tpu.memref_squeeze %dma_start3A_30 : memref<1x40xi32, #tpu.memory_space<vmem>> -> memref<40xi32, #tpu.memory_space<vmem>>
    %dma_start3A_32 = arith.constant 0 : i32
    %dma_start3A_33 = arith.constant 0 : i32
    %dma_start3A_34 = tpu.memref_slice %arg2[%dma_start3A_32, %dma_start3A_33] : memref<10000x128xf32, #tpu.memory_space<hbm>> -> memref<10000x128xf32, #tpu.memory_space<hbm>>
    tpu.enqueue_indirect_dma source(%dma_start3A_34 : memref<10000x128xf32, #tpu.memory_space<hbm>>) target(%arg14 : memref<40x128xf32, #tpu.memory_space<vmem>>) offsets(%dma_start3A_31 : memref<40xi32, #tpu.memory_space<vmem>>) semaphore(%arg19 : memref<!tpu.dma_semaphore, #tpu.memory_space<semaphore_mem>>)
    %mul3A_35 = arith.constant 625 : i32
    %mul3A_36 = arith.muli %arg1, %mul3A_35 : i32
    "tpu.region"() ({
      %run_scoped3A = tpu.sem_alloc : memref<!tpu.dma_semaphore, #tpu.memory_space<semaphore_mem>>
      %dma_start3A_82 = arith.constant 0 : i32
      %dma_start3A_83 = tpu.memref_slice %arg7[%mul3A_36, %dma_start3A_82] : memref<10000x128xf32, #tpu.memory_space<vmem_shared>> -> memref<625x128xf32, #tpu.memory_space<vmem_shared>>
      tpu.enqueue_dma source(%arg5 : memref<625x128xf32, #tpu.memory_space<hbm>>) target(%dma_start3A_83 : memref<625x128xf32, #tpu.memory_space<vmem_shared>>) target_semaphore(%run_scoped3A : memref<!tpu.dma_semaphore, #tpu.memory_space<semaphore_mem>>)
      %dma_wait3A_84 = arith.constant 0 : i32
      %dma_wait3A_85 = tpu.memref_slice %arg7[%mul3A_36, %dma_wait3A_84] : memref<10000x128xf32, #tpu.memory_space<vmem_shared>> -> memref<625x128xf32, #tpu.memory_space<vmem_shared>>
      tpu.wait_dma2 semaphore(%run_scoped3A : memref<!tpu.dma_semaphore, #tpu.memory_space<semaphore_mem>>) src(%arg5 : memref<625x128xf32, #tpu.memory_space<hbm>>) dst(%dma_wait3A_85 : memref<625x128xf32, #tpu.memory_space<vmem_shared>>)
      tpu.yield
    }) : () -> ()
    %barrier3A = arith.constant 0 : index
    tpu.barrier barrier_id(%barrier3A)
    %scan3A = arith.constant 0 : i32
    %scan3A_37 = arith.constant 0 : i32
    %scan3A_38 = arith.constant 50 : i32
    %scan3A_39 = arith.addi %scan3A_37, %scan3A_38 : i32
    %scan3A_40 = arith.constant 1 : i32
    %scan3A_41 = scf.for %scan3A_82 = %scan3A_37 to %scan3A_39 step %scan3A_40 iter_args(%scan3A_83 = %scan3A) -> (i32)  : i32 {
      %mul3A_84 = arith.constant 5 : i32
      %mul3A_85 = arith.muli %scan3A_82, %mul3A_84 : i32
      %add3A_86 = arith.constant 0 : i32
      %add3A_87 = arith.addi %mul3A_85, %add3A_86 : i32
      %dma_wait3A_88 = arith.constant 0 : i32
      %dma_wait3A_89 = tpu.memref_slice %arg8[%add3A_87, %dma_wait3A_88] : memref<250x40xi32, #tpu.memory_space<vmem>> -> memref<1x40xi32, #tpu.memory_space<vmem>>
      %dma_wait3A_90 = tpu.memref_squeeze %dma_wait3A_89 : memref<1x40xi32, #tpu.memory_space<vmem>> -> memref<40xi32, #tpu.memory_space<vmem>>
      %dma_wait3A_91 = arith.constant 0 : i32
      %dma_wait3A_92 = arith.constant 0 : i32
      %dma_wait3A_93 = tpu.memref_slice %arg2[%dma_wait3A_91, %dma_wait3A_92] : memref<10000x128xf32, #tpu.memory_space<hbm>> -> memref<10000x128xf32, #tpu.memory_space<hbm>>
      tpu.wait_indirect_dma semaphore(%arg15 : memref<!tpu.dma_semaphore, #tpu.memory_space<semaphore_mem>>) src(%dma_wait3A_93 : memref<10000x128xf32, #tpu.memory_space<hbm>>) dst(%arg10 : memref<40x128xf32, #tpu.memory_space<vmem>>)
      %dma_start3A_94 = arith.constant 0 : i32
      %dma_start3A_95 = tpu.memref_slice %arg9[%add3A_87, %dma_start3A_94] : memref<250x40xi32, #tpu.memory_space<vmem>> -> memref<1x40xi32, #tpu.memory_space<vmem>>
      %dma_start3A_96 = tpu.memref_squeeze %dma_start3A_95 : memref<1x40xi32, #tpu.memory_space<vmem>> -> memref<40xi32, #tpu.memory_space<vmem>>
      %dma_start3A_97 = arith.constant 0 : i32
      %dma_start3A_98 = arith.constant 0 : i32
      %dma_start3A_99 = tpu.memref_slice %arg7[%dma_start3A_97, %dma_start3A_98] : memref<10000x128xf32, #tpu.memory_space<vmem_shared>> -> memref<10000x128xf32, #tpu.memory_space<vmem_shared>>
      tpu.enqueue_indirect_dma source(%arg10 : memref<40x128xf32, #tpu.memory_space<vmem>>) target(%dma_start3A_99 : memref<10000x128xf32, #tpu.memory_space<vmem_shared>>) offsets(%dma_start3A_96 : memref<40xi32, #tpu.memory_space<vmem>>) semaphore(%arg20 : memref<!tpu.dma_semaphore, #tpu.memory_space<semaphore_mem>>) {add = true}
      %mul3A_100 = arith.constant 5 : i32
      %mul3A_101 = arith.muli %scan3A_82, %mul3A_100 : i32
      %add3A_102 = arith.constant 1 : i32
      %add3A_103 = arith.addi %mul3A_101, %add3A_102 : i32
      %dma_wait3A_104 = arith.constant 0 : i32
      %dma_wait3A_105 = tpu.memref_slice %arg8[%add3A_103, %dma_wait3A_104] : memref<250x40xi32, #tpu.memory_space<vmem>> -> memref<1x40xi32, #tpu.memory_space<vmem>>
      %dma_wait3A_106 = tpu.memref_squeeze %dma_wait3A_105 : memref<1x40xi32, #tpu.memory_space<vmem>> -> memref<40xi32, #tpu.memory_space<vmem>>
      %dma_wait3A_107 = arith.constant 0 : i32
      %dma_wait3A_108 = arith.constant 0 : i32
      %dma_wait3A_109 = tpu.memref_slice %arg2[%dma_wait3A_107, %dma_wait3A_108] : memref<10000x128xf32, #tpu.memory_space<hbm>> -> memref<10000x128xf32, #tpu.memory_space<hbm>>
      tpu.wait_indirect_dma semaphore(%arg16 : memref<!tpu.dma_semaphore, #tpu.memory_space<semaphore_mem>>) src(%dma_wait3A_109 : memref<10000x128xf32, #tpu.memory_space<hbm>>) dst(%arg11 : memref<40x128xf32, #tpu.memory_space<vmem>>)
      %dma_start3A_110 = arith.constant 0 : i32
      %dma_start3A_111 = tpu.memref_slice %arg9[%add3A_103, %dma_start3A_110] : memref<250x40xi32, #tpu.memory_space<vmem>> -> memref<1x40xi32, #tpu.memory_space<vmem>>
      %dma_start3A_112 = tpu.memref_squeeze %dma_start3A_111 : memref<1x40xi32, #tpu.memory_space<vmem>> -> memref<40xi32, #tpu.memory_space<vmem>>
      %dma_start3A_113 = arith.constant 0 : i32
      %dma_start3A_114 = arith.constant 0 : i32
      %dma_start3A_115 = tpu.memref_slice %arg7[%dma_start3A_113, %dma_start3A_114] : memref<10000x128xf32, #tpu.memory_space<vmem_shared>> -> memref<10000x128xf32, #tpu.memory_space<vmem_shared>>
      tpu.enqueue_indirect_dma source(%arg11 : memref<40x128xf32, #tpu.memory_space<vmem>>) target(%dma_start3A_115 : memref<10000x128xf32, #tpu.memory_space<vmem_shared>>) offsets(%dma_start3A_112 : memref<40xi32, #tpu.memory_space<vmem>>) semaphore(%arg21 : memref<!tpu.dma_semaphore, #tpu.memory_space<semaphore_mem>>) {add = true}
      %mul3A_116 = arith.constant 5 : i32
      %mul3A_117 = arith.muli %scan3A_82, %mul3A_116 : i32
      %add3A_118 = arith.constant 2 : i32
      %add3A_119 = arith.addi %mul3A_117, %add3A_118 : i32
      %dma_wait3A_120 = arith.constant 0 : i32
      %dma_wait3A_121 = tpu.memref_slice %arg8[%add3A_119, %dma_wait3A_120] : memref<250x40xi32, #tpu.memory_space<vmem>> -> memref<1x40xi32, #tpu.memory_space<vmem>>
      %dma_wait3A_122 = tpu.memref_squeeze %dma_wait3A_121 : memref<1x40xi32, #tpu.memory_space<vmem>> -> memref<40xi32, #tpu.memory_space<vmem>>
      %dma_wait3A_123 = arith.constant 0 : i32
      %dma_wait3A_124 = arith.constant 0 : i32
      %dma_wait3A_125 = tpu.memref_slice %arg2[%dma_wait3A_123, %dma_wait3A_124] : memref<10000x128xf32, #tpu.memory_space<hbm>> -> memref<10000x128xf32, #tpu.memory_space<hbm>>
      tpu.wait_indirect_dma semaphore(%arg17 : memref<!tpu.dma_semaphore, #tpu.memory_space<semaphore_mem>>) src(%dma_wait3A_125 : memref<10000x128xf32, #tpu.memory_space<hbm>>) dst(%arg12 : memref<40x128xf32, #tpu.memory_space<vmem>>)
      %dma_start3A_126 = arith.constant 0 : i32
      %dma_start3A_127 = tpu.memref_slice %arg9[%add3A_119, %dma_start3A_126] : memref<250x40xi32, #tpu.memory_space<vmem>> -> memref<1x40xi32, #tpu.memory_space<vmem>>
      %dma_start3A_128 = tpu.memref_squeeze %dma_start3A_127 : memref<1x40xi32, #tpu.memory_space<vmem>> -> memref<40xi32, #tpu.memory_space<vmem>>
      %dma_start3A_129 = arith.constant 0 : i32
      %dma_start3A_130 = arith.constant 0 : i32
      %dma_start3A_131 = tpu.memref_slice %arg7[%dma_start3A_129, %dma_start3A_130] : memref<10000x128xf32, #tpu.memory_space<vmem_shared>> -> memref<10000x128xf32, #tpu.memory_space<vmem_shared>>
      tpu.enqueue_indirect_dma source(%arg12 : memref<40x128xf32, #tpu.memory_space<vmem>>) target(%dma_start3A_131 : memref<10000x128xf32, #tpu.memory_space<vmem_shared>>) offsets(%dma_start3A_128 : memref<40xi32, #tpu.memory_space<vmem>>) semaphore(%arg22 : memref<!tpu.dma_semaphore, #tpu.memory_space<semaphore_mem>>) {add = true}
      %mul3A_132 = arith.constant 5 : i32
      %mul3A_133 = arith.muli %scan3A_82, %mul3A_132 : i32
      %add3A_134 = arith.constant 3 : i32
      %add3A_135 = arith.addi %mul3A_133, %add3A_134 : i32
      %dma_wait3A_136 = arith.constant 0 : i32
      %dma_wait3A_137 = tpu.memref_slice %arg8[%add3A_135, %dma_wait3A_136] : memref<250x40xi32, #tpu.memory_space<vmem>> -> memref<1x40xi32, #tpu.memory_space<vmem>>
      %dma_wait3A_138 = tpu.memref_squeeze %dma_wait3A_137 : memref<1x40xi32, #tpu.memory_space<vmem>> -> memref<40xi32, #tpu.memory_space<vmem>>
      %dma_wait3A_139 = arith.constant 0 : i32
      %dma_wait3A_140 = arith.constant 0 : i32
      %dma_wait3A_141 = tpu.memref_slice %arg2[%dma_wait3A_139, %dma_wait3A_140] : memref<10000x128xf32, #tpu.memory_space<hbm>> -> memref<10000x128xf32, #tpu.memory_space<hbm>>
      tpu.wait_indirect_dma semaphore(%arg18 : memref<!tpu.dma_semaphore, #tpu.memory_space<semaphore_mem>>) src(%dma_wait3A_141 : memref<10000x128xf32, #tpu.memory_space<hbm>>) dst(%arg13 : memref<40x128xf32, #tpu.memory_space<vmem>>)
      %dma_start3A_142 = arith.constant 0 : i32
      %dma_start3A_143 = tpu.memref_slice %arg9[%add3A_135, %dma_start3A_142] : memref<250x40xi32, #tpu.memory_space<vmem>> -> memref<1x40xi32, #tpu.memory_space<vmem>>
      %dma_start3A_144 = tpu.memref_squeeze %dma_start3A_143 : memref<1x40xi32, #tpu.memory_space<vmem>> -> memref<40xi32, #tpu.memory_space<vmem>>
      %dma_start3A_145 = arith.constant 0 : i32
      %dma_start3A_146 = arith.constant 0 : i32
      %dma_start3A_147 = tpu.memref_slice %arg7[%dma_start3A_145, %dma_start3A_146] : memref<10000x128xf32, #tpu.memory_space<vmem_shared>> -> memref<10000x128xf32, #tpu.memory_space<vmem_shared>>
      tpu.enqueue_indirect_dma source(%arg13 : memref<40x128xf32, #tpu.memory_space<vmem>>) target(%dma_start3A_147 : memref<10000x128xf32, #tpu.memory_space<vmem_shared>>) offsets(%dma_start3A_144 : memref<40xi32, #tpu.memory_space<vmem>>) semaphore(%arg23 : memref<!tpu.dma_semaphore, #tpu.memory_space<semaphore_mem>>) {add = true}
      %mul3A_148 = arith.constant 5 : i32
      %mul3A_149 = arith.muli %scan3A_82, %mul3A_148 : i32
      %add3A_150 = arith.constant 4 : i32
      %add3A_151 = arith.addi %mul3A_149, %add3A_150 : i32
      %dma_wait3A_152 = arith.constant 0 : i32
      %dma_wait3A_153 = tpu.memref_slice %arg8[%add3A_151, %dma_wait3A_152] : memref<250x40xi32, #tpu.memory_space<vmem>> -> memref<1x40xi32, #tpu.memory_space<vmem>>
      %dma_wait3A_154 = tpu.memref_squeeze %dma_wait3A_153 : memref<1x40xi32, #tpu.memory_space<vmem>> -> memref<40xi32, #tpu.memory_space<vmem>>
      %dma_wait3A_155 = arith.constant 0 : i32
      %dma_wait3A_156 = arith.constant 0 : i32
      %dma_wait3A_157 = tpu.memref_slice %arg2[%dma_wait3A_155, %dma_wait3A_156] : memref<10000x128xf32, #tpu.memory_space<hbm>> -> memref<10000x128xf32, #tpu.memory_space<hbm>>
      tpu.wait_indirect_dma semaphore(%arg19 : memref<!tpu.dma_semaphore, #tpu.memory_space<semaphore_mem>>) src(%dma_wait3A_157 : memref<10000x128xf32, #tpu.memory_space<hbm>>) dst(%arg14 : memref<40x128xf32, #tpu.memory_space<vmem>>)
      %dma_start3A_158 = arith.constant 0 : i32
      %dma_start3A_159 = tpu.memref_slice %arg9[%add3A_151, %dma_start3A_158] : memref<250x40xi32, #tpu.memory_space<vmem>> -> memref<1x40xi32, #tpu.memory_space<vmem>>
      %dma_start3A_160 = tpu.memref_squeeze %dma_start3A_159 : memref<1x40xi32, #tpu.memory_space<vmem>> -> memref<40xi32, #tpu.memory_space<vmem>>
      %dma_start3A_161 = arith.constant 0 : i32
      %dma_start3A_162 = arith.constant 0 : i32
      %dma_start3A_163 = tpu.memref_slice %arg7[%dma_start3A_161, %dma_start3A_162] : memref<10000x128xf32, #tpu.memory_space<vmem_shared>> -> memref<10000x128xf32, #tpu.memory_space<vmem_shared>>
      tpu.enqueue_indirect_dma source(%arg14 : memref<40x128xf32, #tpu.memory_space<vmem>>) target(%dma_start3A_163 : memref<10000x128xf32, #tpu.memory_space<vmem_shared>>) offsets(%dma_start3A_160 : memref<40xi32, #tpu.memory_space<vmem>>) semaphore(%arg24 : memref<!tpu.dma_semaphore, #tpu.memory_space<semaphore_mem>>) {add = true}
      %add3A_164 = arith.constant 1 : i32
      %add3A_165 = arith.addi %scan3A_82, %add3A_164 : i32
      %mul3A_166 = arith.constant 5 : i32
      %mul3A_167 = arith.muli %add3A_165, %mul3A_166 : i32
      %add3A_168 = arith.constant 0 : i32
      %add3A_169 = arith.addi %mul3A_167, %add3A_168 : i32
      %lt3A = arith.constant 250 : i32
      %lt3A_170 = arith.cmpi slt, %add3A_169, %lt3A : i32
      %convert_element_type3A = arith.extui %lt3A_170 : i1 to i32
      %cond3A = arith.constant 0 : i32
      %cond3A_171 = arith.cmpi ne, %convert_element_type3A, %cond3A : i32
      scf.if %cond3A_171 {
        %mul3A_217 = arith.constant 5 : i32
        %mul3A_218 = arith.muli %scan3A_82, %mul3A_217 : i32
        %add3A_219 = arith.constant 0 : i32
        %add3A_220 = arith.addi %mul3A_218, %add3A_219 : i32
        %dma_wait3A_221 = arith.constant 0 : i32
        %dma_wait3A_222 = tpu.memref_slice %arg9[%add3A_220, %dma_wait3A_221] : memref<250x40xi32, #tpu.memory_space<vmem>> -> memref<1x40xi32, #tpu.memory_space<vmem>>
        %dma_wait3A_223 = tpu.memref_squeeze %dma_wait3A_222 : memref<1x40xi32, #tpu.memory_space<vmem>> -> memref<40xi32, #tpu.memory_space<vmem>>
        %dma_wait3A_224 = arith.constant 0 : i32
        %dma_wait3A_225 = arith.constant 0 : i32
        %dma_wait3A_226 = tpu.memref_slice %arg7[%dma_wait3A_224, %dma_wait3A_225] : memref<10000x128xf32, #tpu.memory_space<vmem_shared>> -> memref<10000x128xf32, #tpu.memory_space<vmem_shared>>
        tpu.wait_indirect_dma semaphore(%arg20 : memref<!tpu.dma_semaphore, #tpu.memory_space<semaphore_mem>>) src(%arg10 : memref<40x128xf32, #tpu.memory_space<vmem>>) dst(%dma_wait3A_226 : memref<10000x128xf32, #tpu.memory_space<vmem_shared>>)
        %dma_start3A_227 = arith.constant 0 : i32
        %dma_start3A_228 = tpu.memref_slice %arg8[%add3A_169, %dma_start3A_227] : memref<250x40xi32, #tpu.memory_space<vmem>> -> memref<1x40xi32, #tpu.memory_space<vmem>>
        %dma_start3A_229 = tpu.memref_squeeze %dma_start3A_228 : memref<1x40xi32, #tpu.memory_space<vmem>> -> memref<40xi32, #tpu.memory_space<vmem>>
        %dma_start3A_230 = arith.constant 0 : i32
        %dma_start3A_231 = arith.constant 0 : i32
        %dma_start3A_232 = tpu.memref_slice %arg2[%dma_start3A_230, %dma_start3A_231] : memref<10000x128xf32, #tpu.memory_space<hbm>> -> memref<10000x128xf32, #tpu.memory_space<hbm>>
        tpu.enqueue_indirect_dma source(%dma_start3A_232 : memref<10000x128xf32, #tpu.memory_space<hbm>>) target(%arg10 : memref<40x128xf32, #tpu.memory_space<vmem>>) offsets(%dma_start3A_229 : memref<40xi32, #tpu.memory_space<vmem>>) semaphore(%arg15 : memref<!tpu.dma_semaphore, #tpu.memory_space<semaphore_mem>>)
      } else {
      }
      %add3A_172 = arith.constant 1 : i32
      %add3A_173 = arith.addi %scan3A_82, %add3A_172 : i32
      %mul3A_174 = arith.constant 5 : i32
      %mul3A_175 = arith.muli %add3A_173, %mul3A_174 : i32
      %add3A_176 = arith.constant 1 : i32
      %add3A_177 = arith.addi %mul3A_175, %add3A_176 : i32
      %lt3A_178 = arith.constant 250 : i32
      %lt3A_179 = arith.cmpi slt, %add3A_177, %lt3A_178 : i32
      %convert_element_type3A_180 = arith.extui %lt3A_179 : i1 to i32
      %cond3A_181 = arith.constant 0 : i32
      %cond3A_182 = arith.cmpi ne, %convert_element_type3A_180, %cond3A_181 : i32
      scf.if %cond3A_182 {
        %mul3A_217 = arith.constant 5 : i32
        %mul3A_218 = arith.muli %scan3A_82, %mul3A_217 : i32
        %add3A_219 = arith.constant 1 : i32
        %add3A_220 = arith.addi %mul3A_218, %add3A_219 : i32
        %dma_wait3A_221 = arith.constant 0 : i32
        %dma_wait3A_222 = tpu.memref_slice %arg9[%add3A_220, %dma_wait3A_221] : memref<250x40xi32, #tpu.memory_space<vmem>> -> memref<1x40xi32, #tpu.memory_space<vmem>>
        %dma_wait3A_223 = tpu.memref_squeeze %dma_wait3A_222 : memref<1x40xi32, #tpu.memory_space<vmem>> -> memref<40xi32, #tpu.memory_space<vmem>>
        %dma_wait3A_224 = arith.constant 0 : i32
        %dma_wait3A_225 = arith.constant 0 : i32
        %dma_wait3A_226 = tpu.memref_slice %arg7[%dma_wait3A_224, %dma_wait3A_225] : memref<10000x128xf32, #tpu.memory_space<vmem_shared>> -> memref<10000x128xf32, #tpu.memory_space<vmem_shared>>
        tpu.wait_indirect_dma semaphore(%arg21 : memref<!tpu.dma_semaphore, #tpu.memory_space<semaphore_mem>>) src(%arg11 : memref<40x128xf32, #tpu.memory_space<vmem>>) dst(%dma_wait3A_226 : memref<10000x128xf32, #tpu.memory_space<vmem_shared>>)
        %dma_start3A_227 = arith.constant 0 : i32
        %dma_start3A_228 = tpu.memref_slice %arg8[%add3A_177, %dma_start3A_227] : memref<250x40xi32, #tpu.memory_space<vmem>> -> memref<1x40xi32, #tpu.memory_space<vmem>>
        %dma_start3A_229 = tpu.memref_squeeze %dma_start3A_228 : memref<1x40xi32, #tpu.memory_space<vmem>> -> memref<40xi32, #tpu.memory_space<vmem>>
        %dma_start3A_230 = arith.constant 0 : i32
        %dma_start3A_231 = arith.constant 0 : i32
        %dma_start3A_232 = tpu.memref_slice %arg2[%dma_start3A_230, %dma_start3A_231] : memref<10000x128xf32, #tpu.memory_space<hbm>> -> memref<10000x128xf32, #tpu.memory_space<hbm>>
        tpu.enqueue_indirect_dma source(%dma_start3A_232 : memref<10000x128xf32, #tpu.memory_space<hbm>>) target(%arg11 : memref<40x128xf32, #tpu.memory_space<vmem>>) offsets(%dma_start3A_229 : memref<40xi32, #tpu.memory_space<vmem>>) semaphore(%arg16 : memref<!tpu.dma_semaphore, #tpu.memory_space<semaphore_mem>>)
      } else {
      }
      %add3A_183 = arith.constant 1 : i32
      %add3A_184 = arith.addi %scan3A_82, %add3A_183 : i32
      %mul3A_185 = arith.constant 5 : i32
      %mul3A_186 = arith.muli %add3A_184, %mul3A_185 : i32
      %add3A_187 = arith.constant 2 : i32
      %add3A_188 = arith.addi %mul3A_186, %add3A_187 : i32
      %lt3A_189 = arith.constant 250 : i32
      %lt3A_190 = arith.cmpi slt, %add3A_188, %lt3A_189 : i32
      %convert_element_type3A_191 = arith.extui %lt3A_190 : i1 to i32
      %cond3A_192 = arith.constant 0 : i32
      %cond3A_193 = arith.cmpi ne, %convert_element_type3A_191, %cond3A_192 : i32
      scf.if %cond3A_193 {
        %mul3A_217 = arith.constant 5 : i32
        %mul3A_218 = arith.muli %scan3A_82, %mul3A_217 : i32
        %add3A_219 = arith.constant 2 : i32
        %add3A_220 = arith.addi %mul3A_218, %add3A_219 : i32
        %dma_wait3A_221 = arith.constant 0 : i32
        %dma_wait3A_222 = tpu.memref_slice %arg9[%add3A_220, %dma_wait3A_221] : memref<250x40xi32, #tpu.memory_space<vmem>> -> memref<1x40xi32, #tpu.memory_space<vmem>>
        %dma_wait3A_223 = tpu.memref_squeeze %dma_wait3A_222 : memref<1x40xi32, #tpu.memory_space<vmem>> -> memref<40xi32, #tpu.memory_space<vmem>>
        %dma_wait3A_224 = arith.constant 0 : i32
        %dma_wait3A_225 = arith.constant 0 : i32
        %dma_wait3A_226 = tpu.memref_slice %arg7[%dma_wait3A_224, %dma_wait3A_225] : memref<10000x128xf32, #tpu.memory_space<vmem_shared>> -> memref<10000x128xf32, #tpu.memory_space<vmem_shared>>
        tpu.wait_indirect_dma semaphore(%arg22 : memref<!tpu.dma_semaphore, #tpu.memory_space<semaphore_mem>>) src(%arg12 : memref<40x128xf32, #tpu.memory_space<vmem>>) dst(%dma_wait3A_226 : memref<10000x128xf32, #tpu.memory_space<vmem_shared>>)
        %dma_start3A_227 = arith.constant 0 : i32
        %dma_start3A_228 = tpu.memref_slice %arg8[%add3A_188, %dma_start3A_227] : memref<250x40xi32, #tpu.memory_space<vmem>> -> memref<1x40xi32, #tpu.memory_space<vmem>>
        %dma_start3A_229 = tpu.memref_squeeze %dma_start3A_228 : memref<1x40xi32, #tpu.memory_space<vmem>> -> memref<40xi32, #tpu.memory_space<vmem>>
        %dma_start3A_230 = arith.constant 0 : i32
        %dma_start3A_231 = arith.constant 0 : i32
        %dma_start3A_232 = tpu.memref_slice %arg2[%dma_start3A_230, %dma_start3A_231] : memref<10000x128xf32, #tpu.memory_space<hbm>> -> memref<10000x128xf32, #tpu.memory_space<hbm>>
        tpu.enqueue_indirect_dma source(%dma_start3A_232 : memref<10000x128xf32, #tpu.memory_space<hbm>>) target(%arg12 : memref<40x128xf32, #tpu.memory_space<vmem>>) offsets(%dma_start3A_229 : memref<40xi32, #tpu.memory_space<vmem>>) semaphore(%arg17 : memref<!tpu.dma_semaphore, #tpu.memory_space<semaphore_mem>>)
      } else {
      }
      %add3A_194 = arith.constant 1 : i32
      %add3A_195 = arith.addi %scan3A_82, %add3A_194 : i32
      %mul3A_196 = arith.constant 5 : i32
      %mul3A_197 = arith.muli %add3A_195, %mul3A_196 : i32
      %add3A_198 = arith.constant 3 : i32
      %add3A_199 = arith.addi %mul3A_197, %add3A_198 : i32
      %lt3A_200 = arith.constant 250 : i32
      %lt3A_201 = arith.cmpi slt, %add3A_199, %lt3A_200 : i32
      %convert_element_type3A_202 = arith.extui %lt3A_201 : i1 to i32
      %cond3A_203 = arith.constant 0 : i32
      %cond3A_204 = arith.cmpi ne, %convert_element_type3A_202, %cond3A_203 : i32
      scf.if %cond3A_204 {
        %mul3A_217 = arith.constant 5 : i32
        %mul3A_218 = arith.muli %scan3A_82, %mul3A_217 : i32
        %add3A_219 = arith.constant 3 : i32
        %add3A_220 = arith.addi %mul3A_218, %add3A_219 : i32
        %dma_wait3A_221 = arith.constant 0 : i32
        %dma_wait3A_222 = tpu.memref_slice %arg9[%add3A_220, %dma_wait3A_221] : memref<250x40xi32, #tpu.memory_space<vmem>> -> memref<1x40xi32, #tpu.memory_space<vmem>>
        %dma_wait3A_223 = tpu.memref_squeeze %dma_wait3A_222 : memref<1x40xi32, #tpu.memory_space<vmem>> -> memref<40xi32, #tpu.memory_space<vmem>>
        %dma_wait3A_224 = arith.constant 0 : i32
        %dma_wait3A_225 = arith.constant 0 : i32
        %dma_wait3A_226 = tpu.memref_slice %arg7[%dma_wait3A_224, %dma_wait3A_225] : memref<10000x128xf32, #tpu.memory_space<vmem_shared>> -> memref<10000x128xf32, #tpu.memory_space<vmem_shared>>
        tpu.wait_indirect_dma semaphore(%arg23 : memref<!tpu.dma_semaphore, #tpu.memory_space<semaphore_mem>>) src(%arg13 : memref<40x128xf32, #tpu.memory_space<vmem>>) dst(%dma_wait3A_226 : memref<10000x128xf32, #tpu.memory_space<vmem_shared>>)
        %dma_start3A_227 = arith.constant 0 : i32
        %dma_start3A_228 = tpu.memref_slice %arg8[%add3A_199, %dma_start3A_227] : memref<250x40xi32, #tpu.memory_space<vmem>> -> memref<1x40xi32, #tpu.memory_space<vmem>>
        %dma_start3A_229 = tpu.memref_squeeze %dma_start3A_228 : memref<1x40xi32, #tpu.memory_space<vmem>> -> memref<40xi32, #tpu.memory_space<vmem>>
        %dma_start3A_230 = arith.constant 0 : i32
        %dma_start3A_231 = arith.constant 0 : i32
        %dma_start3A_232 = tpu.memref_slice %arg2[%dma_start3A_230, %dma_start3A_231] : memref<10000x128xf32, #tpu.memory_space<hbm>> -> memref<10000x128xf32, #tpu.memory_space<hbm>>
        tpu.enqueue_indirect_dma source(%dma_start3A_232 : memref<10000x128xf32, #tpu.memory_space<hbm>>) target(%arg13 : memref<40x128xf32, #tpu.memory_space<vmem>>) offsets(%dma_start3A_229 : memref<40xi32, #tpu.memory_space<vmem>>) semaphore(%arg18 : memref<!tpu.dma_semaphore, #tpu.memory_space<semaphore_mem>>)
      } else {
      }
      %add3A_205 = arith.constant 1 : i32
      %add3A_206 = arith.addi %scan3A_82, %add3A_205 : i32
      %mul3A_207 = arith.constant 5 : i32
      %mul3A_208 = arith.muli %add3A_206, %mul3A_207 : i32
      %add3A_209 = arith.constant 4 : i32
      %add3A_210 = arith.addi %mul3A_208, %add3A_209 : i32
      %lt3A_211 = arith.constant 250 : i32
      %lt3A_212 = arith.cmpi slt, %add3A_210, %lt3A_211 : i32
      %convert_element_type3A_213 = arith.extui %lt3A_212 : i1 to i32
      %cond3A_214 = arith.constant 0 : i32
      %cond3A_215 = arith.cmpi ne, %convert_element_type3A_213, %cond3A_214 : i32
      scf.if %cond3A_215 {
        %mul3A_217 = arith.constant 5 : i32
        %mul3A_218 = arith.muli %scan3A_82, %mul3A_217 : i32
        %add3A_219 = arith.constant 4 : i32
        %add3A_220 = arith.addi %mul3A_218, %add3A_219 : i32
        %dma_wait3A_221 = arith.constant 0 : i32
        %dma_wait3A_222 = tpu.memref_slice %arg9[%add3A_220, %dma_wait3A_221] : memref<250x40xi32, #tpu.memory_space<vmem>> -> memref<1x40xi32, #tpu.memory_space<vmem>>
        %dma_wait3A_223 = tpu.memref_squeeze %dma_wait3A_222 : memref<1x40xi32, #tpu.memory_space<vmem>> -> memref<40xi32, #tpu.memory_space<vmem>>
        %dma_wait3A_224 = arith.constant 0 : i32
        %dma_wait3A_225 = arith.constant 0 : i32
        %dma_wait3A_226 = tpu.memref_slice %arg7[%dma_wait3A_224, %dma_wait3A_225] : memref<10000x128xf32, #tpu.memory_space<vmem_shared>> -> memref<10000x128xf32, #tpu.memory_space<vmem_shared>>
        tpu.wait_indirect_dma semaphore(%arg24 : memref<!tpu.dma_semaphore, #tpu.memory_space<semaphore_mem>>) src(%arg14 : memref<40x128xf32, #tpu.memory_space<vmem>>) dst(%dma_wait3A_226 : memref<10000x128xf32, #tpu.memory_space<vmem_shared>>)
        %dma_start3A_227 = arith.constant 0 : i32
        %dma_start3A_228 = tpu.memref_slice %arg8[%add3A_210, %dma_start3A_227] : memref<250x40xi32, #tpu.memory_space<vmem>> -> memref<1x40xi32, #tpu.memory_space<vmem>>
        %dma_start3A_229 = tpu.memref_squeeze %dma_start3A_228 : memref<1x40xi32, #tpu.memory_space<vmem>> -> memref<40xi32, #tpu.memory_space<vmem>>
        %dma_start3A_230 = arith.constant 0 : i32
        %dma_start3A_231 = arith.constant 0 : i32
        %dma_start3A_232 = tpu.memref_slice %arg2[%dma_start3A_230, %dma_start3A_231] : memref<10000x128xf32, #tpu.memory_space<hbm>> -> memref<10000x128xf32, #tpu.memory_space<hbm>>
        tpu.enqueue_indirect_dma source(%dma_start3A_232 : memref<10000x128xf32, #tpu.memory_space<hbm>>) target(%arg14 : memref<40x128xf32, #tpu.memory_space<vmem>>) offsets(%dma_start3A_229 : memref<40xi32, #tpu.memory_space<vmem>>) semaphore(%arg19 : memref<!tpu.dma_semaphore, #tpu.memory_space<semaphore_mem>>)
      } else {
      }
      %scan3A_216 = arith.constant 0 : i32
      scf.yield %scan3A_216 : i32
    }
    %scan3A_42 = arith.constant 50 : i32
    %dma_wait3A = arith.constant 245 : i32
    %dma_wait3A_43 = arith.constant 0 : i32
    %dma_wait3A_44 = tpu.memref_slice %arg9[%dma_wait3A, %dma_wait3A_43] : memref<250x40xi32, #tpu.memory_space<vmem>> -> memref<1x40xi32, #tpu.memory_space<vmem>>
    %dma_wait3A_45 = tpu.memref_squeeze %dma_wait3A_44 : memref<1x40xi32, #tpu.memory_space<vmem>> -> memref<40xi32, #tpu.memory_space<vmem>>
    %dma_wait3A_46 = arith.constant 0 : i32
    %dma_wait3A_47 = arith.constant 0 : i32
    %dma_wait3A_48 = tpu.memref_slice %arg7[%dma_wait3A_46, %dma_wait3A_47] : memref<10000x128xf32, #tpu.memory_space<vmem_shared>> -> memref<10000x128xf32, #tpu.memory_space<vmem_shared>>
    tpu.wait_indirect_dma semaphore(%arg20 : memref<!tpu.dma_semaphore, #tpu.memory_space<semaphore_mem>>) src(%arg10 : memref<40x128xf32, #tpu.memory_space<vmem>>) dst(%dma_wait3A_48 : memref<10000x128xf32, #tpu.memory_space<vmem_shared>>)
    %dma_wait3A_49 = arith.constant 246 : i32
    %dma_wait3A_50 = arith.constant 0 : i32
    %dma_wait3A_51 = tpu.memref_slice %arg9[%dma_wait3A_49, %dma_wait3A_50] : memref<250x40xi32, #tpu.memory_space<vmem>> -> memref<1x40xi32, #tpu.memory_space<vmem>>
    %dma_wait3A_52 = tpu.memref_squeeze %dma_wait3A_51 : memref<1x40xi32, #tpu.memory_space<vmem>> -> memref<40xi32, #tpu.memory_space<vmem>>
    %dma_wait3A_53 = arith.constant 0 : i32
    %dma_wait3A_54 = arith.constant 0 : i32
    %dma_wait3A_55 = tpu.memref_slice %arg7[%dma_wait3A_53, %dma_wait3A_54] : memref<10000x128xf32, #tpu.memory_space<vmem_shared>> -> memref<10000x128xf32, #tpu.memory_space<vmem_shared>>
    tpu.wait_indirect_dma semaphore(%arg21 : memref<!tpu.dma_semaphore, #tpu.memory_space<semaphore_mem>>) src(%arg11 : memref<40x128xf32, #tpu.memory_space<vmem>>) dst(%dma_wait3A_55 : memref<10000x128xf32, #tpu.memory_space<vmem_shared>>)
    %dma_wait3A_56 = arith.constant 247 : i32
    %dma_wait3A_57 = arith.constant 0 : i32
    %dma_wait3A_58 = tpu.memref_slice %arg9[%dma_wait3A_56, %dma_wait3A_57] : memref<250x40xi32, #tpu.memory_space<vmem>> -> memref<1x40xi32, #tpu.memory_space<vmem>>
    %dma_wait3A_59 = tpu.memref_squeeze %dma_wait3A_58 : memref<1x40xi32, #tpu.memory_space<vmem>> -> memref<40xi32, #tpu.memory_space<vmem>>
    %dma_wait3A_60 = arith.constant 0 : i32
    %dma_wait3A_61 = arith.constant 0 : i32
    %dma_wait3A_62 = tpu.memref_slice %arg7[%dma_wait3A_60, %dma_wait3A_61] : memref<10000x128xf32, #tpu.memory_space<vmem_shared>> -> memref<10000x128xf32, #tpu.memory_space<vmem_shared>>
    tpu.wait_indirect_dma semaphore(%arg22 : memref<!tpu.dma_semaphore, #tpu.memory_space<semaphore_mem>>) src(%arg12 : memref<40x128xf32, #tpu.memory_space<vmem>>) dst(%dma_wait3A_62 : memref<10000x128xf32, #tpu.memory_space<vmem_shared>>)
    %dma_wait3A_63 = arith.constant 248 : i32
    %dma_wait3A_64 = arith.constant 0 : i32
    %dma_wait3A_65 = tpu.memref_slice %arg9[%dma_wait3A_63, %dma_wait3A_64] : memref<250x40xi32, #tpu.memory_space<vmem>> -> memref<1x40xi32, #tpu.memory_space<vmem>>
    %dma_wait3A_66 = tpu.memref_squeeze %dma_wait3A_65 : memref<1x40xi32, #tpu.memory_space<vmem>> -> memref<40xi32, #tpu.memory_space<vmem>>
    %dma_wait3A_67 = arith.constant 0 : i32
    %dma_wait3A_68 = arith.constant 0 : i32
    %dma_wait3A_69 = tpu.memref_slice %arg7[%dma_wait3A_67, %dma_wait3A_68] : memref<10000x128xf32, #tpu.memory_space<vmem_shared>> -> memref<10000x128xf32, #tpu.memory_space<vmem_shared>>
    tpu.wait_indirect_dma semaphore(%arg23 : memref<!tpu.dma_semaphore, #tpu.memory_space<semaphore_mem>>) src(%arg13 : memref<40x128xf32, #tpu.memory_space<vmem>>) dst(%dma_wait3A_69 : memref<10000x128xf32, #tpu.memory_space<vmem_shared>>)
    %dma_wait3A_70 = arith.constant 249 : i32
    %dma_wait3A_71 = arith.constant 0 : i32
    %dma_wait3A_72 = tpu.memref_slice %arg9[%dma_wait3A_70, %dma_wait3A_71] : memref<250x40xi32, #tpu.memory_space<vmem>> -> memref<1x40xi32, #tpu.memory_space<vmem>>
    %dma_wait3A_73 = tpu.memref_squeeze %dma_wait3A_72 : memref<1x40xi32, #tpu.memory_space<vmem>> -> memref<40xi32, #tpu.memory_space<vmem>>
    %dma_wait3A_74 = arith.constant 0 : i32
    %dma_wait3A_75 = arith.constant 0 : i32
    %dma_wait3A_76 = tpu.memref_slice %arg7[%dma_wait3A_74, %dma_wait3A_75] : memref<10000x128xf32, #tpu.memory_space<vmem_shared>> -> memref<10000x128xf32, #tpu.memory_space<vmem_shared>>
    tpu.wait_indirect_dma semaphore(%arg24 : memref<!tpu.dma_semaphore, #tpu.memory_space<semaphore_mem>>) src(%arg14 : memref<40x128xf32, #tpu.memory_space<vmem>>) dst(%dma_wait3A_76 : memref<10000x128xf32, #tpu.memory_space<vmem_shared>>)
    %barrier3A_77 = arith.constant 0 : index
    tpu.barrier barrier_id(%barrier3A_77)
    %mul3A_78 = arith.constant 625 : i32
    %mul3A_79 = arith.muli %arg1, %mul3A_78 : i32
    %mul3A_80 = arith.constant 625 : i32
    %mul3A_81 = arith.muli %arg1, %mul3A_80 : i32
    "tpu.region"() ({
      %run_scoped3A = tpu.sem_alloc : memref<!tpu.dma_semaphore, #tpu.memory_space<semaphore_mem>>
      %dma_start3A_82 = arith.constant 0 : i32
      %dma_start3A_83 = tpu.memref_slice %arg6[%arg0, %mul3A_81, %dma_start3A_82] : memref<2x10000x128xf32, #tpu.memory_space<hbm>> -> memref<1x625x128xf32, #tpu.memory_space<hbm>>
      %dma_start3A_84 = tpu.memref_squeeze %dma_start3A_83 : memref<1x625x128xf32, #tpu.memory_space<hbm>> -> memref<625x128xf32, #tpu.memory_space<hbm>>
      %dma_start3A_85 = arith.constant 0 : i32
      %dma_start3A_86 = tpu.memref_slice %arg7[%mul3A_79, %dma_start3A_85] : memref<10000x128xf32, #tpu.memory_space<vmem_shared>> -> memref<625x128xf32, #tpu.memory_space<vmem_shared>>
      tpu.enqueue_dma source(%dma_start3A_86 : memref<625x128xf32, #tpu.memory_space<vmem_shared>>) target(%dma_start3A_84 : memref<625x128xf32, #tpu.memory_space<hbm>>) target_semaphore(%run_scoped3A : memref<!tpu.dma_semaphore, #tpu.memory_space<semaphore_mem>>)
      %dma_wait3A_87 = arith.constant 0 : i32
      %dma_wait3A_88 = tpu.memref_slice %arg6[%arg0, %mul3A_81, %dma_wait3A_87] : memref<2x10000x128xf32, #tpu.memory_space<hbm>> -> memref<1x625x128xf32, #tpu.memory_space<hbm>>
      %dma_wait3A_89 = tpu.memref_squeeze %dma_wait3A_88 : memref<1x625x128xf32, #tpu.memory_space<hbm>> -> memref<625x128xf32, #tpu.memory_space<hbm>>
      %dma_wait3A_90 = arith.constant 0 : i32
      %dma_wait3A_91 = tpu.memref_slice %arg7[%mul3A_79, %dma_wait3A_90] : memref<10000x128xf32, #tpu.memory_space<vmem_shared>> -> memref<625x128xf32, #tpu.memory_space<vmem_shared>>
      tpu.wait_dma2 semaphore(%run_scoped3A : memref<!tpu.dma_semaphore, #tpu.memory_space<semaphore_mem>>) src(%dma_wait3A_91 : memref<625x128xf32, #tpu.memory_space<vmem_shared>>) dst(%dma_wait3A_89 : memref<625x128xf32, #tpu.memory_space<hbm>>)
      tpu.yield
    }) : () -> ()
    return
  }
}

#map = affine_map<(d0, d1) -> (0, 0)>
#map1 = affine_map<(d0, d1) -> (0, 0, 0)>
module attributes {stable_mosaic.version = 14 : i64} {
  func.func @_layer_sc(%arg0: i32, %arg1: i32, %arg2: memref<10000x128xf32, #tpu.memory_space<hbm>>, %arg3: memref<32x250x40xi32, #tpu.memory_space<hbm>>, %arg4: memref<32x250x40xi32, #tpu.memory_space<hbm>>, %arg5: memref<625x128xf32, #tpu.memory_space<hbm>>, %arg6: memref<2x10000x128xf32, #tpu.memory_space<hbm>>, %arg7: memref<10000x128xf32, #tpu.memory_space<vmem_shared>>, %arg8: memref<250x40xi32, #tpu.memory_space<vmem>>, %arg9: memref<250x40xi32, #tpu.memory_space<vmem>>, %arg10: memref<40x128xf32, #tpu.memory_space<vmem>>, %arg11: memref<40x128xf32, #tpu.memory_space<vmem>>, %arg12: memref<40x128xf32, #tpu.memory_space<vmem>>, %arg13: memref<40x128xf32, #tpu.memory_space<vmem>>, %arg14: memref<40x128xf32, #tpu.memory_space<vmem>>, %arg15: memref<!tpu.dma_semaphore, #tpu.memory_space<semaphore_mem>>, %arg16: memref<!tpu.dma_semaphore, #tpu.memory_space<semaphore_mem>>, %arg17: memref<!tpu.dma_semaphore, #tpu.memory_space<semaphore_mem>>, %arg18: memref<!tpu.dma_semaphore, #tpu.memory_space<semaphore_mem>>, %arg19: memref<!tpu.dma_semaphore, #tpu.memory_space<semaphore_mem>>, %arg20: memref<!tpu.dma_semaphore, #tpu.memory_space<semaphore_mem>>, %arg21: memref<!tpu.dma_semaphore, #tpu.memory_space<semaphore_mem>>, %arg22: memref<!tpu.dma_semaphore, #tpu.memory_space<semaphore_mem>>, %arg23: memref<!tpu.dma_semaphore, #tpu.memory_space<semaphore_mem>>, %arg24: memref<!tpu.dma_semaphore, #tpu.memory_space<semaphore_mem>>) attributes {dimension_semantics = [#tpu.dimension_semantics<core_parallel>, #tpu.dimension_semantics<subcore_parallel>], iteration_bounds = array<i64: 2, 16>, scalar_prefetch = 0 : i64, scratch_operands = 18 : i64, tpu.core_type = #tpu.core_type<sc_vector_subcore>, window_params = [{transform_indices = #map}, {transform_indices = #map1}, {transform_indices = #map1}, {transform_indices = #map}, {transform_indices = #map1}]} {
    %mul3A = arith.constant 16 : i32
    %mul3A_0 = arith.muli %arg0, %mul3A : i32
    %add3A = arith.addi %mul3A_0, %arg1 : i32
    "tpu.region"() ({
      %run_scoped3A = tpu.sem_alloc : memref<!tpu.dma_semaphore, #tpu.memory_space<semaphore_mem>>
      %dma_start3A_82 = arith.constant 0 : i32
      %dma_start3A_83 = arith.constant 0 : i32
      %dma_start3A_84 = tpu.memref_slice %arg3[%add3A, %dma_start3A_82, %dma_start3A_83] : memref<32x250x40xi32, #tpu.memory_space<hbm>> -> memref<1x250x40xi32, #tpu.memory_space<hbm>>
      %dma_start3A_85 = tpu.memref_squeeze %dma_start3A_84 : memref<1x250x40xi32, #tpu.memory_space<hbm>> -> memref<250x40xi32, #tpu.memory_space<hbm>>
      %dma_start3A_86 = arith.constant 0 : i32
      %dma_start3A_87 = arith.constant 0 : i32
      %dma_start3A_88 = tpu.memref_slice %arg3[%add3A, %dma_start3A_86, %dma_start3A_87] : memref<32x250x40xi32, #tpu.memory_space<hbm>> -> memref<1x250x40xi32, #tpu.memory_space<hbm>>
      %dma_start3A_89 = tpu.memref_squeeze %dma_start3A_88 : memref<1x250x40xi32, #tpu.memory_space<hbm>> -> memref<250x40xi32, #tpu.memory_space<hbm>>
      tpu.enqueue_dma source(%dma_start3A_89 : memref<250x40xi32, #tpu.memory_space<hbm>>) target(%arg8 : memref<250x40xi32, #tpu.memory_space<vmem>>) target_semaphore(%run_scoped3A : memref<!tpu.dma_semaphore, #tpu.memory_space<semaphore_mem>>)
      %dma_wait3A_90 = arith.constant 0 : i32
      %dma_wait3A_91 = arith.constant 0 : i32
      %dma_wait3A_92 = tpu.memref_slice %arg3[%add3A, %dma_wait3A_90, %dma_wait3A_91] : memref<32x250x40xi32, #tpu.memory_space<hbm>> -> memref<1x250x40xi32, #tpu.memory_space<hbm>>
      %dma_wait3A_93 = tpu.memref_squeeze %dma_wait3A_92 : memref<1x250x40xi32, #tpu.memory_space<hbm>> -> memref<250x40xi32, #tpu.memory_space<hbm>>
      %dma_wait3A_94 = arith.constant 0 : i32
      %dma_wait3A_95 = arith.constant 0 : i32
      %dma_wait3A_96 = tpu.memref_slice %arg3[%add3A, %dma_wait3A_94, %dma_wait3A_95] : memref<32x250x40xi32, #tpu.memory_space<hbm>> -> memref<1x250x40xi32, #tpu.memory_space<hbm>>
      %dma_wait3A_97 = tpu.memref_squeeze %dma_wait3A_96 : memref<1x250x40xi32, #tpu.memory_space<hbm>> -> memref<250x40xi32, #tpu.memory_space<hbm>>
      tpu.wait_dma2 semaphore(%run_scoped3A : memref<!tpu.dma_semaphore, #tpu.memory_space<semaphore_mem>>) src(%dma_wait3A_97 : memref<250x40xi32, #tpu.memory_space<hbm>>) dst(%arg8 : memref<250x40xi32, #tpu.memory_space<vmem>>)
      tpu.yield
    }) : () -> ()
    "tpu.region"() ({
      %run_scoped3A = tpu.sem_alloc : memref<!tpu.dma_semaphore, #tpu.memory_space<semaphore_mem>>
      %dma_start3A_82 = arith.constant 0 : i32
      %dma_start3A_83 = arith.constant 0 : i32
      %dma_start3A_84 = tpu.memref_slice %arg4[%add3A, %dma_start3A_82, %dma_start3A_83] : memref<32x250x40xi32, #tpu.memory_space<hbm>> -> memref<1x250x40xi32, #tpu.memory_space<hbm>>
      %dma_start3A_85 = tpu.memref_squeeze %dma_start3A_84 : memref<1x250x40xi32, #tpu.memory_space<hbm>> -> memref<250x40xi32, #tpu.memory_space<hbm>>
      %dma_start3A_86 = arith.constant 0 : i32
      %dma_start3A_87 = arith.constant 0 : i32
      %dma_start3A_88 = tpu.memref_slice %arg4[%add3A, %dma_start3A_86, %dma_start3A_87] : memref<32x250x40xi32, #tpu.memory_space<hbm>> -> memref<1x250x40xi32, #tpu.memory_space<hbm>>
      %dma_start3A_89 = tpu.memref_squeeze %dma_start3A_88 : memref<1x250x40xi32, #tpu.memory_space<hbm>> -> memref<250x40xi32, #tpu.memory_space<hbm>>
      tpu.enqueue_dma source(%dma_start3A_89 : memref<250x40xi32, #tpu.memory_space<hbm>>) target(%arg9 : memref<250x40xi32, #tpu.memory_space<vmem>>) target_semaphore(%run_scoped3A : memref<!tpu.dma_semaphore, #tpu.memory_space<semaphore_mem>>)
      %dma_wait3A_90 = arith.constant 0 : i32
      %dma_wait3A_91 = arith.constant 0 : i32
      %dma_wait3A_92 = tpu.memref_slice %arg4[%add3A, %dma_wait3A_90, %dma_wait3A_91] : memref<32x250x40xi32, #tpu.memory_space<hbm>> -> memref<1x250x40xi32, #tpu.memory_space<hbm>>
      %dma_wait3A_93 = tpu.memref_squeeze %dma_wait3A_92 : memref<1x250x40xi32, #tpu.memory_space<hbm>> -> memref<250x40xi32, #tpu.memory_space<hbm>>
      %dma_wait3A_94 = arith.constant 0 : i32
      %dma_wait3A_95 = arith.constant 0 : i32
      %dma_wait3A_96 = tpu.memref_slice %arg4[%add3A, %dma_wait3A_94, %dma_wait3A_95] : memref<32x250x40xi32, #tpu.memory_space<hbm>> -> memref<1x250x40xi32, #tpu.memory_space<hbm>>
      %dma_wait3A_97 = tpu.memref_squeeze %dma_wait3A_96 : memref<1x250x40xi32, #tpu.memory_space<hbm>> -> memref<250x40xi32, #tpu.memory_space<hbm>>
      tpu.wait_dma2 semaphore(%run_scoped3A : memref<!tpu.dma_semaphore, #tpu.memory_space<semaphore_mem>>) src(%dma_wait3A_97 : memref<250x40xi32, #tpu.memory_space<hbm>>) dst(%arg9 : memref<250x40xi32, #tpu.memory_space<vmem>>)
      tpu.yield
    }) : () -> ()
    %dma_start3A = arith.constant 0 : i32
    %dma_start3A_1 = arith.constant 0 : i32
    %dma_start3A_2 = tpu.memref_slice %arg8[%dma_start3A, %dma_start3A_1] : memref<250x40xi32, #tpu.memory_space<vmem>> -> memref<1x40xi32, #tpu.memory_space<vmem>>
    %dma_start3A_3 = tpu.memref_squeeze %dma_start3A_2 : memref<1x40xi32, #tpu.memory_space<vmem>> -> memref<40xi32, #tpu.memory_space<vmem>>
    %dma_start3A_4 = arith.constant 0 : i32
    %dma_start3A_5 = arith.constant 0 : i32
    %dma_start3A_6 = tpu.memref_slice %arg2[%dma_start3A_4, %dma_start3A_5] : memref<10000x128xf32, #tpu.memory_space<hbm>> -> memref<10000x128xf32, #tpu.memory_space<hbm>>
    tpu.enqueue_indirect_dma source(%dma_start3A_6 : memref<10000x128xf32, #tpu.memory_space<hbm>>) target(%arg10 : memref<40x128xf32, #tpu.memory_space<vmem>>) offsets(%dma_start3A_3 : memref<40xi32, #tpu.memory_space<vmem>>) semaphore(%arg15 : memref<!tpu.dma_semaphore, #tpu.memory_space<semaphore_mem>>)
    %dma_start3A_7 = arith.constant 1 : i32
    %dma_start3A_8 = arith.constant 0 : i32
    %dma_start3A_9 = tpu.memref_slice %arg8[%dma_start3A_7, %dma_start3A_8] : memref<250x40xi32, #tpu.memory_space<vmem>> -> memref<1x40xi32, #tpu.memory_space<vmem>>
    %dma_start3A_10 = tpu.memref_squeeze %dma_start3A_9 : memref<1x40xi32, #tpu.memory_space<vmem>> -> memref<40xi32, #tpu.memory_space<vmem>>
    %dma_start3A_11 = arith.constant 0 : i32
    %dma_start3A_12 = arith.constant 0 : i32
    %dma_start3A_13 = tpu.memref_slice %arg2[%dma_start3A_11, %dma_start3A_12] : memref<10000x128xf32, #tpu.memory_space<hbm>> -> memref<10000x128xf32, #tpu.memory_space<hbm>>
    tpu.enqueue_indirect_dma source(%dma_start3A_13 : memref<10000x128xf32, #tpu.memory_space<hbm>>) target(%arg11 : memref<40x128xf32, #tpu.memory_space<vmem>>) offsets(%dma_start3A_10 : memref<40xi32, #tpu.memory_space<vmem>>) semaphore(%arg16 : memref<!tpu.dma_semaphore, #tpu.memory_space<semaphore_mem>>)
    %dma_start3A_14 = arith.constant 2 : i32
    %dma_start3A_15 = arith.constant 0 : i32
    %dma_start3A_16 = tpu.memref_slice %arg8[%dma_start3A_14, %dma_start3A_15] : memref<250x40xi32, #tpu.memory_space<vmem>> -> memref<1x40xi32, #tpu.memory_space<vmem>>
    %dma_start3A_17 = tpu.memref_squeeze %dma_start3A_16 : memref<1x40xi32, #tpu.memory_space<vmem>> -> memref<40xi32, #tpu.memory_space<vmem>>
    %dma_start3A_18 = arith.constant 0 : i32
    %dma_start3A_19 = arith.constant 0 : i32
    %dma_start3A_20 = tpu.memref_slice %arg2[%dma_start3A_18, %dma_start3A_19] : memref<10000x128xf32, #tpu.memory_space<hbm>> -> memref<10000x128xf32, #tpu.memory_space<hbm>>
    tpu.enqueue_indirect_dma source(%dma_start3A_20 : memref<10000x128xf32, #tpu.memory_space<hbm>>) target(%arg12 : memref<40x128xf32, #tpu.memory_space<vmem>>) offsets(%dma_start3A_17 : memref<40xi32, #tpu.memory_space<vmem>>) semaphore(%arg17 : memref<!tpu.dma_semaphore, #tpu.memory_space<semaphore_mem>>)
    %dma_start3A_21 = arith.constant 3 : i32
    %dma_start3A_22 = arith.constant 0 : i32
    %dma_start3A_23 = tpu.memref_slice %arg8[%dma_start3A_21, %dma_start3A_22] : memref<250x40xi32, #tpu.memory_space<vmem>> -> memref<1x40xi32, #tpu.memory_space<vmem>>
    %dma_start3A_24 = tpu.memref_squeeze %dma_start3A_23 : memref<1x40xi32, #tpu.memory_space<vmem>> -> memref<40xi32, #tpu.memory_space<vmem>>
    %dma_start3A_25 = arith.constant 0 : i32
    %dma_start3A_26 = arith.constant 0 : i32
    %dma_start3A_27 = tpu.memref_slice %arg2[%dma_start3A_25, %dma_start3A_26] : memref<10000x128xf32, #tpu.memory_space<hbm>> -> memref<10000x128xf32, #tpu.memory_space<hbm>>
    tpu.enqueue_indirect_dma source(%dma_start3A_27 : memref<10000x128xf32, #tpu.memory_space<hbm>>) target(%arg13 : memref<40x128xf32, #tpu.memory_space<vmem>>) offsets(%dma_start3A_24 : memref<40xi32, #tpu.memory_space<vmem>>) semaphore(%arg18 : memref<!tpu.dma_semaphore, #tpu.memory_space<semaphore_mem>>)
    %dma_start3A_28 = arith.constant 4 : i32
    %dma_start3A_29 = arith.constant 0 : i32
    %dma_start3A_30 = tpu.memref_slice %arg8[%dma_start3A_28, %dma_start3A_29] : memref<250x40xi32, #tpu.memory_space<vmem>> -> memref<1x40xi32, #tpu.memory_space<vmem>>
    %dma_start3A_31 = tpu.memref_squeeze %dma_start3A_30 : memref<1x40xi32, #tpu.memory_space<vmem>> -> memref<40xi32, #tpu.memory_space<vmem>>
    %dma_start3A_32 = arith.constant 0 : i32
    %dma_start3A_33 = arith.constant 0 : i32
    %dma_start3A_34 = tpu.memref_slice %arg2[%dma_start3A_32, %dma_start3A_33] : memref<10000x128xf32, #tpu.memory_space<hbm>> -> memref<10000x128xf32, #tpu.memory_space<hbm>>
    tpu.enqueue_indirect_dma source(%dma_start3A_34 : memref<10000x128xf32, #tpu.memory_space<hbm>>) target(%arg14 : memref<40x128xf32, #tpu.memory_space<vmem>>) offsets(%dma_start3A_31 : memref<40xi32, #tpu.memory_space<vmem>>) semaphore(%arg19 : memref<!tpu.dma_semaphore, #tpu.memory_space<semaphore_mem>>)
    %mul3A_35 = arith.constant 625 : i32
    %mul3A_36 = arith.muli %arg1, %mul3A_35 : i32
    "tpu.region"() ({
      %run_scoped3A = tpu.sem_alloc : memref<!tpu.dma_semaphore, #tpu.memory_space<semaphore_mem>>
      %dma_start3A_82 = arith.constant 0 : i32
      %dma_start3A_83 = tpu.memref_slice %arg7[%mul3A_36, %dma_start3A_82] : memref<10000x128xf32, #tpu.memory_space<vmem_shared>> -> memref<625x128xf32, #tpu.memory_space<vmem_shared>>
      tpu.enqueue_dma source(%arg5 : memref<625x128xf32, #tpu.memory_space<hbm>>) target(%dma_start3A_83 : memref<625x128xf32, #tpu.memory_space<vmem_shared>>) target_semaphore(%run_scoped3A : memref<!tpu.dma_semaphore, #tpu.memory_space<semaphore_mem>>)
      %dma_wait3A_84 = arith.constant 0 : i32
      %dma_wait3A_85 = tpu.memref_slice %arg7[%mul3A_36, %dma_wait3A_84] : memref<10000x128xf32, #tpu.memory_space<vmem_shared>> -> memref<625x128xf32, #tpu.memory_space<vmem_shared>>
      tpu.wait_dma2 semaphore(%run_scoped3A : memref<!tpu.dma_semaphore, #tpu.memory_space<semaphore_mem>>) src(%arg5 : memref<625x128xf32, #tpu.memory_space<hbm>>) dst(%dma_wait3A_85 : memref<625x128xf32, #tpu.memory_space<vmem_shared>>)
      tpu.yield
    }) : () -> ()
    %barrier3A = arith.constant 0 : index
    tpu.barrier barrier_id(%barrier3A)
    %scan3A = arith.constant 0 : i32
    %scan3A_37 = arith.constant 0 : i32
    %scan3A_38 = arith.constant 50 : i32
    %scan3A_39 = arith.addi %scan3A_37, %scan3A_38 : i32
    %scan3A_40 = arith.constant 1 : i32
    %scan3A_41 = scf.for %scan3A_82 = %scan3A_37 to %scan3A_39 step %scan3A_40 iter_args(%scan3A_83 = %scan3A) -> (i32)  : i32 {
      %mul3A_84 = arith.constant 5 : i32
      %mul3A_85 = arith.muli %scan3A_82, %mul3A_84 : i32
      %add3A_86 = arith.constant 0 : i32
      %add3A_87 = arith.addi %mul3A_85, %add3A_86 : i32
      %dma_wait3A_88 = arith.constant 0 : i32
      %dma_wait3A_89 = tpu.memref_slice %arg8[%add3A_87, %dma_wait3A_88] : memref<250x40xi32, #tpu.memory_space<vmem>> -> memref<1x40xi32, #tpu.memory_space<vmem>>
      %dma_wait3A_90 = tpu.memref_squeeze %dma_wait3A_89 : memref<1x40xi32, #tpu.memory_space<vmem>> -> memref<40xi32, #tpu.memory_space<vmem>>
      %dma_wait3A_91 = arith.constant 0 : i32
      %dma_wait3A_92 = arith.constant 0 : i32
      %dma_wait3A_93 = tpu.memref_slice %arg2[%dma_wait3A_91, %dma_wait3A_92] : memref<10000x128xf32, #tpu.memory_space<hbm>> -> memref<10000x128xf32, #tpu.memory_space<hbm>>
      tpu.wait_indirect_dma semaphore(%arg15 : memref<!tpu.dma_semaphore, #tpu.memory_space<semaphore_mem>>) src(%dma_wait3A_93 : memref<10000x128xf32, #tpu.memory_space<hbm>>) dst(%arg10 : memref<40x128xf32, #tpu.memory_space<vmem>>)
      %dma_start3A_94 = arith.constant 0 : i32
      %dma_start3A_95 = tpu.memref_slice %arg9[%add3A_87, %dma_start3A_94] : memref<250x40xi32, #tpu.memory_space<vmem>> -> memref<1x40xi32, #tpu.memory_space<vmem>>
      %dma_start3A_96 = tpu.memref_squeeze %dma_start3A_95 : memref<1x40xi32, #tpu.memory_space<vmem>> -> memref<40xi32, #tpu.memory_space<vmem>>
      %dma_start3A_97 = arith.constant 0 : i32
      %dma_start3A_98 = arith.constant 0 : i32
      %dma_start3A_99 = tpu.memref_slice %arg7[%dma_start3A_97, %dma_start3A_98] : memref<10000x128xf32, #tpu.memory_space<vmem_shared>> -> memref<10000x128xf32, #tpu.memory_space<vmem_shared>>
      tpu.enqueue_indirect_dma source(%arg10 : memref<40x128xf32, #tpu.memory_space<vmem>>) target(%dma_start3A_99 : memref<10000x128xf32, #tpu.memory_space<vmem_shared>>) offsets(%dma_start3A_96 : memref<40xi32, #tpu.memory_space<vmem>>) semaphore(%arg20 : memref<!tpu.dma_semaphore, #tpu.memory_space<semaphore_mem>>) {add = true}
      %mul3A_100 = arith.constant 5 : i32
      %mul3A_101 = arith.muli %scan3A_82, %mul3A_100 : i32
      %add3A_102 = arith.constant 1 : i32
      %add3A_103 = arith.addi %mul3A_101, %add3A_102 : i32
      %dma_wait3A_104 = arith.constant 0 : i32
      %dma_wait3A_105 = tpu.memref_slice %arg8[%add3A_103, %dma_wait3A_104] : memref<250x40xi32, #tpu.memory_space<vmem>> -> memref<1x40xi32, #tpu.memory_space<vmem>>
      %dma_wait3A_106 = tpu.memref_squeeze %dma_wait3A_105 : memref<1x40xi32, #tpu.memory_space<vmem>> -> memref<40xi32, #tpu.memory_space<vmem>>
      %dma_wait3A_107 = arith.constant 0 : i32
      %dma_wait3A_108 = arith.constant 0 : i32
      %dma_wait3A_109 = tpu.memref_slice %arg2[%dma_wait3A_107, %dma_wait3A_108] : memref<10000x128xf32, #tpu.memory_space<hbm>> -> memref<10000x128xf32, #tpu.memory_space<hbm>>
      tpu.wait_indirect_dma semaphore(%arg16 : memref<!tpu.dma_semaphore, #tpu.memory_space<semaphore_mem>>) src(%dma_wait3A_109 : memref<10000x128xf32, #tpu.memory_space<hbm>>) dst(%arg11 : memref<40x128xf32, #tpu.memory_space<vmem>>)
      %dma_start3A_110 = arith.constant 0 : i32
      %dma_start3A_111 = tpu.memref_slice %arg9[%add3A_103, %dma_start3A_110] : memref<250x40xi32, #tpu.memory_space<vmem>> -> memref<1x40xi32, #tpu.memory_space<vmem>>
      %dma_start3A_112 = tpu.memref_squeeze %dma_start3A_111 : memref<1x40xi32, #tpu.memory_space<vmem>> -> memref<40xi32, #tpu.memory_space<vmem>>
      %dma_start3A_113 = arith.constant 0 : i32
      %dma_start3A_114 = arith.constant 0 : i32
      %dma_start3A_115 = tpu.memref_slice %arg7[%dma_start3A_113, %dma_start3A_114] : memref<10000x128xf32, #tpu.memory_space<vmem_shared>> -> memref<10000x128xf32, #tpu.memory_space<vmem_shared>>
      tpu.enqueue_indirect_dma source(%arg11 : memref<40x128xf32, #tpu.memory_space<vmem>>) target(%dma_start3A_115 : memref<10000x128xf32, #tpu.memory_space<vmem_shared>>) offsets(%dma_start3A_112 : memref<40xi32, #tpu.memory_space<vmem>>) semaphore(%arg21 : memref<!tpu.dma_semaphore, #tpu.memory_space<semaphore_mem>>) {add = true}
      %mul3A_116 = arith.constant 5 : i32
      %mul3A_117 = arith.muli %scan3A_82, %mul3A_116 : i32
      %add3A_118 = arith.constant 2 : i32
      %add3A_119 = arith.addi %mul3A_117, %add3A_118 : i32
      %dma_wait3A_120 = arith.constant 0 : i32
      %dma_wait3A_121 = tpu.memref_slice %arg8[%add3A_119, %dma_wait3A_120] : memref<250x40xi32, #tpu.memory_space<vmem>> -> memref<1x40xi32, #tpu.memory_space<vmem>>
      %dma_wait3A_122 = tpu.memref_squeeze %dma_wait3A_121 : memref<1x40xi32, #tpu.memory_space<vmem>> -> memref<40xi32, #tpu.memory_space<vmem>>
      %dma_wait3A_123 = arith.constant 0 : i32
      %dma_wait3A_124 = arith.constant 0 : i32
      %dma_wait3A_125 = tpu.memref_slice %arg2[%dma_wait3A_123, %dma_wait3A_124] : memref<10000x128xf32, #tpu.memory_space<hbm>> -> memref<10000x128xf32, #tpu.memory_space<hbm>>
      tpu.wait_indirect_dma semaphore(%arg17 : memref<!tpu.dma_semaphore, #tpu.memory_space<semaphore_mem>>) src(%dma_wait3A_125 : memref<10000x128xf32, #tpu.memory_space<hbm>>) dst(%arg12 : memref<40x128xf32, #tpu.memory_space<vmem>>)
      %dma_start3A_126 = arith.constant 0 : i32
      %dma_start3A_127 = tpu.memref_slice %arg9[%add3A_119, %dma_start3A_126] : memref<250x40xi32, #tpu.memory_space<vmem>> -> memref<1x40xi32, #tpu.memory_space<vmem>>
      %dma_start3A_128 = tpu.memref_squeeze %dma_start3A_127 : memref<1x40xi32, #tpu.memory_space<vmem>> -> memref<40xi32, #tpu.memory_space<vmem>>
      %dma_start3A_129 = arith.constant 0 : i32
      %dma_start3A_130 = arith.constant 0 : i32
      %dma_start3A_131 = tpu.memref_slice %arg7[%dma_start3A_129, %dma_start3A_130] : memref<10000x128xf32, #tpu.memory_space<vmem_shared>> -> memref<10000x128xf32, #tpu.memory_space<vmem_shared>>
      tpu.enqueue_indirect_dma source(%arg12 : memref<40x128xf32, #tpu.memory_space<vmem>>) target(%dma_start3A_131 : memref<10000x128xf32, #tpu.memory_space<vmem_shared>>) offsets(%dma_start3A_128 : memref<40xi32, #tpu.memory_space<vmem>>) semaphore(%arg22 : memref<!tpu.dma_semaphore, #tpu.memory_space<semaphore_mem>>) {add = true}
      %mul3A_132 = arith.constant 5 : i32
      %mul3A_133 = arith.muli %scan3A_82, %mul3A_132 : i32
      %add3A_134 = arith.constant 3 : i32
      %add3A_135 = arith.addi %mul3A_133, %add3A_134 : i32
      %dma_wait3A_136 = arith.constant 0 : i32
      %dma_wait3A_137 = tpu.memref_slice %arg8[%add3A_135, %dma_wait3A_136] : memref<250x40xi32, #tpu.memory_space<vmem>> -> memref<1x40xi32, #tpu.memory_space<vmem>>
      %dma_wait3A_138 = tpu.memref_squeeze %dma_wait3A_137 : memref<1x40xi32, #tpu.memory_space<vmem>> -> memref<40xi32, #tpu.memory_space<vmem>>
      %dma_wait3A_139 = arith.constant 0 : i32
      %dma_wait3A_140 = arith.constant 0 : i32
      %dma_wait3A_141 = tpu.memref_slice %arg2[%dma_wait3A_139, %dma_wait3A_140] : memref<10000x128xf32, #tpu.memory_space<hbm>> -> memref<10000x128xf32, #tpu.memory_space<hbm>>
      tpu.wait_indirect_dma semaphore(%arg18 : memref<!tpu.dma_semaphore, #tpu.memory_space<semaphore_mem>>) src(%dma_wait3A_141 : memref<10000x128xf32, #tpu.memory_space<hbm>>) dst(%arg13 : memref<40x128xf32, #tpu.memory_space<vmem>>)
      %dma_start3A_142 = arith.constant 0 : i32
      %dma_start3A_143 = tpu.memref_slice %arg9[%add3A_135, %dma_start3A_142] : memref<250x40xi32, #tpu.memory_space<vmem>> -> memref<1x40xi32, #tpu.memory_space<vmem>>
      %dma_start3A_144 = tpu.memref_squeeze %dma_start3A_143 : memref<1x40xi32, #tpu.memory_space<vmem>> -> memref<40xi32, #tpu.memory_space<vmem>>
      %dma_start3A_145 = arith.constant 0 : i32
      %dma_start3A_146 = arith.constant 0 : i32
      %dma_start3A_147 = tpu.memref_slice %arg7[%dma_start3A_145, %dma_start3A_146] : memref<10000x128xf32, #tpu.memory_space<vmem_shared>> -> memref<10000x128xf32, #tpu.memory_space<vmem_shared>>
      tpu.enqueue_indirect_dma source(%arg13 : memref<40x128xf32, #tpu.memory_space<vmem>>) target(%dma_start3A_147 : memref<10000x128xf32, #tpu.memory_space<vmem_shared>>) offsets(%dma_start3A_144 : memref<40xi32, #tpu.memory_space<vmem>>) semaphore(%arg23 : memref<!tpu.dma_semaphore, #tpu.memory_space<semaphore_mem>>) {add = true}
      %mul3A_148 = arith.constant 5 : i32
      %mul3A_149 = arith.muli %scan3A_82, %mul3A_148 : i32
      %add3A_150 = arith.constant 4 : i32
      %add3A_151 = arith.addi %mul3A_149, %add3A_150 : i32
      %dma_wait3A_152 = arith.constant 0 : i32
      %dma_wait3A_153 = tpu.memref_slice %arg8[%add3A_151, %dma_wait3A_152] : memref<250x40xi32, #tpu.memory_space<vmem>> -> memref<1x40xi32, #tpu.memory_space<vmem>>
      %dma_wait3A_154 = tpu.memref_squeeze %dma_wait3A_153 : memref<1x40xi32, #tpu.memory_space<vmem>> -> memref<40xi32, #tpu.memory_space<vmem>>
      %dma_wait3A_155 = arith.constant 0 : i32
      %dma_wait3A_156 = arith.constant 0 : i32
      %dma_wait3A_157 = tpu.memref_slice %arg2[%dma_wait3A_155, %dma_wait3A_156] : memref<10000x128xf32, #tpu.memory_space<hbm>> -> memref<10000x128xf32, #tpu.memory_space<hbm>>
      tpu.wait_indirect_dma semaphore(%arg19 : memref<!tpu.dma_semaphore, #tpu.memory_space<semaphore_mem>>) src(%dma_wait3A_157 : memref<10000x128xf32, #tpu.memory_space<hbm>>) dst(%arg14 : memref<40x128xf32, #tpu.memory_space<vmem>>)
      %dma_start3A_158 = arith.constant 0 : i32
      %dma_start3A_159 = tpu.memref_slice %arg9[%add3A_151, %dma_start3A_158] : memref<250x40xi32, #tpu.memory_space<vmem>> -> memref<1x40xi32, #tpu.memory_space<vmem>>
      %dma_start3A_160 = tpu.memref_squeeze %dma_start3A_159 : memref<1x40xi32, #tpu.memory_space<vmem>> -> memref<40xi32, #tpu.memory_space<vmem>>
      %dma_start3A_161 = arith.constant 0 : i32
      %dma_start3A_162 = arith.constant 0 : i32
      %dma_start3A_163 = tpu.memref_slice %arg7[%dma_start3A_161, %dma_start3A_162] : memref<10000x128xf32, #tpu.memory_space<vmem_shared>> -> memref<10000x128xf32, #tpu.memory_space<vmem_shared>>
      tpu.enqueue_indirect_dma source(%arg14 : memref<40x128xf32, #tpu.memory_space<vmem>>) target(%dma_start3A_163 : memref<10000x128xf32, #tpu.memory_space<vmem_shared>>) offsets(%dma_start3A_160 : memref<40xi32, #tpu.memory_space<vmem>>) semaphore(%arg24 : memref<!tpu.dma_semaphore, #tpu.memory_space<semaphore_mem>>) {add = true}
      %add3A_164 = arith.constant 1 : i32
      %add3A_165 = arith.addi %scan3A_82, %add3A_164 : i32
      %mul3A_166 = arith.constant 5 : i32
      %mul3A_167 = arith.muli %add3A_165, %mul3A_166 : i32
      %add3A_168 = arith.constant 0 : i32
      %add3A_169 = arith.addi %mul3A_167, %add3A_168 : i32
      %lt3A = arith.constant 250 : i32
      %lt3A_170 = arith.cmpi slt, %add3A_169, %lt3A : i32
      %convert_element_type3A = arith.extui %lt3A_170 : i1 to i32
      %cond3A = arith.constant 0 : i32
      %cond3A_171 = arith.cmpi ne, %convert_element_type3A, %cond3A : i32
      scf.if %cond3A_171 {
        %mul3A_217 = arith.constant 5 : i32
        %mul3A_218 = arith.muli %scan3A_82, %mul3A_217 : i32
        %add3A_219 = arith.constant 0 : i32
        %add3A_220 = arith.addi %mul3A_218, %add3A_219 : i32
        %dma_wait3A_221 = arith.constant 0 : i32
        %dma_wait3A_222 = tpu.memref_slice %arg9[%add3A_220, %dma_wait3A_221] : memref<250x40xi32, #tpu.memory_space<vmem>> -> memref<1x40xi32, #tpu.memory_space<vmem>>
        %dma_wait3A_223 = tpu.memref_squeeze %dma_wait3A_222 : memref<1x40xi32, #tpu.memory_space<vmem>> -> memref<40xi32, #tpu.memory_space<vmem>>
        %dma_wait3A_224 = arith.constant 0 : i32
        %dma_wait3A_225 = arith.constant 0 : i32
        %dma_wait3A_226 = tpu.memref_slice %arg7[%dma_wait3A_224, %dma_wait3A_225] : memref<10000x128xf32, #tpu.memory_space<vmem_shared>> -> memref<10000x128xf32, #tpu.memory_space<vmem_shared>>
        tpu.wait_indirect_dma semaphore(%arg20 : memref<!tpu.dma_semaphore, #tpu.memory_space<semaphore_mem>>) src(%arg10 : memref<40x128xf32, #tpu.memory_space<vmem>>) dst(%dma_wait3A_226 : memref<10000x128xf32, #tpu.memory_space<vmem_shared>>)
        %dma_start3A_227 = arith.constant 0 : i32
        %dma_start3A_228 = tpu.memref_slice %arg8[%add3A_169, %dma_start3A_227] : memref<250x40xi32, #tpu.memory_space<vmem>> -> memref<1x40xi32, #tpu.memory_space<vmem>>
        %dma_start3A_229 = tpu.memref_squeeze %dma_start3A_228 : memref<1x40xi32, #tpu.memory_space<vmem>> -> memref<40xi32, #tpu.memory_space<vmem>>
        %dma_start3A_230 = arith.constant 0 : i32
        %dma_start3A_231 = arith.constant 0 : i32
        %dma_start3A_232 = tpu.memref_slice %arg2[%dma_start3A_230, %dma_start3A_231] : memref<10000x128xf32, #tpu.memory_space<hbm>> -> memref<10000x128xf32, #tpu.memory_space<hbm>>
        tpu.enqueue_indirect_dma source(%dma_start3A_232 : memref<10000x128xf32, #tpu.memory_space<hbm>>) target(%arg10 : memref<40x128xf32, #tpu.memory_space<vmem>>) offsets(%dma_start3A_229 : memref<40xi32, #tpu.memory_space<vmem>>) semaphore(%arg15 : memref<!tpu.dma_semaphore, #tpu.memory_space<semaphore_mem>>)
      } else {
      }
      %add3A_172 = arith.constant 1 : i32
      %add3A_173 = arith.addi %scan3A_82, %add3A_172 : i32
      %mul3A_174 = arith.constant 5 : i32
      %mul3A_175 = arith.muli %add3A_173, %mul3A_174 : i32
      %add3A_176 = arith.constant 1 : i32
      %add3A_177 = arith.addi %mul3A_175, %add3A_176 : i32
      %lt3A_178 = arith.constant 250 : i32
      %lt3A_179 = arith.cmpi slt, %add3A_177, %lt3A_178 : i32
      %convert_element_type3A_180 = arith.extui %lt3A_179 : i1 to i32
      %cond3A_181 = arith.constant 0 : i32
      %cond3A_182 = arith.cmpi ne, %convert_element_type3A_180, %cond3A_181 : i32
      scf.if %cond3A_182 {
        %mul3A_217 = arith.constant 5 : i32
        %mul3A_218 = arith.muli %scan3A_82, %mul3A_217 : i32
        %add3A_219 = arith.constant 1 : i32
        %add3A_220 = arith.addi %mul3A_218, %add3A_219 : i32
        %dma_wait3A_221 = arith.constant 0 : i32
        %dma_wait3A_222 = tpu.memref_slice %arg9[%add3A_220, %dma_wait3A_221] : memref<250x40xi32, #tpu.memory_space<vmem>> -> memref<1x40xi32, #tpu.memory_space<vmem>>
        %dma_wait3A_223 = tpu.memref_squeeze %dma_wait3A_222 : memref<1x40xi32, #tpu.memory_space<vmem>> -> memref<40xi32, #tpu.memory_space<vmem>>
        %dma_wait3A_224 = arith.constant 0 : i32
        %dma_wait3A_225 = arith.constant 0 : i32
        %dma_wait3A_226 = tpu.memref_slice %arg7[%dma_wait3A_224, %dma_wait3A_225] : memref<10000x128xf32, #tpu.memory_space<vmem_shared>> -> memref<10000x128xf32, #tpu.memory_space<vmem_shared>>
        tpu.wait_indirect_dma semaphore(%arg21 : memref<!tpu.dma_semaphore, #tpu.memory_space<semaphore_mem>>) src(%arg11 : memref<40x128xf32, #tpu.memory_space<vmem>>) dst(%dma_wait3A_226 : memref<10000x128xf32, #tpu.memory_space<vmem_shared>>)
        %dma_start3A_227 = arith.constant 0 : i32
        %dma_start3A_228 = tpu.memref_slice %arg8[%add3A_177, %dma_start3A_227] : memref<250x40xi32, #tpu.memory_space<vmem>> -> memref<1x40xi32, #tpu.memory_space<vmem>>
        %dma_start3A_229 = tpu.memref_squeeze %dma_start3A_228 : memref<1x40xi32, #tpu.memory_space<vmem>> -> memref<40xi32, #tpu.memory_space<vmem>>
        %dma_start3A_230 = arith.constant 0 : i32
        %dma_start3A_231 = arith.constant 0 : i32
        %dma_start3A_232 = tpu.memref_slice %arg2[%dma_start3A_230, %dma_start3A_231] : memref<10000x128xf32, #tpu.memory_space<hbm>> -> memref<10000x128xf32, #tpu.memory_space<hbm>>
        tpu.enqueue_indirect_dma source(%dma_start3A_232 : memref<10000x128xf32, #tpu.memory_space<hbm>>) target(%arg11 : memref<40x128xf32, #tpu.memory_space<vmem>>) offsets(%dma_start3A_229 : memref<40xi32, #tpu.memory_space<vmem>>) semaphore(%arg16 : memref<!tpu.dma_semaphore, #tpu.memory_space<semaphore_mem>>)
      } else {
      }
      %add3A_183 = arith.constant 1 : i32
      %add3A_184 = arith.addi %scan3A_82, %add3A_183 : i32
      %mul3A_185 = arith.constant 5 : i32
      %mul3A_186 = arith.muli %add3A_184, %mul3A_185 : i32
      %add3A_187 = arith.constant 2 : i32
      %add3A_188 = arith.addi %mul3A_186, %add3A_187 : i32
      %lt3A_189 = arith.constant 250 : i32
      %lt3A_190 = arith.cmpi slt, %add3A_188, %lt3A_189 : i32
      %convert_element_type3A_191 = arith.extui %lt3A_190 : i1 to i32
      %cond3A_192 = arith.constant 0 : i32
      %cond3A_193 = arith.cmpi ne, %convert_element_type3A_191, %cond3A_192 : i32
      scf.if %cond3A_193 {
        %mul3A_217 = arith.constant 5 : i32
        %mul3A_218 = arith.muli %scan3A_82, %mul3A_217 : i32
        %add3A_219 = arith.constant 2 : i32
        %add3A_220 = arith.addi %mul3A_218, %add3A_219 : i32
        %dma_wait3A_221 = arith.constant 0 : i32
        %dma_wait3A_222 = tpu.memref_slice %arg9[%add3A_220, %dma_wait3A_221] : memref<250x40xi32, #tpu.memory_space<vmem>> -> memref<1x40xi32, #tpu.memory_space<vmem>>
        %dma_wait3A_223 = tpu.memref_squeeze %dma_wait3A_222 : memref<1x40xi32, #tpu.memory_space<vmem>> -> memref<40xi32, #tpu.memory_space<vmem>>
        %dma_wait3A_224 = arith.constant 0 : i32
        %dma_wait3A_225 = arith.constant 0 : i32
        %dma_wait3A_226 = tpu.memref_slice %arg7[%dma_wait3A_224, %dma_wait3A_225] : memref<10000x128xf32, #tpu.memory_space<vmem_shared>> -> memref<10000x128xf32, #tpu.memory_space<vmem_shared>>
        tpu.wait_indirect_dma semaphore(%arg22 : memref<!tpu.dma_semaphore, #tpu.memory_space<semaphore_mem>>) src(%arg12 : memref<40x128xf32, #tpu.memory_space<vmem>>) dst(%dma_wait3A_226 : memref<10000x128xf32, #tpu.memory_space<vmem_shared>>)
        %dma_start3A_227 = arith.constant 0 : i32
        %dma_start3A_228 = tpu.memref_slice %arg8[%add3A_188, %dma_start3A_227] : memref<250x40xi32, #tpu.memory_space<vmem>> -> memref<1x40xi32, #tpu.memory_space<vmem>>
        %dma_start3A_229 = tpu.memref_squeeze %dma_start3A_228 : memref<1x40xi32, #tpu.memory_space<vmem>> -> memref<40xi32, #tpu.memory_space<vmem>>
        %dma_start3A_230 = arith.constant 0 : i32
        %dma_start3A_231 = arith.constant 0 : i32
        %dma_start3A_232 = tpu.memref_slice %arg2[%dma_start3A_230, %dma_start3A_231] : memref<10000x128xf32, #tpu.memory_space<hbm>> -> memref<10000x128xf32, #tpu.memory_space<hbm>>
        tpu.enqueue_indirect_dma source(%dma_start3A_232 : memref<10000x128xf32, #tpu.memory_space<hbm>>) target(%arg12 : memref<40x128xf32, #tpu.memory_space<vmem>>) offsets(%dma_start3A_229 : memref<40xi32, #tpu.memory_space<vmem>>) semaphore(%arg17 : memref<!tpu.dma_semaphore, #tpu.memory_space<semaphore_mem>>)
      } else {
      }
      %add3A_194 = arith.constant 1 : i32
      %add3A_195 = arith.addi %scan3A_82, %add3A_194 : i32
      %mul3A_196 = arith.constant 5 : i32
      %mul3A_197 = arith.muli %add3A_195, %mul3A_196 : i32
      %add3A_198 = arith.constant 3 : i32
      %add3A_199 = arith.addi %mul3A_197, %add3A_198 : i32
      %lt3A_200 = arith.constant 250 : i32
      %lt3A_201 = arith.cmpi slt, %add3A_199, %lt3A_200 : i32
      %convert_element_type3A_202 = arith.extui %lt3A_201 : i1 to i32
      %cond3A_203 = arith.constant 0 : i32
      %cond3A_204 = arith.cmpi ne, %convert_element_type3A_202, %cond3A_203 : i32
      scf.if %cond3A_204 {
        %mul3A_217 = arith.constant 5 : i32
        %mul3A_218 = arith.muli %scan3A_82, %mul3A_217 : i32
        %add3A_219 = arith.constant 3 : i32
        %add3A_220 = arith.addi %mul3A_218, %add3A_219 : i32
        %dma_wait3A_221 = arith.constant 0 : i32
        %dma_wait3A_222 = tpu.memref_slice %arg9[%add3A_220, %dma_wait3A_221] : memref<250x40xi32, #tpu.memory_space<vmem>> -> memref<1x40xi32, #tpu.memory_space<vmem>>
        %dma_wait3A_223 = tpu.memref_squeeze %dma_wait3A_222 : memref<1x40xi32, #tpu.memory_space<vmem>> -> memref<40xi32, #tpu.memory_space<vmem>>
        %dma_wait3A_224 = arith.constant 0 : i32
        %dma_wait3A_225 = arith.constant 0 : i32
        %dma_wait3A_226 = tpu.memref_slice %arg7[%dma_wait3A_224, %dma_wait3A_225] : memref<10000x128xf32, #tpu.memory_space<vmem_shared>> -> memref<10000x128xf32, #tpu.memory_space<vmem_shared>>
        tpu.wait_indirect_dma semaphore(%arg23 : memref<!tpu.dma_semaphore, #tpu.memory_space<semaphore_mem>>) src(%arg13 : memref<40x128xf32, #tpu.memory_space<vmem>>) dst(%dma_wait3A_226 : memref<10000x128xf32, #tpu.memory_space<vmem_shared>>)
        %dma_start3A_227 = arith.constant 0 : i32
        %dma_start3A_228 = tpu.memref_slice %arg8[%add3A_199, %dma_start3A_227] : memref<250x40xi32, #tpu.memory_space<vmem>> -> memref<1x40xi32, #tpu.memory_space<vmem>>
        %dma_start3A_229 = tpu.memref_squeeze %dma_start3A_228 : memref<1x40xi32, #tpu.memory_space<vmem>> -> memref<40xi32, #tpu.memory_space<vmem>>
        %dma_start3A_230 = arith.constant 0 : i32
        %dma_start3A_231 = arith.constant 0 : i32
        %dma_start3A_232 = tpu.memref_slice %arg2[%dma_start3A_230, %dma_start3A_231] : memref<10000x128xf32, #tpu.memory_space<hbm>> -> memref<10000x128xf32, #tpu.memory_space<hbm>>
        tpu.enqueue_indirect_dma source(%dma_start3A_232 : memref<10000x128xf32, #tpu.memory_space<hbm>>) target(%arg13 : memref<40x128xf32, #tpu.memory_space<vmem>>) offsets(%dma_start3A_229 : memref<40xi32, #tpu.memory_space<vmem>>) semaphore(%arg18 : memref<!tpu.dma_semaphore, #tpu.memory_space<semaphore_mem>>)
      } else {
      }
      %add3A_205 = arith.constant 1 : i32
      %add3A_206 = arith.addi %scan3A_82, %add3A_205 : i32
      %mul3A_207 = arith.constant 5 : i32
      %mul3A_208 = arith.muli %add3A_206, %mul3A_207 : i32
      %add3A_209 = arith.constant 4 : i32
      %add3A_210 = arith.addi %mul3A_208, %add3A_209 : i32
      %lt3A_211 = arith.constant 250 : i32
      %lt3A_212 = arith.cmpi slt, %add3A_210, %lt3A_211 : i32
      %convert_element_type3A_213 = arith.extui %lt3A_212 : i1 to i32
      %cond3A_214 = arith.constant 0 : i32
      %cond3A_215 = arith.cmpi ne, %convert_element_type3A_213, %cond3A_214 : i32
      scf.if %cond3A_215 {
        %mul3A_217 = arith.constant 5 : i32
        %mul3A_218 = arith.muli %scan3A_82, %mul3A_217 : i32
        %add3A_219 = arith.constant 4 : i32
        %add3A_220 = arith.addi %mul3A_218, %add3A_219 : i32
        %dma_wait3A_221 = arith.constant 0 : i32
        %dma_wait3A_222 = tpu.memref_slice %arg9[%add3A_220, %dma_wait3A_221] : memref<250x40xi32, #tpu.memory_space<vmem>> -> memref<1x40xi32, #tpu.memory_space<vmem>>
        %dma_wait3A_223 = tpu.memref_squeeze %dma_wait3A_222 : memref<1x40xi32, #tpu.memory_space<vmem>> -> memref<40xi32, #tpu.memory_space<vmem>>
        %dma_wait3A_224 = arith.constant 0 : i32
        %dma_wait3A_225 = arith.constant 0 : i32
        %dma_wait3A_226 = tpu.memref_slice %arg7[%dma_wait3A_224, %dma_wait3A_225] : memref<10000x128xf32, #tpu.memory_space<vmem_shared>> -> memref<10000x128xf32, #tpu.memory_space<vmem_shared>>
        tpu.wait_indirect_dma semaphore(%arg24 : memref<!tpu.dma_semaphore, #tpu.memory_space<semaphore_mem>>) src(%arg14 : memref<40x128xf32, #tpu.memory_space<vmem>>) dst(%dma_wait3A_226 : memref<10000x128xf32, #tpu.memory_space<vmem_shared>>)
        %dma_start3A_227 = arith.constant 0 : i32
        %dma_start3A_228 = tpu.memref_slice %arg8[%add3A_210, %dma_start3A_227] : memref<250x40xi32, #tpu.memory_space<vmem>> -> memref<1x40xi32, #tpu.memory_space<vmem>>
        %dma_start3A_229 = tpu.memref_squeeze %dma_start3A_228 : memref<1x40xi32, #tpu.memory_space<vmem>> -> memref<40xi32, #tpu.memory_space<vmem>>
        %dma_start3A_230 = arith.constant 0 : i32
        %dma_start3A_231 = arith.constant 0 : i32
        %dma_start3A_232 = tpu.memref_slice %arg2[%dma_start3A_230, %dma_start3A_231] : memref<10000x128xf32, #tpu.memory_space<hbm>> -> memref<10000x128xf32, #tpu.memory_space<hbm>>
        tpu.enqueue_indirect_dma source(%dma_start3A_232 : memref<10000x128xf32, #tpu.memory_space<hbm>>) target(%arg14 : memref<40x128xf32, #tpu.memory_space<vmem>>) offsets(%dma_start3A_229 : memref<40xi32, #tpu.memory_space<vmem>>) semaphore(%arg19 : memref<!tpu.dma_semaphore, #tpu.memory_space<semaphore_mem>>)
      } else {
      }
      %scan3A_216 = arith.constant 0 : i32
      scf.yield %scan3A_216 : i32
    }
    %scan3A_42 = arith.constant 50 : i32
    %dma_wait3A = arith.constant 245 : i32
    %dma_wait3A_43 = arith.constant 0 : i32
    %dma_wait3A_44 = tpu.memref_slice %arg9[%dma_wait3A, %dma_wait3A_43] : memref<250x40xi32, #tpu.memory_space<vmem>> -> memref<1x40xi32, #tpu.memory_space<vmem>>
    %dma_wait3A_45 = tpu.memref_squeeze %dma_wait3A_44 : memref<1x40xi32, #tpu.memory_space<vmem>> -> memref<40xi32, #tpu.memory_space<vmem>>
    %dma_wait3A_46 = arith.constant 0 : i32
    %dma_wait3A_47 = arith.constant 0 : i32
    %dma_wait3A_48 = tpu.memref_slice %arg7[%dma_wait3A_46, %dma_wait3A_47] : memref<10000x128xf32, #tpu.memory_space<vmem_shared>> -> memref<10000x128xf32, #tpu.memory_space<vmem_shared>>
    tpu.wait_indirect_dma semaphore(%arg20 : memref<!tpu.dma_semaphore, #tpu.memory_space<semaphore_mem>>) src(%arg10 : memref<40x128xf32, #tpu.memory_space<vmem>>) dst(%dma_wait3A_48 : memref<10000x128xf32, #tpu.memory_space<vmem_shared>>)
    %dma_wait3A_49 = arith.constant 246 : i32
    %dma_wait3A_50 = arith.constant 0 : i32
    %dma_wait3A_51 = tpu.memref_slice %arg9[%dma_wait3A_49, %dma_wait3A_50] : memref<250x40xi32, #tpu.memory_space<vmem>> -> memref<1x40xi32, #tpu.memory_space<vmem>>
    %dma_wait3A_52 = tpu.memref_squeeze %dma_wait3A_51 : memref<1x40xi32, #tpu.memory_space<vmem>> -> memref<40xi32, #tpu.memory_space<vmem>>
    %dma_wait3A_53 = arith.constant 0 : i32
    %dma_wait3A_54 = arith.constant 0 : i32
    %dma_wait3A_55 = tpu.memref_slice %arg7[%dma_wait3A_53, %dma_wait3A_54] : memref<10000x128xf32, #tpu.memory_space<vmem_shared>> -> memref<10000x128xf32, #tpu.memory_space<vmem_shared>>
    tpu.wait_indirect_dma semaphore(%arg21 : memref<!tpu.dma_semaphore, #tpu.memory_space<semaphore_mem>>) src(%arg11 : memref<40x128xf32, #tpu.memory_space<vmem>>) dst(%dma_wait3A_55 : memref<10000x128xf32, #tpu.memory_space<vmem_shared>>)
    %dma_wait3A_56 = arith.constant 247 : i32
    %dma_wait3A_57 = arith.constant 0 : i32
    %dma_wait3A_58 = tpu.memref_slice %arg9[%dma_wait3A_56, %dma_wait3A_57] : memref<250x40xi32, #tpu.memory_space<vmem>> -> memref<1x40xi32, #tpu.memory_space<vmem>>
    %dma_wait3A_59 = tpu.memref_squeeze %dma_wait3A_58 : memref<1x40xi32, #tpu.memory_space<vmem>> -> memref<40xi32, #tpu.memory_space<vmem>>
    %dma_wait3A_60 = arith.constant 0 : i32
    %dma_wait3A_61 = arith.constant 0 : i32
    %dma_wait3A_62 = tpu.memref_slice %arg7[%dma_wait3A_60, %dma_wait3A_61] : memref<10000x128xf32, #tpu.memory_space<vmem_shared>> -> memref<10000x128xf32, #tpu.memory_space<vmem_shared>>
    tpu.wait_indirect_dma semaphore(%arg22 : memref<!tpu.dma_semaphore, #tpu.memory_space<semaphore_mem>>) src(%arg12 : memref<40x128xf32, #tpu.memory_space<vmem>>) dst(%dma_wait3A_62 : memref<10000x128xf32, #tpu.memory_space<vmem_shared>>)
    %dma_wait3A_63 = arith.constant 248 : i32
    %dma_wait3A_64 = arith.constant 0 : i32
    %dma_wait3A_65 = tpu.memref_slice %arg9[%dma_wait3A_63, %dma_wait3A_64] : memref<250x40xi32, #tpu.memory_space<vmem>> -> memref<1x40xi32, #tpu.memory_space<vmem>>
    %dma_wait3A_66 = tpu.memref_squeeze %dma_wait3A_65 : memref<1x40xi32, #tpu.memory_space<vmem>> -> memref<40xi32, #tpu.memory_space<vmem>>
    %dma_wait3A_67 = arith.constant 0 : i32
    %dma_wait3A_68 = arith.constant 0 : i32
    %dma_wait3A_69 = tpu.memref_slice %arg7[%dma_wait3A_67, %dma_wait3A_68] : memref<10000x128xf32, #tpu.memory_space<vmem_shared>> -> memref<10000x128xf32, #tpu.memory_space<vmem_shared>>
    tpu.wait_indirect_dma semaphore(%arg23 : memref<!tpu.dma_semaphore, #tpu.memory_space<semaphore_mem>>) src(%arg13 : memref<40x128xf32, #tpu.memory_space<vmem>>) dst(%dma_wait3A_69 : memref<10000x128xf32, #tpu.memory_space<vmem_shared>>)
    %dma_wait3A_70 = arith.constant 249 : i32
    %dma_wait3A_71 = arith.constant 0 : i32
    %dma_wait3A_72 = tpu.memref_slice %arg9[%dma_wait3A_70, %dma_wait3A_71] : memref<250x40xi32, #tpu.memory_space<vmem>> -> memref<1x40xi32, #tpu.memory_space<vmem>>
    %dma_wait3A_73 = tpu.memref_squeeze %dma_wait3A_72 : memref<1x40xi32, #tpu.memory_space<vmem>> -> memref<40xi32, #tpu.memory_space<vmem>>
    %dma_wait3A_74 = arith.constant 0 : i32
    %dma_wait3A_75 = arith.constant 0 : i32
    %dma_wait3A_76 = tpu.memref_slice %arg7[%dma_wait3A_74, %dma_wait3A_75] : memref<10000x128xf32, #tpu.memory_space<vmem_shared>> -> memref<10000x128xf32, #tpu.memory_space<vmem_shared>>
    tpu.wait_indirect_dma semaphore(%arg24 : memref<!tpu.dma_semaphore, #tpu.memory_space<semaphore_mem>>) src(%arg14 : memref<40x128xf32, #tpu.memory_space<vmem>>) dst(%dma_wait3A_76 : memref<10000x128xf32, #tpu.memory_space<vmem_shared>>)
    %barrier3A_77 = arith.constant 0 : index
    tpu.barrier barrier_id(%barrier3A_77)
    %mul3A_78 = arith.constant 625 : i32
    %mul3A_79 = arith.muli %arg1, %mul3A_78 : i32
    %mul3A_80 = arith.constant 625 : i32
    %mul3A_81 = arith.muli %arg1, %mul3A_80 : i32
    "tpu.region"() ({
      %run_scoped3A = tpu.sem_alloc : memref<!tpu.dma_semaphore, #tpu.memory_space<semaphore_mem>>
      %dma_start3A_82 = arith.constant 0 : i32
      %dma_start3A_83 = tpu.memref_slice %arg6[%arg0, %mul3A_81, %dma_start3A_82] : memref<2x10000x128xf32, #tpu.memory_space<hbm>> -> memref<1x625x128xf32, #tpu.memory_space<hbm>>
      %dma_start3A_84 = tpu.memref_squeeze %dma_start3A_83 : memref<1x625x128xf32, #tpu.memory_space<hbm>> -> memref<625x128xf32, #tpu.memory_space<hbm>>
      %dma_start3A_85 = arith.constant 0 : i32
      %dma_start3A_86 = tpu.memref_slice %arg7[%mul3A_79, %dma_start3A_85] : memref<10000x128xf32, #tpu.memory_space<vmem_shared>> -> memref<625x128xf32, #tpu.memory_space<vmem_shared>>
      tpu.enqueue_dma source(%dma_start3A_86 : memref<625x128xf32, #tpu.memory_space<vmem_shared>>) target(%dma_start3A_84 : memref<625x128xf32, #tpu.memory_space<hbm>>) target_semaphore(%run_scoped3A : memref<!tpu.dma_semaphore, #tpu.memory_space<semaphore_mem>>)
      %dma_wait3A_87 = arith.constant 0 : i32
      %dma_wait3A_88 = tpu.memref_slice %arg6[%arg0, %mul3A_81, %dma_wait3A_87] : memref<2x10000x128xf32, #tpu.memory_space<hbm>> -> memref<1x625x128xf32, #tpu.memory_space<hbm>>
      %dma_wait3A_89 = tpu.memref_squeeze %dma_wait3A_88 : memref<1x625x128xf32, #tpu.memory_space<hbm>> -> memref<625x128xf32, #tpu.memory_space<hbm>>
      %dma_wait3A_90 = arith.constant 0 : i32
      %dma_wait3A_91 = tpu.memref_slice %arg7[%mul3A_79, %dma_wait3A_90] : memref<10000x128xf32, #tpu.memory_space<vmem_shared>> -> memref<625x128xf32, #tpu.memory_space<vmem_shared>>
      tpu.wait_dma2 semaphore(%run_scoped3A : memref<!tpu.dma_semaphore, #tpu.memory_space<semaphore_mem>>) src(%dma_wait3A_91 : memref<625x128xf32, #tpu.memory_space<vmem_shared>>) dst(%dma_wait3A_89 : memref<625x128xf32, #tpu.memory_space<hbm>>)
      tpu.yield
    }) : () -> ()
    return
  }
}

module attributes {stable_mosaic.version = 14 : i64} {
  func.func @_prep_body(%arg0: i32, %arg1: memref<2000x16xf32, #tpu.memory_space<vmem>>, %arg2: memref<2000x16xf32, #tpu.memory_space<vmem>>, %arg3: memref<2000x128xf32, #tpu.memory_space<vmem>>, %arg4: memref<2000x16xf32, #tpu.memory_space<vmem>>, %arg5: memref<2000x128xf32, #tpu.memory_space<vmem>>) attributes {dimension_semantics = [#tpu.dimension_semantics<arbitrary>], iteration_bounds = array<i64: 5>, scalar_prefetch = 0 : i64, scratch_operands = 0 : i64, tpu.core_type = #tpu.core_type<tc>, window_params = [{transform_indices = @transform_0, window_bounds = array<i64: 2000, 16>}, {transform_indices = @transform_1, window_bounds = array<i64: 2000, 16>}, {transform_indices = @transform_2, window_bounds = array<i64: 2000, 128>}, {transform_indices = @transform_3, window_bounds = array<i64: 2000, 16>}, {transform_indices = @transform_4, window_bounds = array<i64: 2000, 128>}]} {
    %get3A = arith.constant 0 : index
    %get3A_0 = arith.constant 0 : index
    %get3A_1 = vector.load %arg1[%get3A, %get3A_0] : memref<2000x16xf32, #tpu.memory_space<vmem>>, vector<2000x1xf32>
    %get3A_2 = arith.constant 0 : index
    %get3A_3 = arith.constant 0 : index
    %get3A_4 = vector.load %arg2[%get3A_2, %get3A_3] : memref<2000x16xf32, #tpu.memory_space<vmem>>, vector<2000x1xf32>
    %add3A = arith.addf %get3A_1, %get3A_4 : vector<2000x1xf32>
    %gt3A = arith.constant 0.000000e+00 : f32
    %gt3A_5 = vector.broadcast %gt3A : f32 to vector<2000x1xf32>
    %gt3A_6 = arith.cmpf ogt, %add3A, %gt3A_5 : vector<2000x1xf32>
    %sqrt3A = math.sqrt %add3A : vector<2000x1xf32>
    %div3A = arith.constant 1.000000e+00 : f32
    %div3A_7 = vector.broadcast %div3A : f32 to vector<2000x1xf32>
    %div3A_8 = arith.divf %div3A_7, %sqrt3A : vector<2000x1xf32>
    %jit3A = arith.constant 0.000000e+00 : f32
    %broadcast_in_dim3A = vector.broadcast %jit3A : f32 to vector<2000x1xf32>
    %select_n3A = arith.select %gt3A_6, %div3A_8, %broadcast_in_dim3A : vector<2000x1xi1>, vector<2000x1xf32>
    %broadcast_in_dim3A_9 = vector.shape_cast %select_n3A : vector<2000x1xf32> to vector<2000x1xf32>
    %broadcast_in_dim3A_10 = vector.broadcast %broadcast_in_dim3A_9 : vector<2000x1xf32> to vector<2000x16xf32>
    %swap3A = arith.constant 0 : index
    %swap3A_11 = arith.constant 0 : index
    %swap3A_12 = vector.load %arg4[%swap3A, %swap3A_11] : memref<2000x16xf32, #tpu.memory_space<vmem>>, vector<2000x16xf32>
    tpu.vector_store %arg4[%swap3A, %swap3A_11], %broadcast_in_dim3A_10 {strides = array<i32>} : memref<2000x16xf32, #tpu.memory_space<vmem>>, vector<2000x16xf32>,
    %broadcast_in_dim3A_13 = vector.shape_cast %select_n3A : vector<2000x1xf32> to vector<2000x1xf32>
    %broadcast_in_dim3A_14 = vector.broadcast %broadcast_in_dim3A_13 : vector<2000x1xf32> to vector<2000x128xf32>
    %get3A_15 = arith.constant 0 : index
    %get3A_16 = arith.constant 0 : index
    %get3A_17 = vector.load %arg3[%get3A_15, %get3A_16] : memref<2000x128xf32, #tpu.memory_space<vmem>>, vector<2000x128xf32>
    %mul3A = arith.mulf %broadcast_in_dim3A_14, %get3A_17 : vector<2000x128xf32>
    %swap3A_18 = arith.constant 0 : index
    %swap3A_19 = arith.constant 0 : index
    %swap3A_20 = vector.load %arg5[%swap3A_18, %swap3A_19] : memref<2000x128xf32, #tpu.memory_space<vmem>>, vector<2000x128xf32>
    tpu.vector_store %arg5[%swap3A_18, %swap3A_19], %mul3A {strides = array<i32>} : memref<2000x128xf32, #tpu.memory_space<vmem>>, vector<2000x128xf32>,
    return
  }
  func.func @transform_0(%arg0: i32) -> (i32, i32) {
    %c0_i32 = arith.constant 0 : i32
    %c0_i32_0 = arith.constant 0 : i32
    return %arg0, %c0_i32 : i32, i32
  }
  func.func @transform_1(%arg0: i32) -> (i32, i32) {
    %c0_i32 = arith.constant 0 : i32
    %c0_i32_0 = arith.constant 0 : i32
    return %arg0, %c0_i32 : i32, i32
  }
  func.func @transform_2(%arg0: i32) -> (i32, i32) {
    %c0_i32 = arith.constant 0 : i32
    %c0_i32_0 = arith.constant 0 : i32
    return %arg0, %c0_i32 : i32, i32
  }
  func.func @transform_3(%arg0: i32) -> (i32, i32) {
    %c0_i32 = arith.constant 0 : i32
    %c0_i32_0 = arith.constant 0 : i32
    return %arg0, %c0_i32 : i32, i32
  }
  func.func @transform_4(%arg0: i32) -> (i32, i32) {
    %c0_i32 = arith.constant 0 : i32
    %c0_i32_0 = arith.constant 0 : i32
    return %arg0, %c0_i32 : i32, i32
  }
}

module attributes {stable_mosaic.version = 14 : i64} {
  func.func @_combine_body(%arg0: i32, %arg1: memref<2000x128xf32, #tpu.memory_space<vmem>>, %arg2: memref<2000x128xf32, #tpu.memory_space<vmem>>, %arg3: memref<2000x16xf32, #tpu.memory_space<vmem>>, %arg4: memref<2000x128xf32, #tpu.memory_space<vmem>>, %arg5: memref<2000x128xf32, #tpu.memory_space<vmem>>, %arg6: memref<2000x128xf32, #tpu.memory_space<vmem>>) attributes {dimension_semantics = [#tpu.dimension_semantics<arbitrary>], iteration_bounds = array<i64: 5>, scalar_prefetch = 0 : i64, scratch_operands = 0 : i64, tpu.core_type = #tpu.core_type<tc>, window_params = [{transform_indices = @transform_0, window_bounds = array<i64: 2000, 128>}, {transform_indices = @transform_1, window_bounds = array<i64: 2000, 128>}, {transform_indices = @transform_2, window_bounds = array<i64: 2000, 16>}, {transform_indices = @transform_3, window_bounds = array<i64: 2000, 128>}, {transform_indices = @transform_4, window_bounds = array<i64: 2000, 128>}, {transform_indices = @transform_5, window_bounds = array<i64: 2000, 128>}]} {
    %get3A = arith.constant 0 : index
    %get3A_0 = arith.constant 0 : index
    %get3A_1 = vector.load %arg3[%get3A, %get3A_0] : memref<2000x16xf32, #tpu.memory_space<vmem>>, vector<2000x1xf32>
    %broadcast_in_dim3A = vector.shape_cast %get3A_1 : vector<2000x1xf32> to vector<2000x1xf32>
    %broadcast_in_dim3A_2 = vector.broadcast %broadcast_in_dim3A : vector<2000x1xf32> to vector<2000x128xf32>
    %get3A_3 = arith.constant 0 : index
    %get3A_4 = arith.constant 0 : index
    %get3A_5 = vector.load %arg1[%get3A_3, %get3A_4] : memref<2000x128xf32, #tpu.memory_space<vmem>>, vector<2000x128xf32>
    %get3A_6 = arith.constant 0 : index
    %get3A_7 = arith.constant 0 : index
    %get3A_8 = vector.load %arg2[%get3A_6, %get3A_7] : memref<2000x128xf32, #tpu.memory_space<vmem>>, vector<2000x128xf32>
    %add3A = arith.addf %get3A_5, %get3A_8 : vector<2000x128xf32>
    %mul3A = arith.mulf %broadcast_in_dim3A_2, %add3A : vector<2000x128xf32>
    %get3A_9 = arith.constant 0 : index
    %get3A_10 = arith.constant 0 : index
    %get3A_11 = vector.load %arg4[%get3A_9, %get3A_10] : memref<2000x128xf32, #tpu.memory_space<vmem>>, vector<2000x128xf32>
    %add3A_12 = arith.addf %get3A_11, %mul3A : vector<2000x128xf32>
    %swap3A = arith.constant 0 : index
    %swap3A_13 = arith.constant 0 : index
    %swap3A_14 = vector.load %arg5[%swap3A, %swap3A_13] : memref<2000x128xf32, #tpu.memory_space<vmem>>, vector<2000x128xf32>
    tpu.vector_store %arg5[%swap3A, %swap3A_13], %add3A_12 {strides = array<i32>} : memref<2000x128xf32, #tpu.memory_space<vmem>>, vector<2000x128xf32>,
    %mul3A_15 = arith.mulf %broadcast_in_dim3A_2, %mul3A : vector<2000x128xf32>
    %swap3A_16 = arith.constant 0 : index
    %swap3A_17 = arith.constant 0 : index
    %swap3A_18 = vector.load %arg6[%swap3A_16, %swap3A_17] : memref<2000x128xf32, #tpu.memory_space<vmem>>, vector<2000x128xf32>
    tpu.vector_store %arg6[%swap3A_16, %swap3A_17], %mul3A_15 {strides = array<i32>} : memref<2000x128xf32, #tpu.memory_space<vmem>>, vector<2000x128xf32>,
    return
  }
  func.func @transform_0(%arg0: i32) -> (i32, i32) {
    %c0_i32 = arith.constant 0 : i32
    %c0_i32_0 = arith.constant 0 : i32
    return %arg0, %c0_i32 : i32, i32
  }
  func.func @transform_1(%arg0: i32) -> (i32, i32) {
    %c0_i32 = arith.constant 0 : i32
    %c0_i32_0 = arith.constant 0 : i32
    return %arg0, %c0_i32 : i32, i32
  }
  func.func @transform_2(%arg0: i32) -> (i32, i32) {
    %c0_i32 = arith.constant 0 : i32
    %c0_i32_0 = arith.constant 0 : i32
    return %arg0, %c0_i32 : i32, i32
  }
  func.func @transform_3(%arg0: i32) -> (i32, i32) {
    %c0_i32 = arith.constant 0 : i32
    %c0_i32_0 = arith.constant 0 : i32
    return %arg0, %c0_i32 : i32, i32
  }
  func.func @transform_4(%arg0: i32) -> (i32, i32) {
    %c0_i32 = arith.constant 0 : i32
    %c0_i32_0 = arith.constant 0 : i32
    return %arg0, %c0_i32 : i32, i32
  }
  func.func @transform_5(%arg0: i32) -> (i32, i32) {
    %c0_i32 = arith.constant 0 : i32
    %c0_i32_0 = arith.constant 0 : i32
    return %arg0, %c0_i32 : i32, i32
  }
}

module attributes {stable_mosaic.version = 14 : i64} {
  func.func @_final_body(%arg0: i32, %arg1: memref<2000x128xf32, #tpu.memory_space<vmem>>, %arg2: memref<2000x128xf32, #tpu.memory_space<vmem>>, %arg3: memref<2000x16xf32, #tpu.memory_space<vmem>>, %arg4: memref<2000x128xf32, #tpu.memory_space<vmem>>, %arg5: memref<2000x128xf32, #tpu.memory_space<vmem>>) attributes {dimension_semantics = [#tpu.dimension_semantics<arbitrary>], iteration_bounds = array<i64: 5>, scalar_prefetch = 0 : i64, scratch_operands = 0 : i64, tpu.core_type = #tpu.core_type<tc>, window_params = [{transform_indices = @transform_0, window_bounds = array<i64: 2000, 128>}, {transform_indices = @transform_1, window_bounds = array<i64: 2000, 128>}, {transform_indices = @transform_2, window_bounds = array<i64: 2000, 16>}, {transform_indices = @transform_3, window_bounds = array<i64: 2000, 128>}, {transform_indices = @transform_4, window_bounds = array<i64: 2000, 128>}]} {
    %get3A = arith.constant 0 : index
    %get3A_0 = arith.constant 0 : index
    %get3A_1 = vector.load %arg3[%get3A, %get3A_0] : memref<2000x16xf32, #tpu.memory_space<vmem>>, vector<2000x1xf32>
    %broadcast_in_dim3A = vector.shape_cast %get3A_1 : vector<2000x1xf32> to vector<2000x1xf32>
    %broadcast_in_dim3A_2 = vector.broadcast %broadcast_in_dim3A : vector<2000x1xf32> to vector<2000x128xf32>
    %get3A_3 = arith.constant 0 : index
    %get3A_4 = arith.constant 0 : index
    %get3A_5 = vector.load %arg1[%get3A_3, %get3A_4] : memref<2000x128xf32, #tpu.memory_space<vmem>>, vector<2000x128xf32>
    %get3A_6 = arith.constant 0 : index
    %get3A_7 = arith.constant 0 : index
    %get3A_8 = vector.load %arg2[%get3A_6, %get3A_7] : memref<2000x128xf32, #tpu.memory_space<vmem>>, vector<2000x128xf32>
    %add3A = arith.addf %get3A_5, %get3A_8 : vector<2000x128xf32>
    %mul3A = arith.mulf %broadcast_in_dim3A_2, %add3A : vector<2000x128xf32>
    %get3A_9 = arith.constant 0 : index
    %get3A_10 = arith.constant 0 : index
    %get3A_11 = vector.load %arg4[%get3A_9, %get3A_10] : memref<2000x128xf32, #tpu.memory_space<vmem>>, vector<2000x128xf32>
    %add3A_12 = arith.addf %get3A_11, %mul3A : vector<2000x128xf32>
    %mul3A_13 = arith.constant 2.500000e-01 : f32
    %mul3A_14 = vector.broadcast %mul3A_13 : f32 to vector<2000x128xf32>
    %mul3A_15 = arith.mulf %add3A_12, %mul3A_14 : vector<2000x128xf32>
    %swap3A = arith.constant 0 : index
    %swap3A_16 = arith.constant 0 : index
    %swap3A_17 = vector.load %arg5[%swap3A, %swap3A_16] : memref<2000x128xf32, #tpu.memory_space<vmem>>, vector<2000x128xf32>
    tpu.vector_store %arg5[%swap3A, %swap3A_16], %mul3A_15 {strides = array<i32>} : memref<2000x128xf32, #tpu.memory_space<vmem>>, vector<2000x128xf32>,
    return
  }
  func.func @transform_0(%arg0: i32) -> (i32, i32) {
    %c0_i32 = arith.constant 0 : i32
    %c0_i32_0 = arith.constant 0 : i32
    return %arg0, %c0_i32 : i32, i32
  }
  func.func @transform_1(%arg0: i32) -> (i32, i32) {
    %c0_i32 = arith.constant 0 : i32
    %c0_i32_0 = arith.constant 0 : i32
    return %arg0, %c0_i32 : i32, i32
  }
  func.func @transform_2(%arg0: i32) -> (i32, i32) {
    %c0_i32 = arith.constant 0 : i32
    %c0_i32_0 = arith.constant 0 : i32
    return %arg0, %c0_i32 : i32, i32
  }
  func.func @transform_3(%arg0: i32) -> (i32, i32) {
    %c0_i32 = arith.constant 0 : i32
    %c0_i32_0 = arith.constant 0 : i32
    return %arg0, %c0_i32 : i32, i32
  }
  func.func @transform_4(%arg0: i32) -> (i32, i32) {
    %c0_i32 = arith.constant 0 : i32
    %c0_i32_0 = arith.constant 0 : i32
    return %arg0, %c0_i32 : i32, i32
  }
}

</mosaic_0001>

<sc_bundles>
// kernel: kernel.10.cloned.1.call-start
scs
__scs_entry_jumppad:
0x0: {  	(pc) =	sbr.rel $0x88, $3  }
0x1: {  	(tag) =	ssettag $0x0;
	lr =	simm.s32 $0x1  }
0x2: {  	[smem:$0x3F9F] =	sst lr;
	_ =	strace $0xD0000000  }
0x3: {  	_ = 	snop  }
0x4: {  	_ = 	snop  }
0x5: {  	_ = 	snop  }
0x6: {  	_ = 	snop  }
0x7: {  	_ = 	snop  }
__scs_overlays_trampoline_lowered:
0x8: {  	[smem:$0x3FAE] =	sst s0  }
0x9: {  	[smem:$0x3FAF] =	sst s1  }
0xa: {  	[smem:$0x3FB0] =	sst s2  }
0xb: {  	[smem:$0x3FB1] =	sst s3  }
0xc: {  	[smem:$0x3FB2] =	sst s4  }
0xd: {  	[smem:$0x3FB3] =	sst s5  }
0xe: {  	[smem:$0x3FB4] =	sst s6  }
0xf: {  	[smem:$0x3FB5] =	sst s7  }
0x10: {  	[smem:$0x3FB6] =	sst s8  }
0x11: {  	[smem:$0x3FB7] =	sst s9;
	s0 =	simm.s32 @!p0 $0x0  }
0x12: {  	s1 =	sld [smem:$0x3F9D];
	s0 =	simm.s32 @p0 $0x1  }
0x13: {  	[smem:$0x3FB8] =	sst s0;
	s0 =	simm.s32 @!p1 $0x0  }
0x14: {  	s2 =	sld [smem:$0x3F9C];
	s0 =	simm.s32 @p1 $0x1  }
0x15: {  	[smem:$0x3FB9] =	sst s0;
	s0 =	simm.s32 @!p2 $0x0  }
0x16: {  	s3 =	sld [smem:$0x3FDB];
	s0 =	simm.s32 @p2 $0x1  }
0x17: {  	s4 =	simm.s32 $0x1BF5;
	[smem:$0x3FBB] =	sst s0  }
0x18: {  	s0 =	sld [smem:$0x3F9E];
	_ =	swait.ge [sflag:s4], $0x0  }
0x19: {  	s7 =	sld [smem:$0x3F9F]  }
0x1a: {  	s8 =	sadd.s32 $0xFFFFE003, lr  }
0x1b: {  	s9 =	sadd.s32 $0xFFFFFEF7, lr;
	s5 =	simm.s32 $0xFFFFFFFF;
	p2 =	slt.u32 s8, $0xFFFFF086  }
0x1c: {  	p1 =	slt.u32 s9, $0xF7A;
	s5 =	simm.s32 @!p2 $0x0  }
0x1d: {  	s5 =	simm.s32 @p1 $0x1;
	p0 =	seq.s32 s7, s2  }
0x1e: {  	s7 =	smul.u32 @!p0 $0xF7A, s2;
	p2 =	seq.s32 @!p0 s5, $0x0  }
0x1f: {  	s9 =	smul.u32 $0xF7A, s1;
	s8 =	simm.s32 @!p0 $0x1BF5;
	p2 =	por !p2, p0  }
0x20: {  	[sflag:s8] =	ssyncset.s32 @!p0 $0xFFFFF086;
	s6 =	sadd.s32 @!p0 s3, s7;
	s7 =	simm.s32 @!p0 $0x108  }
0x21: {  	s3 =	sadd.s32 s3, s9;
	s6 =	sadd.s32 @!p0 $0x88, s6;
	s7 =	simm.s32 @p2 $0x1082  }
0x22: {  	[simem:s7], [sflag:s8] =	dma.local @!p0 [hbm:s6], $0xF7A  }
0x23: {  	s9 =	sor.u32 $0xD0000000, s2;
	s6 =	simm.s32 $0x108;
	_ =	swait.ge @!p0 [sflag:s8], $0x0  }
0x24: {  	s3 =	sadd.s32 $0x88, s3;
	s6 =	simm.s32 @!p1 $0x1082;
	[sflag:s4] =	ssyncset.s32 $0xFFFFF086  }
0x25: {  	[simem:s6], [sflag:s4] =	dma.local [hbm:s3], $0xF7A  }
0x26: {  	[smem:$0x3F9F] =	sst s1;
	(tag) =	ssettag s2;
	_ =	strace s9  }
0x27: {  	s1 =	sld [smem:$0x3FAF]  }
0x28: {  	s2 =	sld [smem:$0x3FB0]  }
0x29: {  	s4 =	sld [smem:$0x3FB2]  }
0x2a: {  	p0 =	seq.s32 s5, $0x0;
	s5 =	sld [smem:$0x3FB3]  }
0x2b: {  	s6 =	sld [smem:$0x3FB4]  }
0x2c: {  	s7 =	sld [smem:$0x3FB5]  }
0x2d: {  	s3 =	simm.s32 $0x108;
	s8 =	sld [smem:$0x3FB6]  }
0x2e: {  	s3 =	simm.s32 @!p0 $0x1082;
	s9 =	sld [smem:$0x3FB7]  }
0x2f: {  	lr =	sadd.s32 s0, s3;
	s0 =	sld [smem:$0x3FAE]  }
0x30: {  	s3 =	sld [smem:$0x3FB1]  }
0x31: {  	[smem:$0x3FBA] =	sst s10  }
0x32: {  	s10 =	sld [smem:$0x3FB8];
	_ =	sdelay $0x3  }
0x33: {  	p0 =	seq.s32 s10, $0x1;
	s10 =	sld [smem:$0x3FBA];
	_ =	sdelay $0x3  }
0x34: {  	[smem:$0x3FBA] =	sst s10  }
0x35: {  	s10 =	sld [smem:$0x3FB9];
	_ =	sdelay $0x3  }
0x36: {  	p1 =	seq.s32 s10, $0x1;
	s10 =	sld [smem:$0x3FBA];
	_ =	sdelay $0x3  }
0x37: {  	[smem:$0x3FBA] =	sst s10  }
0x38: {  	s10 =	sld [smem:$0x3FBB]  }
0x39: {  	_ = 	snop;
	(pc) =	sbr.ind lr, $3  }
0x3a: {  	_ = 	snop  }
0x3b: {  	_ = 	snop  }
0x3c: {  	p2 =	seq.s32 s10, $0x1;
	s10 =	sld [smem:$0x3FBA]  }
0x3d: {  	_ =	shalt  }
0x3e: {  	_ =	shalt  }
0x3f: {  	_ =	shalt  }
0x40: {  	_ =	shalt  }
0x41: {  	_ =	shalt  }
0x42: {  	_ =	shalt  }
0x43: {  	_ =	shalt  }
0x44: {  	_ =	shalt  }
0x45: {  	_ =	shalt  }
0x46: {  	_ =	shalt  }
0x47: {  	_ =	shalt  }
0x48: {  	_ =	shalt  }
0x49: {  	_ =	shalt  }
0x4a: {  	_ =	shalt  }
0x4b: {  	_ =	shalt  }
0x4c: {  	_ =	shalt  }
0x4d: {  	_ =	shalt  }
0x4e: {  	_ =	shalt  }
0x4f: {  	_ =	shalt  }
0x50: {  	_ =	shalt  }
0x51: {  	_ =	shalt  }
0x52: {  	_ =	shalt  }
0x53: {  	_ =	shalt  }
0x54: {  	_ =	shalt  }
0x55: {  	_ =	shalt  }
0x56: {  	_ =	shalt  }
0x57: {  	_ =	shalt  }
0x58: {  	_ =	shalt  }
0x59: {  	_ =	shalt  }
0x5a: {  	_ =	shalt  }
0x5b: {  	_ =	shalt  }
0x5c: {  	_ =	shalt  }
0x5d: {  	_ =	shalt  }
0x5e: {  	_ =	shalt  }
0x5f: {  	_ =	shalt  }
0x60: {  	_ =	shalt  }
0x61: {  	_ =	shalt  }
0x62: {  	_ =	shalt  }
0x63: {  	_ =	shalt  }
0x64: {  	_ =	shalt  }
0x65: {  	_ =	shalt  }
0x66: {  	_ =	shalt  }
0x67: {  	_ =	shalt  }
0x68: {  	_ =	shalt  }
0x69: {  	_ =	shalt  }
0x6a: {  	_ =	shalt  }
0x6b: {  	_ =	shalt  }
0x6c: {  	_ =	shalt  }
0x6d: {  	_ =	shalt  }
0x6e: {  	_ =	shalt  }
0x6f: {  	_ =	shalt  }
0x70: {  	_ =	shalt  }
0x71: {  	_ =	shalt  }
0x72: {  	_ =	shalt  }
0x73: {  	_ =	shalt  }
0x74: {  	_ =	shalt  }
0x75: {  	_ =	shalt  }
0x76: {  	_ =	shalt  }
0x77: {  	_ =	shalt  }
0x78: {  	_ =	shalt  }
0x79: {  	_ =	shalt  }
0x7a: {  	_ =	shalt  }
0x7b: {  	_ =	shalt  }
0x7c: {  	_ =	shalt  }
0x7d: {  	_ =	shalt  }
0x7e: {  	_ =	shalt  }
0x7f: {  	_ =	shalt  }
0x80: {  	_ =	shalt  }
0x81: {  	_ =	shalt  }
0x82: {  	_ =	shalt  }
0x83: {  	_ =	shalt  }
0x84: {  	_ =	shalt  }
0x85: {  	_ =	shalt  }
0x86: {  	_ =	shalt  }
0x87: {  	_ =	shalt  }
.Lfunc_end0:
.L_simem_size_0:
called_computation_lowered:
.L_overlay_start_0:
0x88: {  	s2 =	sld [smem:$0x3FD9]  }
0x89: {  	s3 =	sld [smem:$0x3FFE];
	_ =	sdelay $0x1  }
0x8a: {  	s1 =	srdreg.scid  }
0x8b: {  	s0 =	sand.u32 $0x1, s1  }
0x8c: {  	s17 =	sshll.u32 s0, $0xA;
	s2 =	sadd.s32 s3, s2  }
0x8d: {  	s2 =	sadd.s32 s2, s17  }
0x8e: {  	[smem:$0x3FC6] =	sst s2  }
0x8f: {  	_ = 	snop  }
0x90: {  	s2 =	sld [smem:$0x3FD0];
	(tm) =	ssettm $0x1  }
0x91: {  	s18 =	sld [smem:$0x3FFB];
	_ =	sdelay $0x3  }
0x92: {  	_ =	strace s18  }
0x93: {  	s3 =	sld [smem:$0x3FFC];
	_ =	sdelay $0x3  }
0x94: {  	_ =	strace s3  }
0x95: {  	s3 =	sld [smem:$0x3FFD];
	_ =	sdelay $0x3  }
0x96: {  	_ =	strace s3  }
0x97: {  	_ =	strace $0x8FFFFFFF  }
0x98: {  	s19 =	sld [smem:$0x3FDB];
	_ =	sdelay $0x1  }
0x99: {  	s4 =	simm.s32 $_scs_section_size  }
0x9a: {  	s5 =	simm.s32 $_size__tile_overlayer_lowered;
	s6 =	simm.s32 $_tile_overlayer_lowered  }
0x9b: {  	s22 =	simm.s32 $0x1BFF;
	s21 =	sshll.u32 s6, $0x1;
	s3 =	sadd.s32 s4, s19  }
0x9c: {  	s7 =	simm.s32 $0x0;
	s20 =	sshll.u32 s5, $0x1;
	s5 =	sadd.s32 s21, s3  }
0x9d: {  	[timem:s7], [sflag:s22] =	dma.local [hbm:s5], s20  }
0x9e: {  	_ =	swait.ge [sflag:s22], s20  }
0x9f: {  	s4 =	ssub.s32 $0x0, s20;
	[sflag:s22] =	ssyncset.done $0x0  }
0xa0: {  	[sflag:s22] =	ssyncadd.s32 s4;
	_ =	sdelay $0x1  }
0xa1: {  	s23 =	simm.s32 $0x1B8B  }
0xa2: {  	_ =	swait.ge [sflag:s23], $0x1  }
0xa3: {  	[sflag:s23] =	ssyncset.done $0x0  }
0xa4: {  	s25 =	simm.s32 $0x1B8E;
	s24 =	sld [smem:$0x3FFE];
	[sflag:s23] =	ssyncadd.s32 $0xFFFFFFFF  }
0xa5: {  	s26 =	simm.s32 $execute0_lowered;
	[smem:$0x3FD2] =	sst s25  }
0xa6: {  	s5 =	sshll.u32 s26, $0x1;
	_ =	strace $0x80000046;
	[dreg:$0x1] =	wrdreg $0xFFFFFFFF  }
0xa7: {  	s28 =	simm.s32 $_size_execute0_lowered;
	s3 =	sadd.s32 s3, s5;
	[dreg:$0x0] =	wrdreg $0x0  }
0xa8: {  	s5 =	sshll.u32 s28, $0x1;
	[dreg:$0x2] =	wrdreg s3  }
0xa9: {  	[dreg:$0x3] =	wrdreg s5  }
0xaa: {  	[dreg:$0x4] =	wrdreg $0xC0  }
0xab: {  	_ =	task [dreg:s7], $0x5FFFF  }
0xac: {  	[dreg:$0x1] =	wrdreg $0xFFFFFFFF  }
0xad: {  	[dreg:$0x0] =	wrdreg $0x60  }
0xae: {  	[dreg:$0x2] =	wrdreg s24  }
0xaf: {  	[dreg:$0x3] =	wrdreg s2  }
0xb0: {  	[dreg:$0x4] =	wrdreg $0x0  }
0xb1: {  	[dreg:$0x5] =	wrdreg $0x9  }
0xb2: {  	_ =	task.clear_ibuf [dreg:s7], $0x6FFFF;
	_ =	strace $0x90000046  }
0xb3: {  	s29 =	simm.s32 $0x9;
	_ =	strace $0x80000048  }
0xb4: {  	_ =	swait.ge [sflag:s29], $0x1  }
0xb5: {  	[sflag:s29] =	ssyncadd.s32 $0xFFFFFFFF  }
0xb6: {  	_ =	strace $0x90000048  }
0xb7: {  	_ =	sfence  }
0xb8: {  	s30 =	sld [smem:$0x0];
	_ =	sdelay $0x2  }
0xb9: {  	s31 =	sshll.u32 s1, $0xD;
	s1 =	sshrl.u32 s1, $0x2  }
0xba: {  	s3 =	sand.u32 $0x4000, s31;
	s1 =	sadd.s32 s1, s30  }
0xbb: {  	s0 =	sor.u32 s3, s0;
	s1 =	sshll.u32 s1, $0x11  }
0xbc: {  	s0 =	sor.u32 s1, s0  }
0xbd: {  	s0 =	sadd.s32 $0x8F2B, s0  }
0xbe: {  	[sflag:s0] =	ssyncadd.remote.s32 $0x1  }
0xbf: {  	_ =	sfence.sel $0xFFFF  }
0xc0: {  	[dreg:$0x0] =	wrdreg $0xFFFFFFFF;
	(pc) =	sbr.abs _section_cstart, $3  }
0xc1: {  	[dreg:$0x1] =	wrdreg $0xFFFFFFFF  }
0xc2: {  	_ =	task.clear_ibuf [dreg:s7], $0x2FFFF;
	_ =	strace $0x9FFFFFFF  }
0xc3: {  	(tm) =	ssettm $0x7FFFFFFF  }
tec
execute0_lowered:
.L_overlay_start_1:
0x0: {  	(tag) =	ssettag $0x1  }
0x1: {  	s5 =	rddreg [dreg:$0x0]  }
0x2: {  	s6 =	rddreg [dreg:$0x1]  }
0x3: {  	s0 =	srdreg.scid;
	s2 =	rddreg [dreg:$0x2];
	s3 =	simm.s32 $0x0  }
0x4: {  	s12 =	simm.s32 $0x28;
	s13 =	simm.s32 $0x4E20;
	s14 =	simm.s32 $0x1  }
0x5: {  	s15 =	simm.s32 $0x0;
	s4 =	sand.u32 $0x1, s0;
	s0 =	stileid.u32  }
0x6: {  	[smem:$0x7FF] =	sst s3;
	s1 =	sshll.u32 s4, $0x4;
	s8 =	smul.u32 $0x2710, s0  }
0x7: {  	s9 =	smul.u32 $0x27100, s4;
	s10 =	ssub.s32 $0x2, s4;
	s4 =	sadd.s32 $0x16400, s5  }
0x8: {  	s31 =	sshll.u32 s0, $0x6;
	s1 =	sor.u32 s0, s1;
	s29 =	sshrl.u32 s10, $0x1  }
0x9: {  	s7 =	smul.u32 $0x4E2, s1;
	s1 =	rddreg [dreg:$0x3];
	_ =	strace $0x80000047  }
0xa: {  	s9 =	sadd.s32 s8, s9;
	s10 =	ssub.s32 s10, s29;
	s11 =	sadd.s32 s8, s2  }
0xb: {  	s8 =	simm.s32 $0x2710;
	s30 =	sshrl.u32 s9, $0x3;
	s9 =	simm.s32 $0x2  }
0xc: {  	s11 =	sshrl.u32 s11, $0x3;
	s7 =	sadd.s32 s7, s5;
	s6 =	sadd.s32 s6, s30  }
0xd: {  	v0 =	vimm.f32 $1.000000000e+00;
	s5 =	sadd.s32 $0xC600, s7;
	s7 =	smax.u32 s10, $0x1;
	s10 =	sor.u32 $0x1C02, s31  }
.LBB2_1:
0xe: {  	[tilespmem:s8], [sflag:$0x2] =	stream.linear.gather [hbm4b:s5+s3], $0x2710, $0x38;
	[tilespmem:$0x50A0] =	vst v63  }
0xf: {  	_ =	swait.ge [sflag:s9], $0x2710  }
0x10: {  	[sflag:s9] =	ssyncset.done $0x0  }
0x11: {  	[sflag:s9] =	ssyncadd.s32 $0xFFFFD8F0  }
0x12: {  	[tilespmem:$0x4E20] =	vst v0  }
0x13: {  	[tilespmem:$0x4E30] =	vst v0  }
0x14: {  	[tilespmem:$0x4E40] =	vst v0  }
0x15: {  	[tilespmem:$0x4E50] =	vst v0  }
0x16: {  	[tilespmem:$0x4E60] =	vst v0  }
0x17: {  	[tilespmem:$0x4E70] =	vst v0  }
0x18: {  	[tilespmem:$0x4E80] =	vst v0  }
0x19: {  	[tilespmem:$0x4E90] =	vst v0  }
0x1a: {  	[tilespmem:$0x4EA0] =	vst v0  }
0x1b: {  	[tilespmem:$0x4EB0] =	vst v0  }
0x1c: {  	[tilespmem:$0x4EC0] =	vst v0  }
0x1d: {  	[tilespmem:$0x4ED0] =	vst v0  }
0x1e: {  	[tilespmem:$0x4EE0] =	vst v0  }
0x1f: {  	[tilespmem:$0x4EF0] =	vst v0  }
0x20: {  	[tilespmem:$0x4F00] =	vst v0  }
0x21: {  	[tilespmem:$0x4F10] =	vst v0  }
0x22: {  	[tilespmem:$0x4F20] =	vst v0  }
0x23: {  	[tilespmem:$0x4F30] =	vst v0  }
0x24: {  	[tilespmem:$0x4F40] =	vst v0  }
0x25: {  	[tilespmem:$0x4F50] =	vst v0  }
0x26: {  	[tilespmem:$0x4F60] =	vst v0  }
0x27: {  	[tilespmem:$0x4F70] =	vst v0  }
0x28: {  	[tilespmem:$0x4F80] =	vst v0  }
0x29: {  	[tilespmem:$0x4F90] =	vst v0  }
0x2a: {  	[tilespmem:$0x4FA0] =	vst v0  }
0x2b: {  	[tilespmem:$0x4FB0] =	vst v0  }
0x2c: {  	[tilespmem:$0x4FC0] =	vst v0  }
0x2d: {  	[tilespmem:$0x4FD0] =	vst v0  }
0x2e: {  	[tilespmem:$0x4FE0] =	vst v0  }
0x2f: {  	[tilespmem:$0x4FF0] =	vst v0  }
0x30: {  	[tilespmem:$0x5000] =	vst v0  }
0x31: {  	[tilespmem:$0x5010] =	vst v0  }
0x32: {  	[tilespmem:$0x5020] =	vst v0  }
0x33: {  	[tilespmem:$0x5030] =	vst v0  }
0x34: {  	[tilespmem:$0x5040] =	vst v0  }
0x35: {  	[tilespmem:$0x5050] =	vst v0  }
0x36: {  	[tilespmem:$0x5060] =	vst v0  }
0x37: {  	[tilespmem:$0x5070] =	vst v0  }
0x38: {  	[tilespmem:$0x5080] =	vst v0  }
0x39: {  	[tilespmem:$0x5090] =	vst v0  }
0x3a: {  	[spmem:s11], [sflag:s10] =	dma.local [hbm:s4], $0x4E2  }
0x3b: {  	_ =	swait.ge [sflag:s9], $0x4E2  }
0x3c: {  	[sflag:s9] =	ssyncset.done $0x0  }
0x3d: {  	[sflag:s9] =	ssyncadd.s32 $0xFFFFFB1E  }
0x3e: {  	s16 =	simm.s32 $0x0;
	[bflag:$0x0] =	sbarrier.arrive $0xFFFF  }
.LBB2_2:
0x3f: {  	p0 =	sne.s32 s16, $0x9BA0  }
.Ltmp0:
0x40: {  	_ = 	snop;
	(pc) =	sbr.rel @p0 .LBB2_2-.Ltmp0, $4  }
0x41: {  	_ = 	snop  }
0x42: {  	s17 =	sshra.s32 s16, $0x2  }
0x43: {  	s16 =	sadd.s32 $0xA0, s16;
	s17 =	sadd.s32 $0x2710, s17  }
0x44: {  	[spmem:s2] =	stream.indirect.scatter.add.f32 [tilespmem:s13], [sflag:$0x1], $0x10, s17, s12, $0xb8;
	[tilespmem:$0x50A0] =	vst v63  }
0x45: {  	_ =	swait.ge [sflag:s14], $0x280  }
0x46: {  	s16 =	simm.s32 $0xF9;
	[sflag:s14] =	ssyncset.done $0x0  }
.LBB2_4:
0x47: {  	p0 =	sne.s32 s16, $0x1;
	s16 =	sadd.s32 $0xFFFFFFFF, s16;
	[sflag:s14] =	ssyncadd.s32 $0xFFFFFD80  }
.Ltmp1:
0x48: {  	(pc) =	sbr.rel @p0 .LBB2_4-.Ltmp1, $3  }
0x49: {  	_ =	sdelay $0x1  }
0x4a: {  	_ =	swait.ge [sflag:s14], $0x280  }
0x4b: {  	[sflag:s14] =	ssyncset.done $0x0  }
0x4c: {  	s15 =	sadd.s32 $0x1, s15  }
0x4d: {  	[sflag:s14] =	ssyncadd.s32 $0xFFFFFD80;
	p0 =	sne.s32 s15, s7  }
.Ltmp2:
0x4e: {  	[bflag:$0x0] =	sbarrier.arrive $0xFFFF;
	(pc) =	sbr.rel @p0 .LBB2_1-.Ltmp2, $4  }
0x4f: {  	[hbm:s6], [sflag:s10] =	dma.local [spmem:s11], $0x4E2  }
0x50: {  	_ =	swait.ge [sflag:s9], $0x4E2  }
0x51: {  	[sflag:s9] =	ssyncset.done $0x0  }
0x52: {  	[sflag:s9] =	ssyncadd.s32 $0xFFFFFB1E  }
0x53: {  	_ =	sfence.sel $0x180000  }
0x54: {  	[bflag:$0x0] =	sbarrier.arrive $0xFFFF  }
0x55: {  	p0 =	sne.s32 s0, $0x0;
	_ =	strace $0x90000047  }
0x56: {  	s0 =	sadd.s32 @!p0 $0x100000, s1;
	[bflag:$0x2] =	sbarrier.arrive $0xFFFF  }
0x57: {  	[sflag:s0] =	ssyncadd.tile.s32 @!p0 $0x1;
	_ =	shalt  }
.Lfunc_end2:
_tile_overlayer_lowered:
.L_overlay_start_2:
0x58: {  	(tag) =	ssettag $0x2  }
0x59: {  	s0 =	rddreg [dreg:$0x0];
	s2 =	stileid.u32  }
0x5a: {  	s1 =	rddreg [dreg:$0x1];
	p0 =	sne.s32 s2, $0x0  }
0x5b: {  	s3 =	rddreg [dreg:$0x2];
	[bflag:$0x3] =	sbarrier.arrive $0xFFFF;
	s2 =	simm.s32 @!p0 $0x1C02  }
0x5c: {  	[timem:s3], [sflag:s2] =	dma.local @!p0 [hbm:s0], s1  }
0x5d: {  	s0 =	simm.s32 @!p0 $0x2  }
0x5e: {  	_ =	swait.ge @!p0 [sflag:s0], s1  }
0x5f: {  	s1 =	ssub.s32 @!p0 $0x0, s1;
	[sflag:s0] =	ssyncset.done @!p0 $0x0  }
0x60: {  	[sflag:s0] =	ssyncadd.s32 @!p0 s1  }
0x61: {  	[bflag:$0x3] =	sbarrier.arrive $0xFFFF  }
0x62: {  	_ =	shalt  }

// kernel: kernel.13.cloned.1.call-start
scs
__scs_entry_jumppad:
0x0: {  	(pc) =	sbr.rel $0x88, $3  }
0x1: {  	(tag) =	ssettag $0x0;
	lr =	simm.s32 $0x1  }
0x2: {  	[smem:$0x3F9F] =	sst lr;
	_ =	strace $0xD0000000  }
0x3: {  	_ = 	snop  }
0x4: {  	_ = 	snop  }
0x5: {  	_ = 	snop  }
0x6: {  	_ = 	snop  }
0x7: {  	_ = 	snop  }
__scs_overlays_trampoline_lowered:
0x8: {  	[smem:$0x3FAE] =	sst s0  }
0x9: {  	[smem:$0x3FAF] =	sst s1  }
0xa: {  	[smem:$0x3FB0] =	sst s2  }
0xb: {  	[smem:$0x3FB1] =	sst s3  }
0xc: {  	[smem:$0x3FB2] =	sst s4  }
0xd: {  	[smem:$0x3FB3] =	sst s5  }
0xe: {  	[smem:$0x3FB4] =	sst s6  }
0xf: {  	[smem:$0x3FB5] =	sst s7  }
0x10: {  	[smem:$0x3FB6] =	sst s8  }
0x11: {  	[smem:$0x3FB7] =	sst s9;
	s0 =	simm.s32 @!p0 $0x0  }
0x12: {  	s1 =	sld [smem:$0x3F9D];
	s0 =	simm.s32 @p0 $0x1  }
0x13: {  	[smem:$0x3FB8] =	sst s0;
	s0 =	simm.s32 @!p1 $0x0  }
0x14: {  	s2 =	sld [smem:$0x3F9C];
	s0 =	simm.s32 @p1 $0x1  }
0x15: {  	[smem:$0x3FB9] =	sst s0;
	s0 =	simm.s32 @!p2 $0x0  }
0x16: {  	s3 =	sld [smem:$0x3FDB];
	s0 =	simm.s32 @p2 $0x1  }
0x17: {  	s4 =	simm.s32 $0x1BF5;
	[smem:$0x3FBB] =	sst s0  }
0x18: {  	s0 =	sld [smem:$0x3F9E];
	_ =	swait.ge [sflag:s4], $0x0  }
0x19: {  	s7 =	sld [smem:$0x3F9F]  }
0x1a: {  	s8 =	sadd.s32 $0xFFFFE003, lr  }
0x1b: {  	s9 =	sadd.s32 $0xFFFFFEF7, lr;
	s5 =	simm.s32 $0xFFFFFFFF;
	p2 =	slt.u32 s8, $0xFFFFF086  }
0x1c: {  	p1 =	slt.u32 s9, $0xF7A;
	s5 =	simm.s32 @!p2 $0x0  }
0x1d: {  	s5 =	simm.s32 @p1 $0x1;
	p0 =	seq.s32 s7, s2  }
0x1e: {  	s7 =	smul.u32 @!p0 $0xF7A, s2;
	p2 =	seq.s32 @!p0 s5, $0x0  }
0x1f: {  	s9 =	smul.u32 $0xF7A, s1;
	s8 =	simm.s32 @!p0 $0x1BF5;
	p2 =	por !p2, p0  }
0x20: {  	[sflag:s8] =	ssyncset.s32 @!p0 $0xFFFFF086;
	s6 =	sadd.s32 @!p0 s3, s7;
	s7 =	simm.s32 @!p0 $0x108  }
0x21: {  	s3 =	sadd.s32 s3, s9;
	s6 =	sadd.s32 @!p0 $0x88, s6;
	s7 =	simm.s32 @p2 $0x1082  }
0x22: {  	[simem:s7], [sflag:s8] =	dma.local @!p0 [hbm:s6], $0xF7A  }
0x23: {  	s9 =	sor.u32 $0xD0000000, s2;
	s6 =	simm.s32 $0x108;
	_ =	swait.ge @!p0 [sflag:s8], $0x0  }
0x24: {  	s3 =	sadd.s32 $0x88, s3;
	s6 =	simm.s32 @!p1 $0x1082;
	[sflag:s4] =	ssyncset.s32 $0xFFFFF086  }
0x25: {  	[simem:s6], [sflag:s4] =	dma.local [hbm:s3], $0xF7A  }
0x26: {  	[smem:$0x3F9F] =	sst s1;
	(tag) =	ssettag s2;
	_ =	strace s9  }
0x27: {  	s1 =	sld [smem:$0x3FAF]  }
0x28: {  	s2 =	sld [smem:$0x3FB0]  }
0x29: {  	s4 =	sld [smem:$0x3FB2]  }
0x2a: {  	p0 =	seq.s32 s5, $0x0;
	s5 =	sld [smem:$0x3FB3]  }
0x2b: {  	s6 =	sld [smem:$0x3FB4]  }
0x2c: {  	s7 =	sld [smem:$0x3FB5]  }
0x2d: {  	s3 =	simm.s32 $0x108;
	s8 =	sld [smem:$0x3FB6]  }
0x2e: {  	s3 =	simm.s32 @!p0 $0x1082;
	s9 =	sld [smem:$0x3FB7]  }
0x2f: {  	lr =	sadd.s32 s0, s3;
	s0 =	sld [smem:$0x3FAE]  }
0x30: {  	s3 =	sld [smem:$0x3FB1]  }
0x31: {  	[smem:$0x3FBA] =	sst s10  }
0x32: {  	s10 =	sld [smem:$0x3FB8];
	_ =	sdelay $0x3  }
0x33: {  	p0 =	seq.s32 s10, $0x1;
	s10 =	sld [smem:$0x3FBA];
	_ =	sdelay $0x3  }
0x34: {  	[smem:$0x3FBA] =	sst s10  }
0x35: {  	s10 =	sld [smem:$0x3FB9];
	_ =	sdelay $0x3  }
0x36: {  	p1 =	seq.s32 s10, $0x1;
	s10 =	sld [smem:$0x3FBA];
	_ =	sdelay $0x3  }
0x37: {  	[smem:$0x3FBA] =	sst s10  }
0x38: {  	s10 =	sld [smem:$0x3FBB]  }
0x39: {  	_ = 	snop;
	(pc) =	sbr.ind lr, $3  }
0x3a: {  	_ = 	snop  }
0x3b: {  	_ = 	snop  }
0x3c: {  	p2 =	seq.s32 s10, $0x1;
	s10 =	sld [smem:$0x3FBA]  }
0x3d: {  	_ =	shalt  }
0x3e: {  	_ =	shalt  }
0x3f: {  	_ =	shalt  }
0x40: {  	_ =	shalt  }
0x41: {  	_ =	shalt  }
0x42: {  	_ =	shalt  }
0x43: {  	_ =	shalt  }
0x44: {  	_ =	shalt  }
0x45: {  	_ =	shalt  }
0x46: {  	_ =	shalt  }
0x47: {  	_ =	shalt  }
0x48: {  	_ =	shalt  }
0x49: {  	_ =	shalt  }
0x4a: {  	_ =	shalt  }
0x4b: {  	_ =	shalt  }
0x4c: {  	_ =	shalt  }
0x4d: {  	_ =	shalt  }
0x4e: {  	_ =	shalt  }
0x4f: {  	_ =	shalt  }
0x50: {  	_ =	shalt  }
0x51: {  	_ =	shalt  }
0x52: {  	_ =	shalt  }
0x53: {  	_ =	shalt  }
0x54: {  	_ =	shalt  }
0x55: {  	_ =	shalt  }
0x56: {  	_ =	shalt  }
0x57: {  	_ =	shalt  }
0x58: {  	_ =	shalt  }
0x59: {  	_ =	shalt  }
0x5a: {  	_ =	shalt  }
0x5b: {  	_ =	shalt  }
0x5c: {  	_ =	shalt  }
0x5d: {  	_ =	shalt  }
0x5e: {  	_ =	shalt  }
0x5f: {  	_ =	shalt  }
0x60: {  	_ =	shalt  }
0x61: {  	_ =	shalt  }
0x62: {  	_ =	shalt  }
0x63: {  	_ =	shalt  }
0x64: {  	_ =	shalt  }
0x65: {  	_ =	shalt  }
0x66: {  	_ =	shalt  }
0x67: {  	_ =	shalt  }
0x68: {  	_ =	shalt  }
0x69: {  	_ =	shalt  }
0x6a: {  	_ =	shalt  }
0x6b: {  	_ =	shalt  }
0x6c: {  	_ =	shalt  }
0x6d: {  	_ =	shalt  }
0x6e: {  	_ =	shalt  }
0x6f: {  	_ =	shalt  }
0x70: {  	_ =	shalt  }
0x71: {  	_ =	shalt  }
0x72: {  	_ =	shalt  }
0x73: {  	_ =	shalt  }
0x74: {  	_ =	shalt  }
0x75: {  	_ =	shalt  }
0x76: {  	_ =	shalt  }
0x77: {  	_ =	shalt  }
0x78: {  	_ =	shalt  }
0x79: {  	_ =	shalt  }
0x7a: {  	_ =	shalt  }
0x7b: {  	_ =	shalt  }
0x7c: {  	_ =	shalt  }
0x7d: {  	_ =	shalt  }
0x7e: {  	_ =	shalt  }
0x7f: {  	_ =	shalt  }
0x80: {  	_ =	shalt  }
0x81: {  	_ =	shalt  }
0x82: {  	_ =	shalt  }
0x83: {  	_ =	shalt  }
0x84: {  	_ =	shalt  }
0x85: {  	_ =	shalt  }
0x86: {  	_ =	shalt  }
0x87: {  	_ =	shalt  }
.Lfunc_end0:
.L_simem_size_0:
called_computation.1_lowered:
.L_overlay_start_0:
0x88: {  	s2 =	sld [smem:$0x3FD9]  }
0x89: {  	s3 =	sld [smem:$0x3FFE];
	_ =	sdelay $0x1  }
0x8a: {  	s1 =	srdreg.scid  }
0x8b: {  	s0 =	sand.u32 $0x1, s1  }
0x8c: {  	s17 =	sshll.u32 s0, $0xA;
	s2 =	sadd.s32 s3, s2  }
0x8d: {  	s2 =	sadd.s32 s2, s17  }
0x8e: {  	[smem:$0x3FC6] =	sst s2  }
0x8f: {  	_ = 	snop  }
0x90: {  	s2 =	sld [smem:$0x3FD0];
	(tm) =	ssettm $0x1  }
0x91: {  	s18 =	sld [smem:$0x3FFB];
	_ =	sdelay $0x3  }
0x92: {  	_ =	strace s18  }
0x93: {  	s3 =	sld [smem:$0x3FFC];
	_ =	sdelay $0x3  }
0x94: {  	_ =	strace s3  }
0x95: {  	s3 =	sld [smem:$0x3FFD];
	_ =	sdelay $0x3  }
0x96: {  	_ =	strace s3  }
0x97: {  	_ =	strace $0x8FFFFFFF  }
0x98: {  	s19 =	sld [smem:$0x3FDB];
	_ =	sdelay $0x1  }
0x99: {  	s4 =	simm.s32 $_scs_section_size  }
0x9a: {  	s5 =	simm.s32 $_size__tile_overlayer_lowered;
	s6 =	simm.s32 $_tile_overlayer_lowered  }
0x9b: {  	s22 =	simm.s32 $0x1BFF;
	s21 =	sshll.u32 s6, $0x1;
	s3 =	sadd.s32 s4, s19  }
0x9c: {  	s7 =	simm.s32 $0x0;
	s20 =	sshll.u32 s5, $0x1;
	s5 =	sadd.s32 s21, s3  }
0x9d: {  	[timem:s7], [sflag:s22] =	dma.local [hbm:s5], s20  }
0x9e: {  	_ =	swait.ge [sflag:s22], s20  }
0x9f: {  	s4 =	ssub.s32 $0x0, s20;
	[sflag:s22] =	ssyncset.done $0x0  }
0xa0: {  	[sflag:s22] =	ssyncadd.s32 s4;
	_ =	sdelay $0x1  }
0xa1: {  	s23 =	simm.s32 $0x1B8B  }
0xa2: {  	_ =	swait.ge [sflag:s23], $0x1  }
0xa3: {  	[sflag:s23] =	ssyncset.done $0x0  }
0xa4: {  	s25 =	simm.s32 $0x1B8E;
	s24 =	sld [smem:$0x3FFE];
	[sflag:s23] =	ssyncadd.s32 $0xFFFFFFFF  }
0xa5: {  	s26 =	simm.s32 $execute0_lowered;
	[smem:$0x3FD2] =	sst s25  }
0xa6: {  	s5 =	sshll.u32 s26, $0x1;
	_ =	strace $0x80000049;
	[dreg:$0x1] =	wrdreg $0xFFFFFFFF  }
0xa7: {  	s28 =	simm.s32 $_size_execute0_lowered;
	s3 =	sadd.s32 s3, s5;
	[dreg:$0x0] =	wrdreg $0x0  }
0xa8: {  	s5 =	sshll.u32 s28, $0x1;
	[dreg:$0x2] =	wrdreg s3  }
0xa9: {  	[dreg:$0x3] =	wrdreg s5  }
0xaa: {  	[dreg:$0x4] =	wrdreg $0xC0  }
0xab: {  	_ =	task [dreg:s7], $0x5FFFF  }
0xac: {  	[dreg:$0x1] =	wrdreg $0xFFFFFFFF  }
0xad: {  	[dreg:$0x0] =	wrdreg $0x60  }
0xae: {  	[dreg:$0x2] =	wrdreg s2  }
0xaf: {  	[dreg:$0x3] =	wrdreg s24  }
0xb0: {  	[dreg:$0x4] =	wrdreg $0x0  }
0xb1: {  	[dreg:$0x5] =	wrdreg $0x9  }
0xb2: {  	_ =	task.clear_ibuf [dreg:s7], $0x6FFFF;
	_ =	strace $0x90000049  }
0xb3: {  	s29 =	simm.s32 $0x9;
	_ =	strace $0x8000004B  }
0xb4: {  	_ =	swait.ge [sflag:s29], $0x1  }
0xb5: {  	[sflag:s29] =	ssyncadd.s32 $0xFFFFFFFF  }
0xb6: {  	_ =	strace $0x9000004B  }
0xb7: {  	_ =	sfence  }
0xb8: {  	s30 =	sld [smem:$0x0];
	_ =	sdelay $0x2  }
0xb9: {  	s31 =	sshll.u32 s1, $0xD;
	s1 =	sshrl.u32 s1, $0x2  }
0xba: {  	s3 =	sand.u32 $0x4000, s31;
	s1 =	sadd.s32 s1, s30  }
0xbb: {  	s0 =	sor.u32 s3, s0;
	s1 =	sshll.u32 s1, $0x11  }
0xbc: {  	s0 =	sor.u32 s1, s0  }
0xbd: {  	s0 =	sadd.s32 $0x8F2B, s0  }
0xbe: {  	[sflag:s0] =	ssyncadd.remote.s32 $0x1  }
0xbf: {  	_ =	sfence.sel $0xFFFF  }
0xc0: {  	[dreg:$0x0] =	wrdreg $0xFFFFFFFF;
	(pc) =	sbr.abs _section_cstart, $3  }
0xc1: {  	[dreg:$0x1] =	wrdreg $0xFFFFFFFF  }
0xc2: {  	_ =	task.clear_ibuf [dreg:s7], $0x2FFFF;
	_ =	strace $0x9FFFFFFF  }
0xc3: {  	(tm) =	ssettm $0x7FFFFFFF  }
tec
execute0_lowered:
.L_overlay_start_1:
0x0: {  	(tag) =	ssettag $0x1  }
0x1: {  	s0 =	srdreg.scid;
	s1 =	rddreg [dreg:$0x0]  }
0x2: {  	s4 =	stileid.u32;
	s6 =	rddreg [dreg:$0x1]  }
0x3: {  	s3 =	rddreg [dreg:$0x2];
	s5 =	simm.s32 $0x0;
	s11 =	simm.s32 $0xB  }
0x4: {  	s13 =	simm.s32 $0x28;
	s14 =	simm.s32 $0x186A0;
	s16 =	simm.s32 $0x19AA0  }
0x5: {  	s18 =	simm.s32 $0x1AEA0;
	s20 =	simm.s32 $0x1C2A0;
	s22 =	simm.s32 $0x1D6A0  }
0x6: {  	s28 =	simm.s32 $0x3;
	s29 =	simm.s32 $0x4;
	s30 =	simm.s32 $0x5  }
0x7: {  	s31 =	simm.s32 $0x6;
	s12 =	simm.s32 $0x9;
	s15 =	simm.s32 $0xA  }
0x8: {  	s21 =	simm.s32 $0x0;
	s0 =	sand.u32 $0x1, s0;
	s8 =	smul.u32 $0x13880, s4  }
0x9: {  	[smem:$0x7FF] =	sst s5;
	s5 =	sadd.s32 $0x3D600, s6;
	s26 =	sshll.u32 s4, $0x6  }
0xa: {  	s2 =	sshll.u32 s0, $0x4;
	s24 =	smul.u32 $0x138800, s0;
	_ =	strace $0x8000004A  }
0xb: {  	s0 =	ssub.s32 $0x2, s0;
	s23 =	sor.u32 $0x1C0B, s26;
	s26 =	simm.s32 $0x2  }
0xc: {  	s2 =	sor.u32 s4, s2;
	s9 =	sshrl.u32 s0, $0x1;
	s25 =	sadd.s32 s8, s3  }
0xd: {  	s2 =	smul.u32 $0x4E2, s2;
	s7 =	sadd.s32 s8, s24;
	s0 =	ssub.s32 s0, s9  }
0xe: {  	s24 =	sshrl.u32 s25, $0x3;
	s25 =	simm.s32 $0x1;
	s7 =	sshrl.u32 s7, $0x3  }
0xf: {  	s9 =	smax.u32 s0, $0x1;
	s0 =	simm.s32 $0x8;
	s2 =	sadd.s32 s2, s6  }
0x10: {  	s10 =	sadd.s32 s7, s6;
	s6 =	sadd.s32 $0x2800, s2;
	s7 =	sadd.s32 $0xC600, s2  }
0x11: {  	s8 =	sadd.s32 $0x3FE00, s10;
	s10 =	simm.s32 $0x13880;
	s2 =	simm.s32 $0x7  }
.LBB2_1:
0x12: {  	s4 =	simm.s32 $0x0  }
0x13: {  	[tilespmem:s10], [sflag:$0xB] =	stream.linear.gather [hbm4b:s6+s4], $0x2710, $0x38;
	[tilespmem:$0x1EAA0] =	vst v63  }
0x14: {  	_ =	swait.ge [sflag:s11], $0x2710  }
0x15: {  	[sflag:s11] =	ssyncset.done $0x0  }
0x16: {  	s17 =	simm.s32 $0x15F90;
	[sflag:s11] =	ssyncadd.s32 $0xFFFFD8F0  }
0x17: {  	[tilespmem:s17], [sflag:$0xB] =	stream.linear.gather [hbm4b:s7+s4], $0x2710, $0x38;
	[tilespmem:$0x1EAA0] =	vst v63  }
0x18: {  	_ =	swait.ge [sflag:s11], $0x2710  }
0x19: {  	[sflag:s11] =	ssyncset.done $0x0  }
0x1a: {  	[sflag:s11] =	ssyncadd.s32 $0xFFFFD8F0  }
0x1b: {  	[tilespmem:s14], [sflag:$0x1] =	stream.indirect.gather [hbm4b:s1+s13], $0x80, s10, s13, $0xb8;
	[tilespmem:$0x1EAA0] =	vst v63  }
0x1c: {  	s19 =	simm.s32 $0x138A8  }
0x1d: {  	[tilespmem:s16], [sflag:$0x2] =	stream.indirect.gather [hbm4b:s1+s13], $0x80, s19, s13, $0xb8;
	[tilespmem:$0x1EAA0] =	vst v63  }
0x1e: {  	s17 =	simm.s32 $0x138D0  }
0x1f: {  	[tilespmem:s18], [sflag:$0x3] =	stream.indirect.gather [hbm4b:s1+s13], $0x80, s17, s13, $0xb8;
	[tilespmem:$0x1EAA0] =	vst v63  }
0x20: {  	s19 =	simm.s32 $0x138F8  }
0x21: {  	[tilespmem:s20], [sflag:$0x4] =	stream.indirect.gather [hbm4b:s1+s13], $0x80, s19, s13, $0xb8;
	[tilespmem:$0x1EAA0] =	vst v63  }
0x22: {  	s17 =	simm.s32 $0x13920  }
0x23: {  	[tilespmem:s22], [sflag:$0x5] =	stream.indirect.gather [hbm4b:s1+s13], $0x80, s17, s13, $0xb8;
	[tilespmem:$0x1EAA0] =	vst v63  }
0x24: {  	[spmem:s24], [sflag:s23] =	dma.local [hbm:s5], $0x2710  }
0x25: {  	_ =	swait.ge [sflag:s11], $0x2710  }
0x26: {  	[sflag:s11] =	ssyncset.done $0x0  }
0x27: {  	[sflag:s11] =	ssyncadd.s32 $0xFFFFD8F0  }
0x28: {  	[bflag:$0x0] =	sbarrier.arrive $0xFFFF  }
0x29: {  	_ =	swait.ge [sflag:s25], $0x1400  }
0x2a: {  	[sflag:s25] =	ssyncset.done $0x0  }
0x2b: {  	s19 =	simm.s32 $0x15F90;
	[sflag:s25] =	ssyncadd.s32 $0xFFFFEC00  }
0x2c: {  	[spmem:s3] =	stream.indirect.scatter.add.f32 [tilespmem:s14], [sflag:$0x6], $0x80, s19, s13, $0xb8;
	[tilespmem:$0x1EAA0] =	vst v63  }
0x2d: {  	_ =	swait.ge [sflag:s26], $0x1400  }
0x2e: {  	[sflag:s26] =	ssyncset.done $0x0  }
0x2f: {  	s4 =	simm.s32 $0x15FB8;
	[sflag:s26] =	ssyncadd.s32 $0xFFFFEC00  }
0x30: {  	[spmem:s3] =	stream.indirect.scatter.add.f32 [tilespmem:s16], [sflag:$0x7], $0x80, s4, s13, $0xb8;
	[tilespmem:$0x1EAA0] =	vst v63  }
0x31: {  	_ =	swait.ge [sflag:s28], $0x1400  }
0x32: {  	[sflag:s28] =	ssyncset.done $0x0  }
0x33: {  	s19 =	simm.s32 $0x15FE0;
	[sflag:s28] =	ssyncadd.s32 $0xFFFFEC00  }
0x34: {  	[spmem:s3] =	stream.indirect.scatter.add.f32 [tilespmem:s18], [sflag:$0x8], $0x80, s19, s13, $0xb8;
	[tilespmem:$0x1EAA0] =	vst v63  }
0x35: {  	_ =	swait.ge [sflag:s29], $0x1400  }
0x36: {  	[sflag:s29] =	ssyncset.done $0x0  }
0x37: {  	s4 =	simm.s32 $0x16008;
	[sflag:s29] =	ssyncadd.s32 $0xFFFFEC00  }
0x38: {  	[spmem:s3] =	stream.indirect.scatter.add.f32 [tilespmem:s20], [sflag:$0x9], $0x80, s4, s13, $0xb8;
	[tilespmem:$0x1EAA0] =	vst v63  }
0x39: {  	_ =	swait.ge [sflag:s30], $0x1400  }
0x3a: {  	[sflag:s30] =	ssyncset.done $0x0  }
0x3b: {  	s19 =	simm.s32 $0x16030;
	[sflag:s30] =	ssyncadd.s32 $0xFFFFEC00  }
0x3c: {  	[spmem:s3] =	stream.indirect.scatter.add.f32 [tilespmem:s22], [sflag:$0xA], $0x80, s19, s13, $0xb8;
	[tilespmem:$0x1EAA0] =	vst v63  }
0x3d: {  	_ =	swait.ge [sflag:s31], $0x1400  }
0x3e: {  	[sflag:s31] =	ssyncset.done $0x0  }
0x3f: {  	s4 =	simm.s32 $0x13948;
	[sflag:s31] =	ssyncadd.s32 $0xFFFFEC00  }
0x40: {  	[tilespmem:s14], [sflag:$0x1] =	stream.indirect.gather [hbm4b:s1+s13], $0x80, s4, s13, $0xb8;
	[tilespmem:$0x1EAA0] =	vst v63  }
0x41: {  	_ =	swait.ge [sflag:s2], $0x1400  }
0x42: {  	[sflag:s2] =	ssyncset.done $0x0  }
0x43: {  	s19 =	simm.s32 $0x13970;
	[sflag:s2] =	ssyncadd.s32 $0xFFFFEC00  }
0x44: {  	[tilespmem:s16], [sflag:$0x2] =	stream.indirect.gather [hbm4b:s1+s13], $0x80, s19, s13, $0xb8;
	[tilespmem:$0x1EAA0] =	vst v63  }
0x45: {  	_ =	swait.ge [sflag:s0], $0x1400  }
0x46: {  	[sflag:s0] =	ssyncset.done $0x0  }
0x47: {  	s4 =	simm.s32 $0x13998;
	[sflag:s0] =	ssyncadd.s32 $0xFFFFEC00  }
0x48: {  	[tilespmem:s18], [sflag:$0x3] =	stream.indirect.gather [hbm4b:s1+s13], $0x80, s4, s13, $0xb8;
	[tilespmem:$0x1EAA0] =	vst v63  }
0x49: {  	_ =	swait.ge [sflag:s12], $0x1400  }
0x4a: {  	[sflag:s12] =	ssyncset.done $0x0  }
0x4b: {  	s19 =	simm.s32 $0x139C0;
	[sflag:s12] =	ssyncadd.s32 $0xFFFFEC00  }
0x4c: {  	[tilespmem:s20], [sflag:$0x4] =	stream.indirect.gather [hbm4b:s1+s13], $0x80, s19, s13, $0xb8;
	[tilespmem:$0x1EAA0] =	vst v63  }
0x4d: {  	_ =	swait.ge [sflag:s15], $0x1400  }
0x4e: {  	[sflag:s15] =	ssyncset.done $0x0  }
0x4f: {  	s17 =	simm.s32 $0x320;
	s19 =	simm.s32 $0x139E8;
	[sflag:s15] =	ssyncadd.s32 $0xFFFFEC00  }
.LBB2_2:
0x50: {  	[tilespmem:s22], [sflag:$0x5] =	stream.indirect.gather [hbm4b:s1+s13], $0x80, s19, s13, $0xb8;
	[tilespmem:$0x1EAA0] =	vst v63  }
0x51: {  	s19 =	smov.u32 s17  }
0x52: {  	p0 =	sne.s32 s17, $0x9600;
	s17 =	sadd.s32 $0x320, s17;
	_ =	swait.ge [sflag:s25], $0x1400  }
0x53: {  	s19 =	sshra.s32 s19, $0x2;
	[sflag:s25] =	ssyncset.done $0x0  }
0x54: {  	s4 =	sadd.s32 $0x15F90, s19;
	[sflag:s25] =	ssyncadd.s32 $0xFFFFEC00  }
0x55: {  	[spmem:s3] =	stream.indirect.scatter.add.f32 [tilespmem:s14], [sflag:$0x6], $0x80, s4, s13, $0xb8;
	[tilespmem:$0x1EAA0] =	vst v63  }
0x56: {  	_ =	swait.ge [sflag:s26], $0x1400  }
0x57: {  	[sflag:s26] =	ssyncset.done $0x0  }
0x58: {  	s4 =	sadd.s32 $0x15FB8, s19;
	[sflag:s26] =	ssyncadd.s32 $0xFFFFEC00  }
0x59: {  	[spmem:s3] =	stream.indirect.scatter.add.f32 [tilespmem:s16], [sflag:$0x7], $0x80, s4, s13, $0xb8;
	[tilespmem:$0x1EAA0] =	vst v63  }
0x5a: {  	_ =	swait.ge [sflag:s28], $0x1400  }
0x5b: {  	[sflag:s28] =	ssyncset.done $0x0  }
0x5c: {  	s4 =	sadd.s32 $0x15FE0, s19;
	[sflag:s28] =	ssyncadd.s32 $0xFFFFEC00  }
0x5d: {  	[spmem:s3] =	stream.indirect.scatter.add.f32 [tilespmem:s18], [sflag:$0x8], $0x80, s4, s13, $0xb8;
	[tilespmem:$0x1EAA0] =	vst v63  }
0x5e: {  	_ =	swait.ge [sflag:s29], $0x1400  }
0x5f: {  	[sflag:s29] =	ssyncset.done $0x0  }
0x60: {  	s4 =	sadd.s32 $0x16008, s19;
	[sflag:s29] =	ssyncadd.s32 $0xFFFFEC00  }
0x61: {  	[spmem:s3] =	stream.indirect.scatter.add.f32 [tilespmem:s20], [sflag:$0x9], $0x80, s4, s13, $0xb8;
	[tilespmem:$0x1EAA0] =	vst v63  }
0x62: {  	_ =	swait.ge [sflag:s30], $0x1400  }
0x63: {  	[sflag:s30] =	ssyncset.done $0x0  }
0x64: {  	s4 =	sadd.s32 $0x16030, s19;
	[sflag:s30] =	ssyncadd.s32 $0xFFFFEC00  }
0x65: {  	[spmem:s3] =	stream.indirect.scatter.add.f32 [tilespmem:s22], [sflag:$0xA], $0x80, s4, s13, $0xb8;
	[tilespmem:$0x1EAA0] =	vst v63  }
0x66: {  	_ =	swait.ge [sflag:s31], $0x1400  }
0x67: {  	[sflag:s31] =	ssyncset.done $0x0  }
0x68: {  	s4 =	sadd.s32 $0x13948, s19;
	[sflag:s31] =	ssyncadd.s32 $0xFFFFEC00  }
0x69: {  	[tilespmem:s14], [sflag:$0x1] =	stream.indirect.gather [hbm4b:s1+s13], $0x80, s4, s13, $0xb8;
	[tilespmem:$0x1EAA0] =	vst v63  }
0x6a: {  	_ =	swait.ge [sflag:s2], $0x1400  }
0x6b: {  	[sflag:s2] =	ssyncset.done $0x0  }
0x6c: {  	s4 =	sadd.s32 $0x13970, s19;
	[sflag:s2] =	ssyncadd.s32 $0xFFFFEC00  }
0x6d: {  	[tilespmem:s16], [sflag:$0x2] =	stream.indirect.gather [hbm4b:s1+s13], $0x80, s4, s13, $0xb8;
	[tilespmem:$0x1EAA0] =	vst v63  }
0x6e: {  	_ =	swait.ge [sflag:s0], $0x1400  }
0x6f: {  	[sflag:s0] =	ssyncset.done $0x0  }
0x70: {  	s4 =	sadd.s32 $0x13998, s19;
	[sflag:s0] =	ssyncadd.s32 $0xFFFFEC00  }
0x71: {  	[tilespmem:s18], [sflag:$0x3] =	stream.indirect.gather [hbm4b:s1+s13], $0x80, s4, s13, $0xb8;
	[tilespmem:$0x1EAA0] =	vst v63  }
0x72: {  	_ =	swait.ge [sflag:s12], $0x1400  }
0x73: {  	[sflag:s12] =	ssyncset.done $0x0  }
.Ltmp0:
0x74: {  	s4 =	sadd.s32 $0x139C0, s19;
	[sflag:s12] =	ssyncadd.s32 $0xFFFFEC00;
	(pc) =	sbr.rel @p0 .LBB2_2-.Ltmp0, $4  }
0x75: {  	[tilespmem:s20], [sflag:$0x4] =	stream.indirect.gather [hbm4b:s1+s13], $0x80, s4, s13, $0xb8;
	[tilespmem:$0x1EAA0] =	vst v63  }
0x76: {  	_ =	swait.ge [sflag:s15], $0x1400  }
0x77: {  	[sflag:s15] =	ssyncset.done $0x0  }
0x78: {  	s19 =	sadd.s32 $0x139E8, s19;
	[sflag:s15] =	ssyncadd.s32 $0xFFFFEC00  }
0x79: {  	[tilespmem:s22], [sflag:$0x5] =	stream.indirect.gather [hbm4b:s1+s13], $0x80, s19, s13, $0xb8;
	[tilespmem:$0x1EAA0] =	vst v63  }
0x7a: {  	_ =	swait.ge [sflag:s25], $0x1400  }
0x7b: {  	[sflag:s25] =	ssyncset.done $0x0  }
0x7c: {  	s4 =	simm.s32 $0x185D8;
	[sflag:s25] =	ssyncadd.s32 $0xFFFFEC00  }
0x7d: {  	[spmem:s3] =	stream.indirect.scatter.add.f32 [tilespmem:s14], [sflag:$0x6], $0x80, s4, s13, $0xb8;
	[tilespmem:$0x1EAA0] =	vst v63  }
0x7e: {  	_ =	swait.ge [sflag:s26], $0x1400  }
0x7f: {  	[sflag:s26] =	ssyncset.done $0x0  }
0x80: {  	s17 =	simm.s32 $0x18600;
	[sflag:s26] =	ssyncadd.s32 $0xFFFFEC00  }
0x81: {  	[spmem:s3] =	stream.indirect.scatter.add.f32 [tilespmem:s16], [sflag:$0x7], $0x80, s17, s13, $0xb8;
	[tilespmem:$0x1EAA0] =	vst v63  }
0x82: {  	_ =	swait.ge [sflag:s28], $0x1400  }
0x83: {  	[sflag:s28] =	ssyncset.done $0x0  }
0x84: {  	s19 =	simm.s32 $0x18628;
	[sflag:s28] =	ssyncadd.s32 $0xFFFFEC00  }
0x85: {  	[spmem:s3] =	stream.indirect.scatter.add.f32 [tilespmem:s18], [sflag:$0x8], $0x80, s19, s13, $0xb8;
	[tilespmem:$0x1EAA0] =	vst v63  }
0x86: {  	_ =	swait.ge [sflag:s29], $0x1400  }
0x87: {  	[sflag:s29] =	ssyncset.done $0x0  }
0x88: {  	s17 =	simm.s32 $0x18650;
	[sflag:s29] =	ssyncadd.s32 $0xFFFFEC00  }
0x89: {  	[spmem:s3] =	stream.indirect.scatter.add.f32 [tilespmem:s20], [sflag:$0x9], $0x80, s17, s13, $0xb8;
	[tilespmem:$0x1EAA0] =	vst v63  }
0x8a: {  	_ =	swait.ge [sflag:s30], $0x1400  }
0x8b: {  	[sflag:s30] =	ssyncset.done $0x0  }
0x8c: {  	s19 =	simm.s32 $0x18678;
	[sflag:s30] =	ssyncadd.s32 $0xFFFFEC00  }
0x8d: {  	[spmem:s3] =	stream.indirect.scatter.add.f32 [tilespmem:s22], [sflag:$0xA], $0x80, s19, s13, $0xb8;
	[tilespmem:$0x1EAA0] =	vst v63  }
0x8e: {  	_ =	swait.ge [sflag:s31], $0x1400  }
0x8f: {  	[sflag:s31] =	ssyncset.done $0x0  }
0x90: {  	[sflag:s31] =	ssyncadd.s32 $0xFFFFEC00  }
0x91: {  	_ =	swait.ge [sflag:s2], $0x1400  }
0x92: {  	[sflag:s2] =	ssyncset.done $0x0  }
0x93: {  	[sflag:s2] =	ssyncadd.s32 $0xFFFFEC00  }
0x94: {  	_ =	swait.ge [sflag:s0], $0x1400  }
0x95: {  	[sflag:s0] =	ssyncset.done $0x0  }
0x96: {  	[sflag:s0] =	ssyncadd.s32 $0xFFFFEC00  }
0x97: {  	_ =	swait.ge [sflag:s12], $0x1400  }
0x98: {  	[sflag:s12] =	ssyncset.done $0x0  }
0x99: {  	[sflag:s12] =	ssyncadd.s32 $0xFFFFEC00  }
0x9a: {  	_ =	swait.ge [sflag:s15], $0x1400  }
0x9b: {  	s21 =	sadd.s32 $0x1, s21;
	[sflag:s15] =	ssyncset.done $0x0  }
0x9c: {  	p0 =	sne.s32 s21, s9;
	[sflag:s15] =	ssyncadd.s32 $0xFFFFEC00  }
.Ltmp1:
0x9d: {  	[bflag:$0x0] =	sbarrier.arrive $0xFFFF;
	(pc) =	sbr.rel @p0 .LBB2_1-.Ltmp1, $4  }
0x9e: {  	[hbm:s8], [sflag:s23] =	dma.local [spmem:s24], $0x2710  }
0x9f: {  	_ =	swait.ge [sflag:s11], $0x2710  }
0xa0: {  	[sflag:s11] =	ssyncset.done $0x0  }
0xa1: {  	[sflag:s11] =	ssyncadd.s32 $0xFFFFD8F0  }
0xa2: {  	_ =	sfence.sel $0x180000  }
0xa3: {  	[bflag:$0x0] =	sbarrier.arrive $0xFFFF  }
0xa4: {  	_ =	strace $0x9000004A  }
0xa5: {  	s0 =	stileid.u32;
	[bflag:$0x2] =	sbarrier.arrive $0xFFFF  }
0xa6: {  	p0 =	sne.s32 s0, $0x0;
	s0 =	rddreg [dreg:$0x3]  }
0xa7: {  	s0 =	sadd.s32 @!p0 $0x100000, s0  }
0xa8: {  	[sflag:s0] =	ssyncadd.tile.s32 @!p0 $0x1;
	_ =	shalt  }
.Lfunc_end2:
_tile_overlayer_lowered:
.L_overlay_start_2:
0xa9: {  	(tag) =	ssettag $0x2  }
0xaa: {  	s0 =	rddreg [dreg:$0x0];
	s2 =	stileid.u32  }
0xab: {  	s1 =	rddreg [dreg:$0x1];
	p0 =	sne.s32 s2, $0x0  }
0xac: {  	s3 =	rddreg [dreg:$0x2];
	[bflag:$0x3] =	sbarrier.arrive $0xFFFF;
	s2 =	simm.s32 @!p0 $0x1C0B  }
0xad: {  	[timem:s3], [sflag:s2] =	dma.local @!p0 [hbm:s0], s1  }
0xae: {  	s0 =	simm.s32 @!p0 $0xB  }
0xaf: {  	_ =	swait.ge @!p0 [sflag:s0], s1  }
0xb0: {  	s1 =	ssub.s32 @!p0 $0x0, s1;
	[sflag:s0] =	ssyncset.done @!p0 $0x0  }
0xb1: {  	[sflag:s0] =	ssyncadd.s32 @!p0 s1  }
0xb2: {  	[bflag:$0x3] =	sbarrier.arrive $0xFFFF  }
0xb3: {  	_ =	shalt  }

// kernel: kernel.16.cloned.1.call-start
scs
__scs_entry_jumppad:
0x0: {  	(pc) =	sbr.rel $0x88, $3  }
0x1: {  	(tag) =	ssettag $0x0;
	lr =	simm.s32 $0x1  }
0x2: {  	[smem:$0x3F9F] =	sst lr;
	_ =	strace $0xD0000000  }
0x3: {  	_ = 	snop  }
0x4: {  	_ = 	snop  }
0x5: {  	_ = 	snop  }
0x6: {  	_ = 	snop  }
0x7: {  	_ = 	snop  }
__scs_overlays_trampoline_lowered:
0x8: {  	[smem:$0x3FAE] =	sst s0  }
0x9: {  	[smem:$0x3FAF] =	sst s1  }
0xa: {  	[smem:$0x3FB0] =	sst s2  }
0xb: {  	[smem:$0x3FB1] =	sst s3  }
0xc: {  	[smem:$0x3FB2] =	sst s4  }
0xd: {  	[smem:$0x3FB3] =	sst s5  }
0xe: {  	[smem:$0x3FB4] =	sst s6  }
0xf: {  	[smem:$0x3FB5] =	sst s7  }
0x10: {  	[smem:$0x3FB6] =	sst s8  }
0x11: {  	[smem:$0x3FB7] =	sst s9;
	s0 =	simm.s32 @!p0 $0x0  }
0x12: {  	s1 =	sld [smem:$0x3F9D];
	s0 =	simm.s32 @p0 $0x1  }
0x13: {  	[smem:$0x3FB8] =	sst s0;
	s0 =	simm.s32 @!p1 $0x0  }
0x14: {  	s2 =	sld [smem:$0x3F9C];
	s0 =	simm.s32 @p1 $0x1  }
0x15: {  	[smem:$0x3FB9] =	sst s0;
	s0 =	simm.s32 @!p2 $0x0  }
0x16: {  	s3 =	sld [smem:$0x3FDB];
	s0 =	simm.s32 @p2 $0x1  }
0x17: {  	s4 =	simm.s32 $0x1BF5;
	[smem:$0x3FBB] =	sst s0  }
0x18: {  	s0 =	sld [smem:$0x3F9E];
	_ =	swait.ge [sflag:s4], $0x0  }
0x19: {  	s7 =	sld [smem:$0x3F9F]  }
0x1a: {  	s8 =	sadd.s32 $0xFFFFE003, lr  }
0x1b: {  	s9 =	sadd.s32 $0xFFFFFEF7, lr;
	s5 =	simm.s32 $0xFFFFFFFF;
	p2 =	slt.u32 s8, $0xFFFFF086  }
0x1c: {  	p1 =	slt.u32 s9, $0xF7A;
	s5 =	simm.s32 @!p2 $0x0  }
0x1d: {  	s5 =	simm.s32 @p1 $0x1;
	p0 =	seq.s32 s7, s2  }
0x1e: {  	s7 =	smul.u32 @!p0 $0xF7A, s2;
	p2 =	seq.s32 @!p0 s5, $0x0  }
0x1f: {  	s9 =	smul.u32 $0xF7A, s1;
	s8 =	simm.s32 @!p0 $0x1BF5;
	p2 =	por !p2, p0  }
0x20: {  	[sflag:s8] =	ssyncset.s32 @!p0 $0xFFFFF086;
	s6 =	sadd.s32 @!p0 s3, s7;
	s7 =	simm.s32 @!p0 $0x108  }
0x21: {  	s3 =	sadd.s32 s3, s9;
	s6 =	sadd.s32 @!p0 $0x88, s6;
	s7 =	simm.s32 @p2 $0x1082  }
0x22: {  	[simem:s7], [sflag:s8] =	dma.local @!p0 [hbm:s6], $0xF7A  }
0x23: {  	s9 =	sor.u32 $0xD0000000, s2;
	s6 =	simm.s32 $0x108;
	_ =	swait.ge @!p0 [sflag:s8], $0x0  }
0x24: {  	s3 =	sadd.s32 $0x88, s3;
	s6 =	simm.s32 @!p1 $0x1082;
	[sflag:s4] =	ssyncset.s32 $0xFFFFF086  }
0x25: {  	[simem:s6], [sflag:s4] =	dma.local [hbm:s3], $0xF7A  }
0x26: {  	[smem:$0x3F9F] =	sst s1;
	(tag) =	ssettag s2;
	_ =	strace s9  }
0x27: {  	s1 =	sld [smem:$0x3FAF]  }
0x28: {  	s2 =	sld [smem:$0x3FB0]  }
0x29: {  	s4 =	sld [smem:$0x3FB2]  }
0x2a: {  	p0 =	seq.s32 s5, $0x0;
	s5 =	sld [smem:$0x3FB3]  }
0x2b: {  	s6 =	sld [smem:$0x3FB4]  }
0x2c: {  	s7 =	sld [smem:$0x3FB5]  }
0x2d: {  	s3 =	simm.s32 $0x108;
	s8 =	sld [smem:$0x3FB6]  }
0x2e: {  	s3 =	simm.s32 @!p0 $0x1082;
	s9 =	sld [smem:$0x3FB7]  }
0x2f: {  	lr =	sadd.s32 s0, s3;
	s0 =	sld [smem:$0x3FAE]  }
0x30: {  	s3 =	sld [smem:$0x3FB1]  }
0x31: {  	[smem:$0x3FBA] =	sst s10  }
0x32: {  	s10 =	sld [smem:$0x3FB8];
	_ =	sdelay $0x3  }
0x33: {  	p0 =	seq.s32 s10, $0x1;
	s10 =	sld [smem:$0x3FBA];
	_ =	sdelay $0x3  }
0x34: {  	[smem:$0x3FBA] =	sst s10  }
0x35: {  	s10 =	sld [smem:$0x3FB9];
	_ =	sdelay $0x3  }
0x36: {  	p1 =	seq.s32 s10, $0x1;
	s10 =	sld [smem:$0x3FBA];
	_ =	sdelay $0x3  }
0x37: {  	[smem:$0x3FBA] =	sst s10  }
0x38: {  	s10 =	sld [smem:$0x3FBB]  }
0x39: {  	_ = 	snop;
	(pc) =	sbr.ind lr, $3  }
0x3a: {  	_ = 	snop  }
0x3b: {  	_ = 	snop  }
0x3c: {  	p2 =	seq.s32 s10, $0x1;
	s10 =	sld [smem:$0x3FBA]  }
0x3d: {  	_ =	shalt  }
0x3e: {  	_ =	shalt  }
0x3f: {  	_ =	shalt  }
0x40: {  	_ =	shalt  }
0x41: {  	_ =	shalt  }
0x42: {  	_ =	shalt  }
0x43: {  	_ =	shalt  }
0x44: {  	_ =	shalt  }
0x45: {  	_ =	shalt  }
0x46: {  	_ =	shalt  }
0x47: {  	_ =	shalt  }
0x48: {  	_ =	shalt  }
0x49: {  	_ =	shalt  }
0x4a: {  	_ =	shalt  }
0x4b: {  	_ =	shalt  }
0x4c: {  	_ =	shalt  }
0x4d: {  	_ =	shalt  }
0x4e: {  	_ =	shalt  }
0x4f: {  	_ =	shalt  }
0x50: {  	_ =	shalt  }
0x51: {  	_ =	shalt  }
0x52: {  	_ =	shalt  }
0x53: {  	_ =	shalt  }
0x54: {  	_ =	shalt  }
0x55: {  	_ =	shalt  }
0x56: {  	_ =	shalt  }
0x57: {  	_ =	shalt  }
0x58: {  	_ =	shalt  }
0x59: {  	_ =	shalt  }
0x5a: {  	_ =	shalt  }
0x5b: {  	_ =	shalt  }
0x5c: {  	_ =	shalt  }
0x5d: {  	_ =	shalt  }
0x5e: {  	_ =	shalt  }
0x5f: {  	_ =	shalt  }
0x60: {  	_ =	shalt  }
0x61: {  	_ =	shalt  }
0x62: {  	_ =	shalt  }
0x63: {  	_ =	shalt  }
0x64: {  	_ =	shalt  }
0x65: {  	_ =	shalt  }
0x66: {  	_ =	shalt  }
0x67: {  	_ =	shalt  }
0x68: {  	_ =	shalt  }
0x69: {  	_ =	shalt  }
0x6a: {  	_ =	shalt  }
0x6b: {  	_ =	shalt  }
0x6c: {  	_ =	shalt  }
0x6d: {  	_ =	shalt  }
0x6e: {  	_ =	shalt  }
0x6f: {  	_ =	shalt  }
0x70: {  	_ =	shalt  }
0x71: {  	_ =	shalt  }
0x72: {  	_ =	shalt  }
0x73: {  	_ =	shalt  }
0x74: {  	_ =	shalt  }
0x75: {  	_ =	shalt  }
0x76: {  	_ =	shalt  }
0x77: {  	_ =	shalt  }
0x78: {  	_ =	shalt  }
0x79: {  	_ =	shalt  }
0x7a: {  	_ =	shalt  }
0x7b: {  	_ =	shalt  }
0x7c: {  	_ =	shalt  }
0x7d: {  	_ =	shalt  }
0x7e: {  	_ =	shalt  }
0x7f: {  	_ =	shalt  }
0x80: {  	_ =	shalt  }
0x81: {  	_ =	shalt  }
0x82: {  	_ =	shalt  }
0x83: {  	_ =	shalt  }
0x84: {  	_ =	shalt  }
0x85: {  	_ =	shalt  }
0x86: {  	_ =	shalt  }
0x87: {  	_ =	shalt  }
.Lfunc_end0:
.L_simem_size_0:
called_computation.2_lowered:
.L_overlay_start_0:
0x88: {  	s2 =	sld [smem:$0x3FD9]  }
0x89: {  	s3 =	sld [smem:$0x3FFE];
	_ =	sdelay $0x1  }
0x8a: {  	s1 =	srdreg.scid  }
0x8b: {  	s0 =	sand.u32 $0x1, s1  }
0x8c: {  	s17 =	sshll.u32 s0, $0xA;
	s2 =	sadd.s32 s3, s2  }
0x8d: {  	s2 =	sadd.s32 s2, s17  }
0x8e: {  	[smem:$0x3FC6] =	sst s2  }
0x8f: {  	_ = 	snop  }
0x90: {  	s2 =	sld [smem:$0x3FD0];
	(tm) =	ssettm $0x1  }
0x91: {  	s18 =	sld [smem:$0x3FFB];
	_ =	sdelay $0x3  }
0x92: {  	_ =	strace s18  }
0x93: {  	s3 =	sld [smem:$0x3FFC];
	_ =	sdelay $0x3  }
0x94: {  	_ =	strace s3  }
0x95: {  	s3 =	sld [smem:$0x3FFD];
	_ =	sdelay $0x3  }
0x96: {  	_ =	strace s3  }
0x97: {  	_ =	strace $0x8FFFFFFF  }
0x98: {  	s19 =	sld [smem:$0x3FDB];
	_ =	sdelay $0x1  }
0x99: {  	s4 =	simm.s32 $_scs_section_size  }
0x9a: {  	s5 =	simm.s32 $_size__tile_overlayer_lowered;
	s6 =	simm.s32 $_tile_overlayer_lowered  }
0x9b: {  	s22 =	simm.s32 $0x1BFF;
	s21 =	sshll.u32 s6, $0x1;
	s3 =	sadd.s32 s4, s19  }
0x9c: {  	s7 =	simm.s32 $0x0;
	s20 =	sshll.u32 s5, $0x1;
	s5 =	sadd.s32 s21, s3  }
0x9d: {  	[timem:s7], [sflag:s22] =	dma.local [hbm:s5], s20  }
0x9e: {  	_ =	swait.ge [sflag:s22], s20  }
0x9f: {  	s4 =	ssub.s32 $0x0, s20;
	[sflag:s22] =	ssyncset.done $0x0  }
0xa0: {  	[sflag:s22] =	ssyncadd.s32 s4;
	_ =	sdelay $0x1  }
0xa1: {  	s23 =	simm.s32 $0x1B8B  }
0xa2: {  	_ =	swait.ge [sflag:s23], $0x1  }
0xa3: {  	[sflag:s23] =	ssyncset.done $0x0  }
0xa4: {  	s25 =	simm.s32 $0x1B8E;
	s24 =	sld [smem:$0x3FFE];
	[sflag:s23] =	ssyncadd.s32 $0xFFFFFFFF  }
0xa5: {  	s26 =	simm.s32 $execute0_lowered;
	[smem:$0x3FD2] =	sst s25  }
0xa6: {  	s5 =	sshll.u32 s26, $0x1;
	_ =	strace $0x8000004C;
	[dreg:$0x1] =	wrdreg $0xFFFFFFFF  }
0xa7: {  	s28 =	simm.s32 $_size_execute0_lowered;
	s3 =	sadd.s32 s3, s5;
	[dreg:$0x0] =	wrdreg $0x0  }
0xa8: {  	s5 =	sshll.u32 s28, $0x1;
	[dreg:$0x2] =	wrdreg s3  }
0xa9: {  	[dreg:$0x3] =	wrdreg s5  }
0xaa: {  	[dreg:$0x4] =	wrdreg $0xC0  }
0xab: {  	_ =	task [dreg:s7], $0x5FFFF  }
0xac: {  	[dreg:$0x1] =	wrdreg $0xFFFFFFFF  }
0xad: {  	[dreg:$0x0] =	wrdreg $0x60  }
0xae: {  	[dreg:$0x2] =	wrdreg s2  }
0xaf: {  	[dreg:$0x3] =	wrdreg s24  }
0xb0: {  	[dreg:$0x4] =	wrdreg $0x0  }
0xb1: {  	[dreg:$0x5] =	wrdreg $0x9  }
0xb2: {  	_ =	task.clear_ibuf [dreg:s7], $0x6FFFF;
	_ =	strace $0x9000004C  }
0xb3: {  	s29 =	simm.s32 $0x9;
	_ =	strace $0x8000004E  }
0xb4: {  	_ =	swait.ge [sflag:s29], $0x1  }
0xb5: {  	[sflag:s29] =	ssyncadd.s32 $0xFFFFFFFF  }
0xb6: {  	_ =	strace $0x9000004E  }
0xb7: {  	_ =	sfence  }
0xb8: {  	s30 =	sld [smem:$0x0];
	_ =	sdelay $0x2  }
0xb9: {  	s31 =	sshll.u32 s1, $0xD;
	s1 =	sshrl.u32 s1, $0x2  }
0xba: {  	s3 =	sand.u32 $0x4000, s31;
	s1 =	sadd.s32 s1, s30  }
0xbb: {  	s0 =	sor.u32 s3, s0;
	s1 =	sshll.u32 s1, $0x11  }
0xbc: {  	s0 =	sor.u32 s1, s0  }
0xbd: {  	s0 =	sadd.s32 $0x8F2B, s0  }
0xbe: {  	[sflag:s0] =	ssyncadd.remote.s32 $0x1  }
0xbf: {  	_ =	sfence.sel $0xFFFF  }
0xc0: {  	[dreg:$0x0] =	wrdreg $0xFFFFFFFF;
	(pc) =	sbr.abs _section_cstart, $3  }
0xc1: {  	[dreg:$0x1] =	wrdreg $0xFFFFFFFF  }
0xc2: {  	_ =	task.clear_ibuf [dreg:s7], $0x2FFFF;
	_ =	strace $0x9FFFFFFF  }
0xc3: {  	(tm) =	ssettm $0x7FFFFFFF  }
tec
execute0_lowered:
.L_overlay_start_1:
0x0: {  	(tag) =	ssettag $0x1  }
0x1: {  	s0 =	srdreg.scid;
	s1 =	rddreg [dreg:$0x0]  }
0x2: {  	s4 =	stileid.u32;
	s6 =	rddreg [dreg:$0x1]  }
0x3: {  	s3 =	rddreg [dreg:$0x2];
	s5 =	simm.s32 $0x0;
	s11 =	simm.s32 $0xB  }
0x4: {  	s13 =	simm.s32 $0x28;
	s14 =	simm.s32 $0x186A0;
	s16 =	simm.s32 $0x19AA0  }
0x5: {  	s18 =	simm.s32 $0x1AEA0;
	s20 =	simm.s32 $0x1C2A0;
	s22 =	simm.s32 $0x1D6A0  }
0x6: {  	s28 =	simm.s32 $0x3;
	s29 =	simm.s32 $0x4;
	s30 =	simm.s32 $0x5  }
0x7: {  	s31 =	simm.s32 $0x6;
	s12 =	simm.s32 $0x9;
	s15 =	simm.s32 $0xA  }
0x8: {  	s21 =	simm.s32 $0x0;
	s0 =	sand.u32 $0x1, s0;
	s8 =	smul.u32 $0x13880, s4  }
0x9: {  	[smem:$0x7FF] =	sst s5;
	s5 =	sadd.s32 $0x3D600, s6;
	s26 =	sshll.u32 s4, $0x6  }
0xa: {  	s2 =	sshll.u32 s0, $0x4;
	s24 =	smul.u32 $0x138800, s0;
	_ =	strace $0x8000004D  }
0xb: {  	s0 =	ssub.s32 $0x2, s0;
	s23 =	sor.u32 $0x1C0B, s26;
	s26 =	simm.s32 $0x2  }
0xc: {  	s2 =	sor.u32 s4, s2;
	s9 =	sshrl.u32 s0, $0x1;
	s25 =	sadd.s32 s8, s3  }
0xd: {  	s2 =	smul.u32 $0x4E2, s2;
	s7 =	sadd.s32 s8, s24;
	s0 =	ssub.s32 s0, s9  }
0xe: {  	s24 =	sshrl.u32 s25, $0x3;
	s25 =	simm.s32 $0x1;
	s7 =	sshrl.u32 s7, $0x3  }
0xf: {  	s9 =	smax.u32 s0, $0x1;
	s0 =	simm.s32 $0x8;
	s2 =	sadd.s32 s2, s6  }
0x10: {  	s10 =	sadd.s32 s7, s6;
	s6 =	sadd.s32 $0x2800, s2;
	s7 =	sadd.s32 $0xC600, s2  }
0x11: {  	s8 =	sadd.s32 $0x67000, s10;
	s10 =	simm.s32 $0x13880;
	s2 =	simm.s32 $0x7  }
.LBB2_1:
0x12: {  	s4 =	simm.s32 $0x0  }
0x13: {  	[tilespmem:s10], [sflag:$0xB] =	stream.linear.gather [hbm4b:s6+s4], $0x2710, $0x38;
	[tilespmem:$0x1EAA0] =	vst v63  }
0x14: {  	_ =	swait.ge [sflag:s11], $0x2710  }
0x15: {  	[sflag:s11] =	ssyncset.done $0x0  }
0x16: {  	s17 =	simm.s32 $0x15F90;
	[sflag:s11] =	ssyncadd.s32 $0xFFFFD8F0  }
0x17: {  	[tilespmem:s17], [sflag:$0xB] =	stream.linear.gather [hbm4b:s7+s4], $0x2710, $0x38;
	[tilespmem:$0x1EAA0] =	vst v63  }
0x18: {  	_ =	swait.ge [sflag:s11], $0x2710  }
0x19: {  	[sflag:s11] =	ssyncset.done $0x0  }
0x1a: {  	[sflag:s11] =	ssyncadd.s32 $0xFFFFD8F0  }
0x1b: {  	[tilespmem:s14], [sflag:$0x1] =	stream.indirect.gather [hbm4b:s1+s13], $0x80, s10, s13, $0xb8;
	[tilespmem:$0x1EAA0] =	vst v63  }
0x1c: {  	s19 =	simm.s32 $0x138A8  }
0x1d: {  	[tilespmem:s16], [sflag:$0x2] =	stream.indirect.gather [hbm4b:s1+s13], $0x80, s19, s13, $0xb8;
	[tilespmem:$0x1EAA0] =	vst v63  }
0x1e: {  	s17 =	simm.s32 $0x138D0  }
0x1f: {  	[tilespmem:s18], [sflag:$0x3] =	stream.indirect.gather [hbm4b:s1+s13], $0x80, s17, s13, $0xb8;
	[tilespmem:$0x1EAA0] =	vst v63  }
0x20: {  	s19 =	simm.s32 $0x138F8  }
0x21: {  	[tilespmem:s20], [sflag:$0x4] =	stream.indirect.gather [hbm4b:s1+s13], $0x80, s19, s13, $0xb8;
	[tilespmem:$0x1EAA0] =	vst v63  }
0x22: {  	s17 =	simm.s32 $0x13920  }
0x23: {  	[tilespmem:s22], [sflag:$0x5] =	stream.indirect.gather [hbm4b:s1+s13], $0x80, s17, s13, $0xb8;
	[tilespmem:$0x1EAA0] =	vst v63  }
0x24: {  	[spmem:s24], [sflag:s23] =	dma.local [hbm:s5], $0x2710  }
0x25: {  	_ =	swait.ge [sflag:s11], $0x2710  }
0x26: {  	[sflag:s11] =	ssyncset.done $0x0  }
0x27: {  	[sflag:s11] =	ssyncadd.s32 $0xFFFFD8F0  }
0x28: {  	[bflag:$0x0] =	sbarrier.arrive $0xFFFF  }
0x29: {  	_ =	swait.ge [sflag:s25], $0x1400  }
0x2a: {  	[sflag:s25] =	ssyncset.done $0x0  }
0x2b: {  	s19 =	simm.s32 $0x15F90;
	[sflag:s25] =	ssyncadd.s32 $0xFFFFEC00  }
0x2c: {  	[spmem:s3] =	stream.indirect.scatter.add.f32 [tilespmem:s14], [sflag:$0x6], $0x80, s19, s13, $0xb8;
	[tilespmem:$0x1EAA0] =	vst v63  }
0x2d: {  	_ =	swait.ge [sflag:s26], $0x1400  }
0x2e: {  	[sflag:s26] =	ssyncset.done $0x0  }
0x2f: {  	s4 =	simm.s32 $0x15FB8;
	[sflag:s26] =	ssyncadd.s32 $0xFFFFEC00  }
0x30: {  	[spmem:s3] =	stream.indirect.scatter.add.f32 [tilespmem:s16], [sflag:$0x7], $0x80, s4, s13, $0xb8;
	[tilespmem:$0x1EAA0] =	vst v63  }
0x31: {  	_ =	swait.ge [sflag:s28], $0x1400  }
0x32: {  	[sflag:s28] =	ssyncset.done $0x0  }
0x33: {  	s19 =	simm.s32 $0x15FE0;
	[sflag:s28] =	ssyncadd.s32 $0xFFFFEC00  }
0x34: {  	[spmem:s3] =	stream.indirect.scatter.add.f32 [tilespmem:s18], [sflag:$0x8], $0x80, s19, s13, $0xb8;
	[tilespmem:$0x1EAA0] =	vst v63  }
0x35: {  	_ =	swait.ge [sflag:s29], $0x1400  }
0x36: {  	[sflag:s29] =	ssyncset.done $0x0  }
0x37: {  	s4 =	simm.s32 $0x16008;
	[sflag:s29] =	ssyncadd.s32 $0xFFFFEC00  }
0x38: {  	[spmem:s3] =	stream.indirect.scatter.add.f32 [tilespmem:s20], [sflag:$0x9], $0x80, s4, s13, $0xb8;
	[tilespmem:$0x1EAA0] =	vst v63  }
0x39: {  	_ =	swait.ge [sflag:s30], $0x1400  }
0x3a: {  	[sflag:s30] =	ssyncset.done $0x0  }
0x3b: {  	s19 =	simm.s32 $0x16030;
	[sflag:s30] =	ssyncadd.s32 $0xFFFFEC00  }
0x3c: {  	[spmem:s3] =	stream.indirect.scatter.add.f32 [tilespmem:s22], [sflag:$0xA], $0x80, s19, s13, $0xb8;
	[tilespmem:$0x1EAA0] =	vst v63  }
0x3d: {  	_ =	swait.ge [sflag:s31], $0x1400  }
0x3e: {  	[sflag:s31] =	ssyncset.done $0x0  }
0x3f: {  	s4 =	simm.s32 $0x13948;
	[sflag:s31] =	ssyncadd.s32 $0xFFFFEC00  }
0x40: {  	[tilespmem:s14], [sflag:$0x1] =	stream.indirect.gather [hbm4b:s1+s13], $0x80, s4, s13, $0xb8;
	[tilespmem:$0x1EAA0] =	vst v63  }
0x41: {  	_ =	swait.ge [sflag:s2], $0x1400  }
0x42: {  	[sflag:s2] =	ssyncset.done $0x0  }
0x43: {  	s19 =	simm.s32 $0x13970;
	[sflag:s2] =	ssyncadd.s32 $0xFFFFEC00  }
0x44: {  	[tilespmem:s16], [sflag:$0x2] =	stream.indirect.gather [hbm4b:s1+s13], $0x80, s19, s13, $0xb8;
	[tilespmem:$0x1EAA0] =	vst v63  }
0x45: {  	_ =	swait.ge [sflag:s0], $0x1400  }
0x46: {  	[sflag:s0] =	ssyncset.done $0x0  }
0x47: {  	s4 =	simm.s32 $0x13998;
	[sflag:s0] =	ssyncadd.s32 $0xFFFFEC00  }
0x48: {  	[tilespmem:s18], [sflag:$0x3] =	stream.indirect.gather [hbm4b:s1+s13], $0x80, s4, s13, $0xb8;
	[tilespmem:$0x1EAA0] =	vst v63  }
0x49: {  	_ =	swait.ge [sflag:s12], $0x1400  }
0x4a: {  	[sflag:s12] =	ssyncset.done $0x0  }
0x4b: {  	s19 =	simm.s32 $0x139C0;
	[sflag:s12] =	ssyncadd.s32 $0xFFFFEC00  }
0x4c: {  	[tilespmem:s20], [sflag:$0x4] =	stream.indirect.gather [hbm4b:s1+s13], $0x80, s19, s13, $0xb8;
	[tilespmem:$0x1EAA0] =	vst v63  }
0x4d: {  	_ =	swait.ge [sflag:s15], $0x1400  }
0x4e: {  	[sflag:s15] =	ssyncset.done $0x0  }
0x4f: {  	s17 =	simm.s32 $0x320;
	s19 =	simm.s32 $0x139E8;
	[sflag:s15] =	ssyncadd.s32 $0xFFFFEC00  }
.LBB2_2:
0x50: {  	[tilespmem:s22], [sflag:$0x5] =	stream.indirect.gather [hbm4b:s1+s13], $0x80, s19, s13, $0xb8;
	[tilespmem:$0x1EAA0] =	vst v63  }
0x51: {  	s19 =	smov.u32 s17  }
0x52: {  	p0 =	sne.s32 s17, $0x9600;
	s17 =	sadd.s32 $0x320, s17;
	_ =	swait.ge [sflag:s25], $0x1400  }
0x53: {  	s19 =	sshra.s32 s19, $0x2;
	[sflag:s25] =	ssyncset.done $0x0  }
0x54: {  	s4 =	sadd.s32 $0x15F90, s19;
	[sflag:s25] =	ssyncadd.s32 $0xFFFFEC00  }
0x55: {  	[spmem:s3] =	stream.indirect.scatter.add.f32 [tilespmem:s14], [sflag:$0x6], $0x80, s4, s13, $0xb8;
	[tilespmem:$0x1EAA0] =	vst v63  }
0x56: {  	_ =	swait.ge [sflag:s26], $0x1400  }
0x57: {  	[sflag:s26] =	ssyncset.done $0x0  }
0x58: {  	s4 =	sadd.s32 $0x15FB8, s19;
	[sflag:s26] =	ssyncadd.s32 $0xFFFFEC00  }
0x59: {  	[spmem:s3] =	stream.indirect.scatter.add.f32 [tilespmem:s16], [sflag:$0x7], $0x80, s4, s13, $0xb8;
	[tilespmem:$0x1EAA0] =	vst v63  }
0x5a: {  	_ =	swait.ge [sflag:s28], $0x1400  }
0x5b: {  	[sflag:s28] =	ssyncset.done $0x0  }
0x5c: {  	s4 =	sadd.s32 $0x15FE0, s19;
	[sflag:s28] =	ssyncadd.s32 $0xFFFFEC00  }
0x5d: {  	[spmem:s3] =	stream.indirect.scatter.add.f32 [tilespmem:s18], [sflag:$0x8], $0x80, s4, s13, $0xb8;
	[tilespmem:$0x1EAA0] =	vst v63  }
0x5e: {  	_ =	swait.ge [sflag:s29], $0x1400  }
0x5f: {  	[sflag:s29] =	ssyncset.done $0x0  }
0x60: {  	s4 =	sadd.s32 $0x16008, s19;
	[sflag:s29] =	ssyncadd.s32 $0xFFFFEC00  }
0x61: {  	[spmem:s3] =	stream.indirect.scatter.add.f32 [tilespmem:s20], [sflag:$0x9], $0x80, s4, s13, $0xb8;
	[tilespmem:$0x1EAA0] =	vst v63  }
0x62: {  	_ =	swait.ge [sflag:s30], $0x1400  }
0x63: {  	[sflag:s30] =	ssyncset.done $0x0  }
0x64: {  	s4 =	sadd.s32 $0x16030, s19;
	[sflag:s30] =	ssyncadd.s32 $0xFFFFEC00  }
0x65: {  	[spmem:s3] =	stream.indirect.scatter.add.f32 [tilespmem:s22], [sflag:$0xA], $0x80, s4, s13, $0xb8;
	[tilespmem:$0x1EAA0] =	vst v63  }
0x66: {  	_ =	swait.ge [sflag:s31], $0x1400  }
0x67: {  	[sflag:s31] =	ssyncset.done $0x0  }
0x68: {  	s4 =	sadd.s32 $0x13948, s19;
	[sflag:s31] =	ssyncadd.s32 $0xFFFFEC00  }
0x69: {  	[tilespmem:s14], [sflag:$0x1] =	stream.indirect.gather [hbm4b:s1+s13], $0x80, s4, s13, $0xb8;
	[tilespmem:$0x1EAA0] =	vst v63  }
0x6a: {  	_ =	swait.ge [sflag:s2], $0x1400  }
0x6b: {  	[sflag:s2] =	ssyncset.done $0x0  }
0x6c: {  	s4 =	sadd.s32 $0x13970, s19;
	[sflag:s2] =	ssyncadd.s32 $0xFFFFEC00  }
0x6d: {  	[tilespmem:s16], [sflag:$0x2] =	stream.indirect.gather [hbm4b:s1+s13], $0x80, s4, s13, $0xb8;
	[tilespmem:$0x1EAA0] =	vst v63  }
0x6e: {  	_ =	swait.ge [sflag:s0], $0x1400  }
0x6f: {  	[sflag:s0] =	ssyncset.done $0x0  }
0x70: {  	s4 =	sadd.s32 $0x13998, s19;
	[sflag:s0] =	ssyncadd.s32 $0xFFFFEC00  }
0x71: {  	[tilespmem:s18], [sflag:$0x3] =	stream.indirect.gather [hbm4b:s1+s13], $0x80, s4, s13, $0xb8;
	[tilespmem:$0x1EAA0] =	vst v63  }
0x72: {  	_ =	swait.ge [sflag:s12], $0x1400  }
0x73: {  	[sflag:s12] =	ssyncset.done $0x0  }
.Ltmp0:
0x74: {  	s4 =	sadd.s32 $0x139C0, s19;
	[sflag:s12] =	ssyncadd.s32 $0xFFFFEC00;
	(pc) =	sbr.rel @p0 .LBB2_2-.Ltmp0, $4  }
0x75: {  	[tilespmem:s20], [sflag:$0x4] =	stream.indirect.gather [hbm4b:s1+s13], $0x80, s4, s13, $0xb8;
	[tilespmem:$0x1EAA0] =	vst v63  }
0x76: {  	_ =	swait.ge [sflag:s15], $0x1400  }
0x77: {  	[sflag:s15] =	ssyncset.done $0x0  }
0x78: {  	s19 =	sadd.s32 $0x139E8, s19;
	[sflag:s15] =	ssyncadd.s32 $0xFFFFEC00  }
0x79: {  	[tilespmem:s22], [sflag:$0x5] =	stream.indirect.gather [hbm4b:s1+s13], $0x80, s19, s13, $0xb8;
	[tilespmem:$0x1EAA0] =	vst v63  }
0x7a: {  	_ =	swait.ge [sflag:s25], $0x1400  }
0x7b: {  	[sflag:s25] =	ssyncset.done $0x0  }
0x7c: {  	s4 =	simm.s32 $0x185D8;
	[sflag:s25] =	ssyncadd.s32 $0xFFFFEC00  }
0x7d: {  	[spmem:s3] =	stream.indirect.scatter.add.f32 [tilespmem:s14], [sflag:$0x6], $0x80, s4, s13, $0xb8;
	[tilespmem:$0x1EAA0] =	vst v63  }
0x7e: {  	_ =	swait.ge [sflag:s26], $0x1400  }
0x7f: {  	[sflag:s26] =	ssyncset.done $0x0  }
0x80: {  	s17 =	simm.s32 $0x18600;
	[sflag:s26] =	ssyncadd.s32 $0xFFFFEC00  }
0x81: {  	[spmem:s3] =	stream.indirect.scatter.add.f32 [tilespmem:s16], [sflag:$0x7], $0x80, s17, s13, $0xb8;
	[tilespmem:$0x1EAA0] =	vst v63  }
0x82: {  	_ =	swait.ge [sflag:s28], $0x1400  }
0x83: {  	[sflag:s28] =	ssyncset.done $0x0  }
0x84: {  	s19 =	simm.s32 $0x18628;
	[sflag:s28] =	ssyncadd.s32 $0xFFFFEC00  }
0x85: {  	[spmem:s3] =	stream.indirect.scatter.add.f32 [tilespmem:s18], [sflag:$0x8], $0x80, s19, s13, $0xb8;
	[tilespmem:$0x1EAA0] =	vst v63  }
0x86: {  	_ =	swait.ge [sflag:s29], $0x1400  }
0x87: {  	[sflag:s29] =	ssyncset.done $0x0  }
0x88: {  	s17 =	simm.s32 $0x18650;
	[sflag:s29] =	ssyncadd.s32 $0xFFFFEC00  }
0x89: {  	[spmem:s3] =	stream.indirect.scatter.add.f32 [tilespmem:s20], [sflag:$0x9], $0x80, s17, s13, $0xb8;
	[tilespmem:$0x1EAA0] =	vst v63  }
0x8a: {  	_ =	swait.ge [sflag:s30], $0x1400  }
0x8b: {  	[sflag:s30] =	ssyncset.done $0x0  }
0x8c: {  	s19 =	simm.s32 $0x18678;
	[sflag:s30] =	ssyncadd.s32 $0xFFFFEC00  }
0x8d: {  	[spmem:s3] =	stream.indirect.scatter.add.f32 [tilespmem:s22], [sflag:$0xA], $0x80, s19, s13, $0xb8;
	[tilespmem:$0x1EAA0] =	vst v63  }
0x8e: {  	_ =	swait.ge [sflag:s31], $0x1400  }
0x8f: {  	[sflag:s31] =	ssyncset.done $0x0  }
0x90: {  	[sflag:s31] =	ssyncadd.s32 $0xFFFFEC00  }
0x91: {  	_ =	swait.ge [sflag:s2], $0x1400  }
0x92: {  	[sflag:s2] =	ssyncset.done $0x0  }
0x93: {  	[sflag:s2] =	ssyncadd.s32 $0xFFFFEC00  }
0x94: {  	_ =	swait.ge [sflag:s0], $0x1400  }
0x95: {  	[sflag:s0] =	ssyncset.done $0x0  }
0x96: {  	[sflag:s0] =	ssyncadd.s32 $0xFFFFEC00  }
0x97: {  	_ =	swait.ge [sflag:s12], $0x1400  }
0x98: {  	[sflag:s12] =	ssyncset.done $0x0  }
0x99: {  	[sflag:s12] =	ssyncadd.s32 $0xFFFFEC00  }
0x9a: {  	_ =	swait.ge [sflag:s15], $0x1400  }
0x9b: {  	s21 =	sadd.s32 $0x1, s21;
	[sflag:s15] =	ssyncset.done $0x0  }
0x9c: {  	p0 =	sne.s32 s21, s9;
	[sflag:s15] =	ssyncadd.s32 $0xFFFFEC00  }
.Ltmp1:
0x9d: {  	[bflag:$0x0] =	sbarrier.arrive $0xFFFF;
	(pc) =	sbr.rel @p0 .LBB2_1-.Ltmp1, $4  }
0x9e: {  	[hbm:s8], [sflag:s23] =	dma.local [spmem:s24], $0x2710  }
0x9f: {  	_ =	swait.ge [sflag:s11], $0x2710  }
0xa0: {  	[sflag:s11] =	ssyncset.done $0x0  }
0xa1: {  	[sflag:s11] =	ssyncadd.s32 $0xFFFFD8F0  }
0xa2: {  	_ =	sfence.sel $0x180000  }
0xa3: {  	[bflag:$0x0] =	sbarrier.arrive $0xFFFF  }
0xa4: {  	_ =	strace $0x9000004D  }
0xa5: {  	s0 =	stileid.u32;
	[bflag:$0x2] =	sbarrier.arrive $0xFFFF  }
0xa6: {  	p0 =	sne.s32 s0, $0x0;
	s0 =	rddreg [dreg:$0x3]  }
0xa7: {  	s0 =	sadd.s32 @!p0 $0x100000, s0  }
0xa8: {  	[sflag:s0] =	ssyncadd.tile.s32 @!p0 $0x1;
	_ =	shalt  }
.Lfunc_end2:
_tile_overlayer_lowered:
.L_overlay_start_2:
0xa9: {  	(tag) =	ssettag $0x2  }
0xaa: {  	s0 =	rddreg [dreg:$0x0];
	s2 =	stileid.u32  }
0xab: {  	s1 =	rddreg [dreg:$0x1];
	p0 =	sne.s32 s2, $0x0  }
0xac: {  	s3 =	rddreg [dreg:$0x2];
	[bflag:$0x3] =	sbarrier.arrive $0xFFFF;
	s2 =	simm.s32 @!p0 $0x1C0B  }
0xad: {  	[timem:s3], [sflag:s2] =	dma.local @!p0 [hbm:s0], s1  }
0xae: {  	s0 =	simm.s32 @!p0 $0xB  }
0xaf: {  	_ =	swait.ge @!p0 [sflag:s0], s1  }
0xb0: {  	s1 =	ssub.s32 @!p0 $0x0, s1;
	[sflag:s0] =	ssyncset.done @!p0 $0x0  }
0xb1: {  	[sflag:s0] =	ssyncadd.s32 @!p0 s1  }
0xb2: {  	[bflag:$0x3] =	sbarrier.arrive $0xFFFF  }
0xb3: {  	_ =	shalt  }

// kernel: kernel.19.cloned.1.call-start
scs
__scs_entry_jumppad:
0x0: {  	(pc) =	sbr.rel $0x88, $3  }
0x1: {  	(tag) =	ssettag $0x0;
	lr =	simm.s32 $0x1  }
0x2: {  	[smem:$0x3F9F] =	sst lr;
	_ =	strace $0xD0000000  }
0x3: {  	_ = 	snop  }
0x4: {  	_ = 	snop  }
0x5: {  	_ = 	snop  }
0x6: {  	_ = 	snop  }
0x7: {  	_ = 	snop  }
__scs_overlays_trampoline_lowered:
0x8: {  	[smem:$0x3FAE] =	sst s0  }
0x9: {  	[smem:$0x3FAF] =	sst s1  }
0xa: {  	[smem:$0x3FB0] =	sst s2  }
0xb: {  	[smem:$0x3FB1] =	sst s3  }
0xc: {  	[smem:$0x3FB2] =	sst s4  }
0xd: {  	[smem:$0x3FB3] =	sst s5  }
0xe: {  	[smem:$0x3FB4] =	sst s6  }
0xf: {  	[smem:$0x3FB5] =	sst s7  }
0x10: {  	[smem:$0x3FB6] =	sst s8  }
0x11: {  	[smem:$0x3FB7] =	sst s9;
	s0 =	simm.s32 @!p0 $0x0  }
0x12: {  	s1 =	sld [smem:$0x3F9D];
	s0 =	simm.s32 @p0 $0x1  }
0x13: {  	[smem:$0x3FB8] =	sst s0;
	s0 =	simm.s32 @!p1 $0x0  }
0x14: {  	s2 =	sld [smem:$0x3F9C];
	s0 =	simm.s32 @p1 $0x1  }
0x15: {  	[smem:$0x3FB9] =	sst s0;
	s0 =	simm.s32 @!p2 $0x0  }
0x16: {  	s3 =	sld [smem:$0x3FDB];
	s0 =	simm.s32 @p2 $0x1  }
0x17: {  	s4 =	simm.s32 $0x1BF5;
	[smem:$0x3FBB] =	sst s0  }
0x18: {  	s0 =	sld [smem:$0x3F9E];
	_ =	swait.ge [sflag:s4], $0x0  }
0x19: {  	s7 =	sld [smem:$0x3F9F]  }
0x1a: {  	s8 =	sadd.s32 $0xFFFFE003, lr  }
0x1b: {  	s9 =	sadd.s32 $0xFFFFFEF7, lr;
	s5 =	simm.s32 $0xFFFFFFFF;
	p2 =	slt.u32 s8, $0xFFFFF086  }
0x1c: {  	p1 =	slt.u32 s9, $0xF7A;
	s5 =	simm.s32 @!p2 $0x0  }
0x1d: {  	s5 =	simm.s32 @p1 $0x1;
	p0 =	seq.s32 s7, s2  }
0x1e: {  	s7 =	smul.u32 @!p0 $0xF7A, s2;
	p2 =	seq.s32 @!p0 s5, $0x0  }
0x1f: {  	s9 =	smul.u32 $0xF7A, s1;
	s8 =	simm.s32 @!p0 $0x1BF5;
	p2 =	por !p2, p0  }
0x20: {  	[sflag:s8] =	ssyncset.s32 @!p0 $0xFFFFF086;
	s6 =	sadd.s32 @!p0 s3, s7;
	s7 =	simm.s32 @!p0 $0x108  }
0x21: {  	s3 =	sadd.s32 s3, s9;
	s6 =	sadd.s32 @!p0 $0x88, s6;
	s7 =	simm.s32 @p2 $0x1082  }
0x22: {  	[simem:s7], [sflag:s8] =	dma.local @!p0 [hbm:s6], $0xF7A  }
0x23: {  	s9 =	sor.u32 $0xD0000000, s2;
	s6 =	simm.s32 $0x108;
	_ =	swait.ge @!p0 [sflag:s8], $0x0  }
0x24: {  	s3 =	sadd.s32 $0x88, s3;
	s6 =	simm.s32 @!p1 $0x1082;
	[sflag:s4] =	ssyncset.s32 $0xFFFFF086  }
0x25: {  	[simem:s6], [sflag:s4] =	dma.local [hbm:s3], $0xF7A  }
0x26: {  	[smem:$0x3F9F] =	sst s1;
	(tag) =	ssettag s2;
	_ =	strace s9  }
0x27: {  	s1 =	sld [smem:$0x3FAF]  }
0x28: {  	s2 =	sld [smem:$0x3FB0]  }
0x29: {  	s4 =	sld [smem:$0x3FB2]  }
0x2a: {  	p0 =	seq.s32 s5, $0x0;
	s5 =	sld [smem:$0x3FB3]  }
0x2b: {  	s6 =	sld [smem:$0x3FB4]  }
0x2c: {  	s7 =	sld [smem:$0x3FB5]  }
0x2d: {  	s3 =	simm.s32 $0x108;
	s8 =	sld [smem:$0x3FB6]  }
0x2e: {  	s3 =	simm.s32 @!p0 $0x1082;
	s9 =	sld [smem:$0x3FB7]  }
0x2f: {  	lr =	sadd.s32 s0, s3;
	s0 =	sld [smem:$0x3FAE]  }
0x30: {  	s3 =	sld [smem:$0x3FB1]  }
0x31: {  	[smem:$0x3FBA] =	sst s10  }
0x32: {  	s10 =	sld [smem:$0x3FB8];
	_ =	sdelay $0x3  }
0x33: {  	p0 =	seq.s32 s10, $0x1;
	s10 =	sld [smem:$0x3FBA];
	_ =	sdelay $0x3  }
0x34: {  	[smem:$0x3FBA] =	sst s10  }
0x35: {  	s10 =	sld [smem:$0x3FB9];
	_ =	sdelay $0x3  }
0x36: {  	p1 =	seq.s32 s10, $0x1;
	s10 =	sld [smem:$0x3FBA];
	_ =	sdelay $0x3  }
0x37: {  	[smem:$0x3FBA] =	sst s10  }
0x38: {  	s10 =	sld [smem:$0x3FBB]  }
0x39: {  	_ = 	snop;
	(pc) =	sbr.ind lr, $3  }
0x3a: {  	_ = 	snop  }
0x3b: {  	_ = 	snop  }
0x3c: {  	p2 =	seq.s32 s10, $0x1;
	s10 =	sld [smem:$0x3FBA]  }
0x3d: {  	_ =	shalt  }
0x3e: {  	_ =	shalt  }
0x3f: {  	_ =	shalt  }
0x40: {  	_ =	shalt  }
0x41: {  	_ =	shalt  }
0x42: {  	_ =	shalt  }
0x43: {  	_ =	shalt  }
0x44: {  	_ =	shalt  }
0x45: {  	_ =	shalt  }
0x46: {  	_ =	shalt  }
0x47: {  	_ =	shalt  }
0x48: {  	_ =	shalt  }
0x49: {  	_ =	shalt  }
0x4a: {  	_ =	shalt  }
0x4b: {  	_ =	shalt  }
0x4c: {  	_ =	shalt  }
0x4d: {  	_ =	shalt  }
0x4e: {  	_ =	shalt  }
0x4f: {  	_ =	shalt  }
0x50: {  	_ =	shalt  }
0x51: {  	_ =	shalt  }
0x52: {  	_ =	shalt  }
0x53: {  	_ =	shalt  }
0x54: {  	_ =	shalt  }
0x55: {  	_ =	shalt  }
0x56: {  	_ =	shalt  }
0x57: {  	_ =	shalt  }
0x58: {  	_ =	shalt  }
0x59: {  	_ =	shalt  }
0x5a: {  	_ =	shalt  }
0x5b: {  	_ =	shalt  }
0x5c: {  	_ =	shalt  }
0x5d: {  	_ =	shalt  }
0x5e: {  	_ =	shalt  }
0x5f: {  	_ =	shalt  }
0x60: {  	_ =	shalt  }
0x61: {  	_ =	shalt  }
0x62: {  	_ =	shalt  }
0x63: {  	_ =	shalt  }
0x64: {  	_ =	shalt  }
0x65: {  	_ =	shalt  }
0x66: {  	_ =	shalt  }
0x67: {  	_ =	shalt  }
0x68: {  	_ =	shalt  }
0x69: {  	_ =	shalt  }
0x6a: {  	_ =	shalt  }
0x6b: {  	_ =	shalt  }
0x6c: {  	_ =	shalt  }
0x6d: {  	_ =	shalt  }
0x6e: {  	_ =	shalt  }
0x6f: {  	_ =	shalt  }
0x70: {  	_ =	shalt  }
0x71: {  	_ =	shalt  }
0x72: {  	_ =	shalt  }
0x73: {  	_ =	shalt  }
0x74: {  	_ =	shalt  }
0x75: {  	_ =	shalt  }
0x76: {  	_ =	shalt  }
0x77: {  	_ =	shalt  }
0x78: {  	_ =	shalt  }
0x79: {  	_ =	shalt  }
0x7a: {  	_ =	shalt  }
0x7b: {  	_ =	shalt  }
0x7c: {  	_ =	shalt  }
0x7d: {  	_ =	shalt  }
0x7e: {  	_ =	shalt  }
0x7f: {  	_ =	shalt  }
0x80: {  	_ =	shalt  }
0x81: {  	_ =	shalt  }
0x82: {  	_ =	shalt  }
0x83: {  	_ =	shalt  }
0x84: {  	_ =	shalt  }
0x85: {  	_ =	shalt  }
0x86: {  	_ =	shalt  }
0x87: {  	_ =	shalt  }
.Lfunc_end0:
.L_simem_size_0:
called_computation.3_lowered:
.L_overlay_start_0:
0x88: {  	s2 =	sld [smem:$0x3FD9]  }
0x89: {  	s3 =	sld [smem:$0x3FFE];
	_ =	sdelay $0x1  }
0x8a: {  	s1 =	srdreg.scid  }
0x8b: {  	s0 =	sand.u32 $0x1, s1  }
0x8c: {  	s17 =	sshll.u32 s0, $0xA;
	s2 =	sadd.s32 s3, s2  }
0x8d: {  	s2 =	sadd.s32 s2, s17  }
0x8e: {  	[smem:$0x3FC6] =	sst s2  }
0x8f: {  	_ = 	snop  }
0x90: {  	s2 =	sld [smem:$0x3FD0];
	(tm) =	ssettm $0x1  }
0x91: {  	s18 =	sld [smem:$0x3FFB];
	_ =	sdelay $0x3  }
0x92: {  	_ =	strace s18  }
0x93: {  	s3 =	sld [smem:$0x3FFC];
	_ =	sdelay $0x3  }
0x94: {  	_ =	strace s3  }
0x95: {  	s3 =	sld [smem:$0x3FFD];
	_ =	sdelay $0x3  }
0x96: {  	_ =	strace s3  }
0x97: {  	_ =	strace $0x8FFFFFFF  }
0x98: {  	s19 =	sld [smem:$0x3FDB];
	_ =	sdelay $0x1  }
0x99: {  	s4 =	simm.s32 $_scs_section_size  }
0x9a: {  	s5 =	simm.s32 $_size__tile_overlayer_lowered;
	s6 =	simm.s32 $_tile_overlayer_lowered  }
0x9b: {  	s22 =	simm.s32 $0x1BFF;
	s21 =	sshll.u32 s6, $0x1;
	s3 =	sadd.s32 s4, s19  }
0x9c: {  	s7 =	simm.s32 $0x0;
	s20 =	sshll.u32 s5, $0x1;
	s5 =	sadd.s32 s21, s3  }
0x9d: {  	[timem:s7], [sflag:s22] =	dma.local [hbm:s5], s20  }
0x9e: {  	_ =	swait.ge [sflag:s22], s20  }
0x9f: {  	s4 =	ssub.s32 $0x0, s20;
	[sflag:s22] =	ssyncset.done $0x0  }
0xa0: {  	[sflag:s22] =	ssyncadd.s32 s4;
	_ =	sdelay $0x1  }
0xa1: {  	s23 =	simm.s32 $0x1B8B  }
0xa2: {  	_ =	swait.ge [sflag:s23], $0x1  }
0xa3: {  	[sflag:s23] =	ssyncset.done $0x0  }
0xa4: {  	s25 =	simm.s32 $0x1B8E;
	s24 =	sld [smem:$0x3FFE];
	[sflag:s23] =	ssyncadd.s32 $0xFFFFFFFF  }
0xa5: {  	s26 =	simm.s32 $execute0_lowered;
	[smem:$0x3FD2] =	sst s25  }
0xa6: {  	s5 =	sshll.u32 s26, $0x1;
	_ =	strace $0x8000004F;
	[dreg:$0x1] =	wrdreg $0xFFFFFFFF  }
0xa7: {  	s28 =	simm.s32 $_size_execute0_lowered;
	s3 =	sadd.s32 s3, s5;
	[dreg:$0x0] =	wrdreg $0x0  }
0xa8: {  	s5 =	sshll.u32 s28, $0x1;
	[dreg:$0x2] =	wrdreg s3  }
0xa9: {  	[dreg:$0x3] =	wrdreg s5  }
0xaa: {  	[dreg:$0x4] =	wrdreg $0xC0  }
0xab: {  	_ =	task [dreg:s7], $0x5FFFF  }
0xac: {  	[dreg:$0x1] =	wrdreg $0xFFFFFFFF  }
0xad: {  	[dreg:$0x0] =	wrdreg $0x60  }
0xae: {  	[dreg:$0x2] =	wrdreg s2  }
0xaf: {  	[dreg:$0x3] =	wrdreg s24  }
0xb0: {  	[dreg:$0x4] =	wrdreg $0x0  }
0xb1: {  	[dreg:$0x5] =	wrdreg $0x9  }
0xb2: {  	_ =	task.clear_ibuf [dreg:s7], $0x6FFFF;
	_ =	strace $0x9000004F  }
0xb3: {  	s29 =	simm.s32 $0x9;
	_ =	strace $0x80000051  }
0xb4: {  	_ =	swait.ge [sflag:s29], $0x1  }
0xb5: {  	[sflag:s29] =	ssyncadd.s32 $0xFFFFFFFF  }
0xb6: {  	_ =	strace $0x90000051  }
0xb7: {  	_ =	sfence  }
0xb8: {  	s30 =	sld [smem:$0x0];
	_ =	sdelay $0x2  }
0xb9: {  	s31 =	sshll.u32 s1, $0xD;
	s1 =	sshrl.u32 s1, $0x2  }
0xba: {  	s3 =	sand.u32 $0x4000, s31;
	s1 =	sadd.s32 s1, s30  }
0xbb: {  	s0 =	sor.u32 s3, s0;
	s1 =	sshll.u32 s1, $0x11  }
0xbc: {  	s0 =	sor.u32 s1, s0  }
0xbd: {  	s0 =	sadd.s32 $0x8F2B, s0  }
0xbe: {  	[sflag:s0] =	ssyncadd.remote.s32 $0x1  }
0xbf: {  	_ =	sfence.sel $0xFFFF  }
0xc0: {  	[dreg:$0x0] =	wrdreg $0xFFFFFFFF;
	(pc) =	sbr.abs _section_cstart, $3  }
0xc1: {  	[dreg:$0x1] =	wrdreg $0xFFFFFFFF  }
0xc2: {  	_ =	task.clear_ibuf [dreg:s7], $0x2FFFF;
	_ =	strace $0x9FFFFFFF  }
0xc3: {  	(tm) =	ssettm $0x7FFFFFFF  }
tec
execute0_lowered:
.L_overlay_start_1:
0x0: {  	(tag) =	ssettag $0x1  }
0x1: {  	s0 =	srdreg.scid;
	s1 =	rddreg [dreg:$0x0]  }
0x2: {  	s4 =	stileid.u32;
	s6 =	rddreg [dreg:$0x1]  }
0x3: {  	s3 =	rddreg [dreg:$0x2];
	s5 =	simm.s32 $0x0;
	s11 =	simm.s32 $0xB  }
0x4: {  	s13 =	simm.s32 $0x28;
	s14 =	simm.s32 $0x186A0;
	s16 =	simm.s32 $0x19AA0  }
0x5: {  	s18 =	simm.s32 $0x1AEA0;
	s20 =	simm.s32 $0x1C2A0;
	s22 =	simm.s32 $0x1D6A0  }
0x6: {  	s28 =	simm.s32 $0x3;
	s29 =	simm.s32 $0x4;
	s30 =	simm.s32 $0x5  }
0x7: {  	s31 =	simm.s32 $0x6;
	s12 =	simm.s32 $0x9;
	s15 =	simm.s32 $0xA  }
0x8: {  	s21 =	simm.s32 $0x0;
	s0 =	sand.u32 $0x1, s0;
	s8 =	smul.u32 $0x13880, s4  }
0x9: {  	[smem:$0x7FF] =	sst s5;
	s5 =	sadd.s32 $0x3D600, s6;
	s26 =	sshll.u32 s4, $0x6  }
0xa: {  	s2 =	sshll.u32 s0, $0x4;
	s24 =	smul.u32 $0x138800, s0;
	_ =	strace $0x80000050  }
0xb: {  	s0 =	ssub.s32 $0x2, s0;
	s23 =	sor.u32 $0x1C0B, s26;
	s26 =	simm.s32 $0x2  }
0xc: {  	s2 =	sor.u32 s4, s2;
	s9 =	sshrl.u32 s0, $0x1;
	s25 =	sadd.s32 s8, s3  }
0xd: {  	s2 =	smul.u32 $0x4E2, s2;
	s7 =	sadd.s32 s8, s24;
	s0 =	ssub.s32 s0, s9  }
0xe: {  	s24 =	sshrl.u32 s25, $0x3;
	s25 =	simm.s32 $0x1;
	s7 =	sshrl.u32 s7, $0x3  }
0xf: {  	s9 =	smax.u32 s0, $0x1;
	s0 =	simm.s32 $0x8;
	s2 =	sadd.s32 s2, s6  }
0x10: {  	s10 =	sadd.s32 s7, s6;
	s6 =	sadd.s32 $0x2800, s2;
	s7 =	sadd.s32 $0xC600, s2  }
0x11: {  	s8 =	sadd.s32 $0x3FE00, s10;
	s10 =	simm.s32 $0x13880;
	s2 =	simm.s32 $0x7  }
.LBB2_1:
0x12: {  	s4 =	simm.s32 $0x0  }
0x13: {  	[tilespmem:s10], [sflag:$0xB] =	stream.linear.gather [hbm4b:s6+s4], $0x2710, $0x38;
	[tilespmem:$0x1EAA0] =	vst v63  }
0x14: {  	_ =	swait.ge [sflag:s11], $0x2710  }
0x15: {  	[sflag:s11] =	ssyncset.done $0x0  }
0x16: {  	s17 =	simm.s32 $0x15F90;
	[sflag:s11] =	ssyncadd.s32 $0xFFFFD8F0  }
0x17: {  	[tilespmem:s17], [sflag:$0xB] =	stream.linear.gather [hbm4b:s7+s4], $0x2710, $0x38;
	[tilespmem:$0x1EAA0] =	vst v63  }
0x18: {  	_ =	swait.ge [sflag:s11], $0x2710  }
0x19: {  	[sflag:s11] =	ssyncset.done $0x0  }
0x1a: {  	[sflag:s11] =	ssyncadd.s32 $0xFFFFD8F0  }
0x1b: {  	[tilespmem:s14], [sflag:$0x1] =	stream.indirect.gather [hbm4b:s1+s13], $0x80, s10, s13, $0xb8;
	[tilespmem:$0x1EAA0] =	vst v63  }
0x1c: {  	s19 =	simm.s32 $0x138A8  }
0x1d: {  	[tilespmem:s16], [sflag:$0x2] =	stream.indirect.gather [hbm4b:s1+s13], $0x80, s19, s13, $0xb8;
	[tilespmem:$0x1EAA0] =	vst v63  }
0x1e: {  	s17 =	simm.s32 $0x138D0  }
0x1f: {  	[tilespmem:s18], [sflag:$0x3] =	stream.indirect.gather [hbm4b:s1+s13], $0x80, s17, s13, $0xb8;
	[tilespmem:$0x1EAA0] =	vst v63  }
0x20: {  	s19 =	simm.s32 $0x138F8  }
0x21: {  	[tilespmem:s20], [sflag:$0x4] =	stream.indirect.gather [hbm4b:s1+s13], $0x80, s19, s13, $0xb8;
	[tilespmem:$0x1EAA0] =	vst v63  }
0x22: {  	s17 =	simm.s32 $0x13920  }
0x23: {  	[tilespmem:s22], [sflag:$0x5] =	stream.indirect.gather [hbm4b:s1+s13], $0x80, s17, s13, $0xb8;
	[tilespmem:$0x1EAA0] =	vst v63  }
0x24: {  	[spmem:s24], [sflag:s23] =	dma.local [hbm:s5], $0x2710  }
0x25: {  	_ =	swait.ge [sflag:s11], $0x2710  }
0x26: {  	[sflag:s11] =	ssyncset.done $0x0  }
0x27: {  	[sflag:s11] =	ssyncadd.s32 $0xFFFFD8F0  }
0x28: {  	[bflag:$0x0] =	sbarrier.arrive $0xFFFF  }
0x29: {  	_ =	swait.ge [sflag:s25], $0x1400  }
0x2a: {  	[sflag:s25] =	ssyncset.done $0x0  }
0x2b: {  	s19 =	simm.s32 $0x15F90;
	[sflag:s25] =	ssyncadd.s32 $0xFFFFEC00  }
0x2c: {  	[spmem:s3] =	stream.indirect.scatter.add.f32 [tilespmem:s14], [sflag:$0x6], $0x80, s19, s13, $0xb8;
	[tilespmem:$0x1EAA0] =	vst v63  }
0x2d: {  	_ =	swait.ge [sflag:s26], $0x1400  }
0x2e: {  	[sflag:s26] =	ssyncset.done $0x0  }
0x2f: {  	s4 =	simm.s32 $0x15FB8;
	[sflag:s26] =	ssyncadd.s32 $0xFFFFEC00  }
0x30: {  	[spmem:s3] =	stream.indirect.scatter.add.f32 [tilespmem:s16], [sflag:$0x7], $0x80, s4, s13, $0xb8;
	[tilespmem:$0x1EAA0] =	vst v63  }
0x31: {  	_ =	swait.ge [sflag:s28], $0x1400  }
0x32: {  	[sflag:s28] =	ssyncset.done $0x0  }
0x33: {  	s19 =	simm.s32 $0x15FE0;
	[sflag:s28] =	ssyncadd.s32 $0xFFFFEC00  }
0x34: {  	[spmem:s3] =	stream.indirect.scatter.add.f32 [tilespmem:s18], [sflag:$0x8], $0x80, s19, s13, $0xb8;
	[tilespmem:$0x1EAA0] =	vst v63  }
0x35: {  	_ =	swait.ge [sflag:s29], $0x1400  }
0x36: {  	[sflag:s29] =	ssyncset.done $0x0  }
0x37: {  	s4 =	simm.s32 $0x16008;
	[sflag:s29] =	ssyncadd.s32 $0xFFFFEC00  }
0x38: {  	[spmem:s3] =	stream.indirect.scatter.add.f32 [tilespmem:s20], [sflag:$0x9], $0x80, s4, s13, $0xb8;
	[tilespmem:$0x1EAA0] =	vst v63  }
0x39: {  	_ =	swait.ge [sflag:s30], $0x1400  }
0x3a: {  	[sflag:s30] =	ssyncset.done $0x0  }
0x3b: {  	s19 =	simm.s32 $0x16030;
	[sflag:s30] =	ssyncadd.s32 $0xFFFFEC00  }
0x3c: {  	[spmem:s3] =	stream.indirect.scatter.add.f32 [tilespmem:s22], [sflag:$0xA], $0x80, s19, s13, $0xb8;
	[tilespmem:$0x1EAA0] =	vst v63  }
0x3d: {  	_ =	swait.ge [sflag:s31], $0x1400  }
0x3e: {  	[sflag:s31] =	ssyncset.done $0x0  }
0x3f: {  	s4 =	simm.s32 $0x13948;
	[sflag:s31] =	ssyncadd.s32 $0xFFFFEC00  }
0x40: {  	[tilespmem:s14], [sflag:$0x1] =	stream.indirect.gather [hbm4b:s1+s13], $0x80, s4, s13, $0xb8;
	[tilespmem:$0x1EAA0] =	vst v63  }
0x41: {  	_ =	swait.ge [sflag:s2], $0x1400  }
0x42: {  	[sflag:s2] =	ssyncset.done $0x0  }
0x43: {  	s19 =	simm.s32 $0x13970;
	[sflag:s2] =	ssyncadd.s32 $0xFFFFEC00  }
0x44: {  	[tilespmem:s16], [sflag:$0x2] =	stream.indirect.gather [hbm4b:s1+s13], $0x80, s19, s13, $0xb8;
	[tilespmem:$0x1EAA0] =	vst v63  }
0x45: {  	_ =	swait.ge [sflag:s0], $0x1400  }
0x46: {  	[sflag:s0] =	ssyncset.done $0x0  }
0x47: {  	s4 =	simm.s32 $0x13998;
	[sflag:s0] =	ssyncadd.s32 $0xFFFFEC00  }
0x48: {  	[tilespmem:s18], [sflag:$0x3] =	stream.indirect.gather [hbm4b:s1+s13], $0x80, s4, s13, $0xb8;
	[tilespmem:$0x1EAA0] =	vst v63  }
0x49: {  	_ =	swait.ge [sflag:s12], $0x1400  }
0x4a: {  	[sflag:s12] =	ssyncset.done $0x0  }
0x4b: {  	s19 =	simm.s32 $0x139C0;
	[sflag:s12] =	ssyncadd.s32 $0xFFFFEC00  }
0x4c: {  	[tilespmem:s20], [sflag:$0x4] =	stream.indirect.gather [hbm4b:s1+s13], $0x80, s19, s13, $0xb8;
	[tilespmem:$0x1EAA0] =	vst v63  }
0x4d: {  	_ =	swait.ge [sflag:s15], $0x1400  }
0x4e: {  	[sflag:s15] =	ssyncset.done $0x0  }
0x4f: {  	s17 =	simm.s32 $0x320;
	s19 =	simm.s32 $0x139E8;
	[sflag:s15] =	ssyncadd.s32 $0xFFFFEC00  }
.LBB2_2:
0x50: {  	[tilespmem:s22], [sflag:$0x5] =	stream.indirect.gather [hbm4b:s1+s13], $0x80, s19, s13, $0xb8;
	[tilespmem:$0x1EAA0] =	vst v63  }
0x51: {  	s19 =	smov.u32 s17  }
0x52: {  	p0 =	sne.s32 s17, $0x9600;
	s17 =	sadd.s32 $0x320, s17;
	_ =	swait.ge [sflag:s25], $0x1400  }
0x53: {  	s19 =	sshra.s32 s19, $0x2;
	[sflag:s25] =	ssyncset.done $0x0  }
0x54: {  	s4 =	sadd.s32 $0x15F90, s19;
	[sflag:s25] =	ssyncadd.s32 $0xFFFFEC00  }
0x55: {  	[spmem:s3] =	stream.indirect.scatter.add.f32 [tilespmem:s14], [sflag:$0x6], $0x80, s4, s13, $0xb8;
	[tilespmem:$0x1EAA0] =	vst v63  }
0x56: {  	_ =	swait.ge [sflag:s26], $0x1400  }
0x57: {  	[sflag:s26] =	ssyncset.done $0x0  }
0x58: {  	s4 =	sadd.s32 $0x15FB8, s19;
	[sflag:s26] =	ssyncadd.s32 $0xFFFFEC00  }
0x59: {  	[spmem:s3] =	stream.indirect.scatter.add.f32 [tilespmem:s16], [sflag:$0x7], $0x80, s4, s13, $0xb8;
	[tilespmem:$0x1EAA0] =	vst v63  }
0x5a: {  	_ =	swait.ge [sflag:s28], $0x1400  }
0x5b: {  	[sflag:s28] =	ssyncset.done $0x0  }
0x5c: {  	s4 =	sadd.s32 $0x15FE0, s19;
	[sflag:s28] =	ssyncadd.s32 $0xFFFFEC00  }
0x5d: {  	[spmem:s3] =	stream.indirect.scatter.add.f32 [tilespmem:s18], [sflag:$0x8], $0x80, s4, s13, $0xb8;
	[tilespmem:$0x1EAA0] =	vst v63  }
0x5e: {  	_ =	swait.ge [sflag:s29], $0x1400  }
0x5f: {  	[sflag:s29] =	ssyncset.done $0x0  }
0x60: {  	s4 =	sadd.s32 $0x16008, s19;
	[sflag:s29] =	ssyncadd.s32 $0xFFFFEC00  }
0x61: {  	[spmem:s3] =	stream.indirect.scatter.add.f32 [tilespmem:s20], [sflag:$0x9], $0x80, s4, s13, $0xb8;
	[tilespmem:$0x1EAA0] =	vst v63  }
0x62: {  	_ =	swait.ge [sflag:s30], $0x1400  }
0x63: {  	[sflag:s30] =	ssyncset.done $0x0  }
0x64: {  	s4 =	sadd.s32 $0x16030, s19;
	[sflag:s30] =	ssyncadd.s32 $0xFFFFEC00  }
0x65: {  	[spmem:s3] =	stream.indirect.scatter.add.f32 [tilespmem:s22], [sflag:$0xA], $0x80, s4, s13, $0xb8;
	[tilespmem:$0x1EAA0] =	vst v63  }
0x66: {  	_ =	swait.ge [sflag:s31], $0x1400  }
0x67: {  	[sflag:s31] =	ssyncset.done $0x0  }
0x68: {  	s4 =	sadd.s32 $0x13948, s19;
	[sflag:s31] =	ssyncadd.s32 $0xFFFFEC00  }
0x69: {  	[tilespmem:s14], [sflag:$0x1] =	stream.indirect.gather [hbm4b:s1+s13], $0x80, s4, s13, $0xb8;
	[tilespmem:$0x1EAA0] =	vst v63  }
0x6a: {  	_ =	swait.ge [sflag:s2], $0x1400  }
0x6b: {  	[sflag:s2] =	ssyncset.done $0x0  }
0x6c: {  	s4 =	sadd.s32 $0x13970, s19;
	[sflag:s2] =	ssyncadd.s32 $0xFFFFEC00  }
0x6d: {  	[tilespmem:s16], [sflag:$0x2] =	stream.indirect.gather [hbm4b:s1+s13], $0x80, s4, s13, $0xb8;
	[tilespmem:$0x1EAA0] =	vst v63  }
0x6e: {  	_ =	swait.ge [sflag:s0], $0x1400  }
0x6f: {  	[sflag:s0] =	ssyncset.done $0x0  }
0x70: {  	s4 =	sadd.s32 $0x13998, s19;
	[sflag:s0] =	ssyncadd.s32 $0xFFFFEC00  }
0x71: {  	[tilespmem:s18], [sflag:$0x3] =	stream.indirect.gather [hbm4b:s1+s13], $0x80, s4, s13, $0xb8;
	[tilespmem:$0x1EAA0] =	vst v63  }
0x72: {  	_ =	swait.ge [sflag:s12], $0x1400  }
0x73: {  	[sflag:s12] =	ssyncset.done $0x0  }
.Ltmp0:
0x74: {  	s4 =	sadd.s32 $0x139C0, s19;
	[sflag:s12] =	ssyncadd.s32 $0xFFFFEC00;
	(pc) =	sbr.rel @p0 .LBB2_2-.Ltmp0, $4  }
0x75: {  	[tilespmem:s20], [sflag:$0x4] =	stream.indirect.gather [hbm4b:s1+s13], $0x80, s4, s13, $0xb8;
	[tilespmem:$0x1EAA0] =	vst v63  }
0x76: {  	_ =	swait.ge [sflag:s15], $0x1400  }
0x77: {  	[sflag:s15] =	ssyncset.done $0x0  }
0x78: {  	s19 =	sadd.s32 $0x139E8, s19;
	[sflag:s15] =	ssyncadd.s32 $0xFFFFEC00  }
0x79: {  	[tilespmem:s22], [sflag:$0x5] =	stream.indirect.gather [hbm4b:s1+s13], $0x80, s19, s13, $0xb8;
	[tilespmem:$0x1EAA0] =	vst v63  }
0x7a: {  	_ =	swait.ge [sflag:s25], $0x1400  }
0x7b: {  	[sflag:s25] =	ssyncset.done $0x0  }
0x7c: {  	s4 =	simm.s32 $0x185D8;
	[sflag:s25] =	ssyncadd.s32 $0xFFFFEC00  }
0x7d: {  	[spmem:s3] =	stream.indirect.scatter.add.f32 [tilespmem:s14], [sflag:$0x6], $0x80, s4, s13, $0xb8;
	[tilespmem:$0x1EAA0] =	vst v63  }
0x7e: {  	_ =	swait.ge [sflag:s26], $0x1400  }
0x7f: {  	[sflag:s26] =	ssyncset.done $0x0  }
0x80: {  	s17 =	simm.s32 $0x18600;
	[sflag:s26] =	ssyncadd.s32 $0xFFFFEC00  }
0x81: {  	[spmem:s3] =	stream.indirect.scatter.add.f32 [tilespmem:s16], [sflag:$0x7], $0x80, s17, s13, $0xb8;
	[tilespmem:$0x1EAA0] =	vst v63  }
0x82: {  	_ =	swait.ge [sflag:s28], $0x1400  }
0x83: {  	[sflag:s28] =	ssyncset.done $0x0  }
0x84: {  	s19 =	simm.s32 $0x18628;
	[sflag:s28] =	ssyncadd.s32 $0xFFFFEC00  }
0x85: {  	[spmem:s3] =	stream.indirect.scatter.add.f32 [tilespmem:s18], [sflag:$0x8], $0x80, s19, s13, $0xb8;
	[tilespmem:$0x1EAA0] =	vst v63  }
0x86: {  	_ =	swait.ge [sflag:s29], $0x1400  }
0x87: {  	[sflag:s29] =	ssyncset.done $0x0  }
0x88: {  	s17 =	simm.s32 $0x18650;
	[sflag:s29] =	ssyncadd.s32 $0xFFFFEC00  }
0x89: {  	[spmem:s3] =	stream.indirect.scatter.add.f32 [tilespmem:s20], [sflag:$0x9], $0x80, s17, s13, $0xb8;
	[tilespmem:$0x1EAA0] =	vst v63  }
0x8a: {  	_ =	swait.ge [sflag:s30], $0x1400  }
0x8b: {  	[sflag:s30] =	ssyncset.done $0x0  }
0x8c: {  	s19 =	simm.s32 $0x18678;
	[sflag:s30] =	ssyncadd.s32 $0xFFFFEC00  }
0x8d: {  	[spmem:s3] =	stream.indirect.scatter.add.f32 [tilespmem:s22], [sflag:$0xA], $0x80, s19, s13, $0xb8;
	[tilespmem:$0x1EAA0] =	vst v63  }
0x8e: {  	_ =	swait.ge [sflag:s31], $0x1400  }
0x8f: {  	[sflag:s31] =	ssyncset.done $0x0  }
0x90: {  	[sflag:s31] =	ssyncadd.s32 $0xFFFFEC00  }
0x91: {  	_ =	swait.ge [sflag:s2], $0x1400  }
0x92: {  	[sflag:s2] =	ssyncset.done $0x0  }
0x93: {  	[sflag:s2] =	ssyncadd.s32 $0xFFFFEC00  }
0x94: {  	_ =	swait.ge [sflag:s0], $0x1400  }
0x95: {  	[sflag:s0] =	ssyncset.done $0x0  }
0x96: {  	[sflag:s0] =	ssyncadd.s32 $0xFFFFEC00  }
0x97: {  	_ =	swait.ge [sflag:s12], $0x1400  }
0x98: {  	[sflag:s12] =	ssyncset.done $0x0  }
0x99: {  	[sflag:s12] =	ssyncadd.s32 $0xFFFFEC00  }
0x9a: {  	_ =	swait.ge [sflag:s15], $0x1400  }
0x9b: {  	s21 =	sadd.s32 $0x1, s21;
	[sflag:s15] =	ssyncset.done $0x0  }
0x9c: {  	p0 =	sne.s32 s21, s9;
	[sflag:s15] =	ssyncadd.s32 $0xFFFFEC00  }
.Ltmp1:
0x9d: {  	[bflag:$0x0] =	sbarrier.arrive $0xFFFF;
	(pc) =	sbr.rel @p0 .LBB2_1-.Ltmp1, $4  }
0x9e: {  	[hbm:s8], [sflag:s23] =	dma.local [spmem:s24], $0x2710  }
0x9f: {  	_ =	swait.ge [sflag:s11], $0x2710  }
0xa0: {  	[sflag:s11] =	ssyncset.done $0x0  }
0xa1: {  	[sflag:s11] =	ssyncadd.s32 $0xFFFFD8F0  }
0xa2: {  	_ =	sfence.sel $0x180000  }
0xa3: {  	[bflag:$0x0] =	sbarrier.arrive $0xFFFF  }
0xa4: {  	_ =	strace $0x90000050  }
0xa5: {  	s0 =	stileid.u32;
	[bflag:$0x2] =	sbarrier.arrive $0xFFFF  }
0xa6: {  	p0 =	sne.s32 s0, $0x0;
	s0 =	rddreg [dreg:$0x3]  }
0xa7: {  	s0 =	sadd.s32 @!p0 $0x100000, s0  }
0xa8: {  	[sflag:s0] =	ssyncadd.tile.s32 @!p0 $0x1;
	_ =	shalt  }
.Lfunc_end2:
_tile_overlayer_lowered:
.L_overlay_start_2:
0xa9: {  	(tag) =	ssettag $0x2  }
0xaa: {  	s0 =	rddreg [dreg:$0x0];
	s2 =	stileid.u32  }
0xab: {  	s1 =	rddreg [dreg:$0x1];
	p0 =	sne.s32 s2, $0x0  }
0xac: {  	s3 =	rddreg [dreg:$0x2];
	[bflag:$0x3] =	sbarrier.arrive $0xFFFF;
	s2 =	simm.s32 @!p0 $0x1C0B  }
0xad: {  	[timem:s3], [sflag:s2] =	dma.local @!p0 [hbm:s0], s1  }
0xae: {  	s0 =	simm.s32 @!p0 $0xB  }
0xaf: {  	_ =	swait.ge @!p0 [sflag:s0], s1  }
0xb0: {  	s1 =	ssub.s32 @!p0 $0x0, s1;
	[sflag:s0] =	ssyncset.done @!p0 $0x0  }
0xb1: {  	[sflag:s0] =	ssyncadd.s32 @!p0 s1  }
0xb2: {  	[bflag:$0x3] =	sbarrier.arrive $0xFFFF  }
0xb3: {  	_ =	shalt  }

</sc_bundles>
